<compile_context>
chip_gen: v7x
topology: tpu7x:2x2x1
jax: 0.10.2.dev20260603
libtpu: 0.0.44.dev20260713+nightly
codegen_flags: <defaults>
</compile_context>

<pallas_src>
import jax
import jax.numpy as jnp
from jax import lax
from jax.experimental import pallas as pl
from jax.experimental.pallas import tpu as pltpu
from jax.experimental.pallas import tpu_sc as plsc

_N = 10000
_E = 320000
_F = 16
_B = 125
_NC = 2
_NS = 16
_NW = _NC * _NS
_NB = _E // _B
_BW = _NB // _NW
_DPT = 640
_ND = _DPT * _NS
_REM = _N - (_NS - 1) * _DPT

_mesh = plsc.VectorSubcoreMesh(
    core_axis_name="c", subcore_axis_name="s", num_cores=_NC, num_subcores=_NS
)
_sc_params = pltpu.CompilerParams(use_tc_tiling_on_sc=False)


def _zero_fill(ref, nrows):
    def _f(i, _):
        ref[i] = jnp.zeros((16,), jnp.float32)
        return 0

    lax.fori_loop(0, nrows, _f, 0, unroll=8)


def _stage_real_rows(src_hbm, dst, s, local=False):
    def _dst(size):
        return dst.at[pl.ds(0, size)] if local else dst.at[
            pl.ds(s * _DPT, size)]

    @pl.when(s < _NS - 1)
    def _():
        pltpu.sync_copy(src_hbm.at[pl.ds(s * _DPT, _DPT)], _dst(_DPT))

    @pl.when(s == _NS - 1)
    def _():
        pltpu.sync_copy(
            src_hbm.at[pl.ds((_NS - 1) * _DPT, _REM)], _dst(_REM)
        )


def _edge_loop(g_sp, acc_sp, src_v, dst_v, rows_v, gsem, ssem):
    pltpu.async_copy(g_sp.at[src_v.at[0]], rows_v.at[0], gsem)

    def _pair(o, _):
        j0 = 2 * o
        pltpu.make_async_copy(g_sp.at[src_v.at[j0]], rows_v.at[0], gsem).wait()
        pltpu.async_copy(g_sp.at[src_v.at[j0 + 1]], rows_v.at[1], gsem)
        pltpu.async_copy(rows_v.at[0], acc_sp.at[dst_v.at[j0]], ssem,
                         add=True).wait()
        pltpu.make_async_copy(
            g_sp.at[src_v.at[j0 + 1]], rows_v.at[1], gsem
        ).wait()
        pltpu.async_copy(g_sp.at[src_v.at[j0 + 2]], rows_v.at[0], gsem)
        pltpu.async_copy(rows_v.at[1], acc_sp.at[dst_v.at[j0 + 1]], ssem,
                         add=True).wait()
        return 0

    lax.fori_loop(0, _BW // 2 - 1, _pair, 0)
    pltpu.make_async_copy(
        g_sp.at[src_v.at[_BW - 2]], rows_v.at[0], gsem
    ).wait()
    pltpu.async_copy(g_sp.at[src_v.at[_BW - 1]], rows_v.at[1], gsem)
    pltpu.async_copy(rows_v.at[0], acc_sp.at[dst_v.at[_BW - 2]], ssem,
                     add=True).wait()
    pltpu.make_async_copy(
        g_sp.at[src_v.at[_BW - 1]], rows_v.at[1], gsem
    ).wait()
    pltpu.async_copy(rows_v.at[1], acc_sp.at[dst_v.at[_BW - 1]], ssem,
                     add=True).wait()


def _deg_body(dst_hbm, deg_hbm, dst_v, ones_v, z_v, deg_sp, sem):
    c = lax.axis_index("c")
    s = lax.axis_index("s")
    w = s * _NC + c

    def _fill_zero(i, _):
        z_v[pl.ds(i * 16, 16)] = jnp.zeros((16,), jnp.float32)
        return 0

    lax.fori_loop(0, _DPT // 16, _fill_zero, 0, unroll=8)

    def _fill_one(i, _):
        ones_v[pl.ds(i * 16, 16)] = jnp.ones((16,), jnp.float32)
        return 0

    lax.fori_loop(0, 128 // 16, _fill_one, 0, unroll=8)

    pltpu.sync_copy(z_v, deg_sp.at[pl.ds(s * _DPT, _DPT)])
    pltpu.sync_copy(dst_hbm.at[pl.ds(w * _BW, _BW)], dst_v)
    plsc.subcore_barrier()

    def _batch8(o, _):
        descs = [
            pltpu.async_copy(
                ones_v.at[pl.ds(0, _B)], deg_sp.at[dst_v.at[o * 8 + k]],
                sem, add=True,
            )
            for k in range(8)
        ]
        for d in descs:
            d.wait()
        return 0

    lax.fori_loop(0, _BW // 8, _batch8, 0)
    plsc.subcore_barrier()
    pltpu.sync_copy(
        deg_sp.at[pl.ds(s * _DPT, _DPT)],
        deg_hbm.at[pl.ds(c * _ND + s * _DPT, _DPT)],
    )


_deg_call = pl.kernel(
    _deg_body,
    out_type=jax.ShapeDtypeStruct((_NC * _ND,), jnp.float32),
    mesh=_mesh,
    scratch_types=[
        pltpu.VMEM((_BW, _B), jnp.int32),
        pltpu.VMEM((128,), jnp.float32),
        pltpu.VMEM((_DPT,), jnp.float32),
        pltpu.VMEM_SHARED((_ND,), jnp.float32),
        pltpu.SemaphoreType.DMA,
    ],
    compiler_params=_sc_params,
)


def _agg1_body(g_hbm, src_hbm, dst_hbm, out_hbm, src_v, dst_v, rows_v, zr_v,
               g_sp, acc_sp, gsem, ssem):
    c = lax.axis_index("c")
    s = lax.axis_index("s")
    w = s * _NC + c

    _zero_fill(zr_v, _DPT)
    pltpu.sync_copy(zr_v, acc_sp.at[pl.ds(s * _DPT, _DPT)])
    pltpu.sync_copy(src_hbm.at[pl.ds(w * _BW, _BW)], src_v)
    pltpu.sync_copy(dst_hbm.at[pl.ds(w * _BW, _BW)], dst_v)
    _stage_real_rows(g_hbm, g_sp, s)
    plsc.subcore_barrier()
    _edge_loop(g_sp, acc_sp, src_v, dst_v, rows_v, gsem, ssem)
    plsc.subcore_barrier()
    pltpu.sync_copy(
        acc_sp.at[pl.ds(s * _DPT, _DPT)], out_hbm.at[c, pl.ds(s * _DPT, _DPT)]
    )


_agg1_call = pl.kernel(
    _agg1_body,
    out_type=jax.ShapeDtypeStruct((_NC, _ND, _F), jnp.float32),
    mesh=_mesh,
    scratch_types=[
        pltpu.VMEM((_BW, _B), jnp.int32),
        pltpu.VMEM((_BW, _B), jnp.int32),
        pltpu.VMEM((2, _B, _F), jnp.float32),
        pltpu.VMEM((_DPT, _F), jnp.float32),
        pltpu.VMEM_SHARED((_ND, _F), jnp.float32),
        pltpu.VMEM_SHARED((_ND, _F), jnp.float32),
        pltpu.SemaphoreType.DMA,
        pltpu.SemaphoreType.DMA,
    ],
    compiler_params=_sc_params,
)


def _agg2_body(s1_hbm, g1_hbm, disb_hbm, b1_hbm, src_hbm, dst_hbm,
               out_hbm, g2_hbm,
               src_v, dst_v, rows_v, st0_v, st1_v, g1_v, db_v, g2_v, b1_v,
               g_sp, acc_sp, gsem, ssem):
    c = lax.axis_index("c")
    s = lax.axis_index("s")
    w = s * _NC + c

    _zero_fill(g2_v, _DPT)
    pltpu.sync_copy(g2_v, acc_sp.at[pl.ds(s * _DPT, _DPT)])
    pltpu.sync_copy(src_hbm.at[pl.ds(w * _BW, _BW)], src_v)
    pltpu.sync_copy(dst_hbm.at[pl.ds(w * _BW, _BW)], dst_v)
    pltpu.sync_copy(s1_hbm.at[0, pl.ds(s * _DPT, _DPT)], st0_v)
    pltpu.sync_copy(s1_hbm.at[1, pl.ds(s * _DPT, _DPT)], st1_v)
    _stage_real_rows(g1_hbm, g1_v, s, local=True)
    _stage_real_rows(disb_hbm, db_v, s, local=True)
    pltpu.sync_copy(b1_hbm, b1_v)

    b1vec = b1_v[...]

    def _g2row(r, _):
        d = db_v[r]
        g2_v[r] = (d * (st0_v[r] + st1_v[r] + g1_v[r]) + b1vec) * d
        return 0

    lax.fori_loop(0, _DPT, _g2row, 0, unroll=8)
    pltpu.sync_copy(g2_v, g_sp.at[pl.ds(s * _DPT, _DPT)])
    pltpu.sync_copy(g2_v, g2_hbm.at[pl.ds(s * _DPT, _DPT)])
    plsc.subcore_barrier()
    _edge_loop(g_sp, acc_sp, src_v, dst_v, rows_v, gsem, ssem)
    plsc.subcore_barrier()
    pltpu.sync_copy(
        acc_sp.at[pl.ds(s * _DPT, _DPT)], out_hbm.at[c, pl.ds(s * _DPT, _DPT)]
    )


_agg2_call = pl.kernel(
    _agg2_body,
    out_type=(
        jax.ShapeDtypeStruct((_NC, _ND, _F), jnp.float32),
        jax.ShapeDtypeStruct((_ND, _F), jnp.float32),
    ),
    mesh=_mesh,
    scratch_types=[
        pltpu.VMEM((_BW, _B), jnp.int32),
        pltpu.VMEM((_BW, _B), jnp.int32),
        pltpu.VMEM((2, _B, _F), jnp.float32),
        pltpu.VMEM((_DPT, _F), jnp.float32),
        pltpu.VMEM((_DPT, _F), jnp.float32),
        pltpu.VMEM((_DPT, _F), jnp.float32),
        pltpu.VMEM((_DPT, _F), jnp.float32),
        pltpu.VMEM((_DPT, _F), jnp.float32),
        pltpu.VMEM((_F,), jnp.float32),
        pltpu.VMEM_SHARED((_ND, _F), jnp.float32),
        pltpu.VMEM_SHARED((_ND, _F), jnp.float32),
        pltpu.SemaphoreType.DMA,
        pltpu.SemaphoreType.DMA,
    ],
    compiler_params=_sc_params,
)


def _dis_from(deg_ref):
    d = deg_ref[...]
    deg = d[:_N] + d[_ND : _ND + _N] + 1.0
    return lax.rsqrt(deg)[:, None]


def _tc1_body(x_ref, w_ref, deg_ref, g1_ref, disb_ref):
    dis = _dis_from(deg_ref)
    h = jnp.dot(x_ref[...], w_ref[...], preferred_element_type=jnp.float32)
    g1_ref[...] = h * dis
    disb_ref[...] = jnp.broadcast_to(dis, (_N, _F))


_tc1 = pl.pallas_call(
    _tc1_body,
    out_shape=(
        jax.ShapeDtypeStruct((_N, _F), jnp.float32),
        jax.ShapeDtypeStruct((_N, _F), jnp.float32),
    ),
)


def _tc3_body(s2_ref, g2_ref, deg_ref, w2_ref, b2_ref, out_ref):
    dis = _dis_from(deg_ref)
    z = dis * (s2_ref[0, :_N] + s2_ref[1, :_N] + g2_ref[:_N])
    out_ref[...] = (
        jnp.dot(z, w2_ref[...], preferred_element_type=jnp.float32)
        + b2_ref[...][None, :]
    )


_tc3 = pl.pallas_call(
    _tc3_body,
    out_shape=jax.ShapeDtypeStruct((_N, 40), jnp.float32),
)


def kernel(x, edge_index, W1, b1, W2, b2):
    src = edge_index[0].reshape(_NB, _B)
    dst = edge_index[1].reshape(_NB, _B)
    deg2 = _deg_call(dst)
    g1, disb = _tc1(x, W1, deg2)
    s1 = _agg1_call(g1, src, dst)
    s2, g2 = _agg2_call(s1, g1, disb, b1, src, dst)
    return _tc3(s2, g2, deg2, W2, b2)

# --- scband reference (transcript-rebuilt; emitter-appended) ---
"""Pipeline reference for scband-gcn-24541443130055 (READ-ONLY COPY).

The authoritative reference and input builder live on the scoring server;
editing this copy changes nothing except your own understanding.
"""

import jax, jax.numpy as jnp
import numpy as np

N = 10000
E = 320000
F_IN = 128
H = 16
C = 40


def setup_inputs(seed: int = 0) -> dict:
    key = jax.random.key(seed)
    k1, k2, k3, k4 = jax.random.split(key, 4)
    x = jax.random.normal(k1, (N, F_IN), dtype=jnp.float32)
    edge_index = jax.random.randint(k2, (2, E), 0, N, dtype=jnp.int32)
    # GCNConv layer 1: F_IN -> H (glorot-like init, zero bias as in PyG default)
    W1 = jax.random.normal(k3, (F_IN, H), dtype=jnp.float32) * (1.0 / np.sqrt(F_IN))
    b1 = jnp.zeros((H,), dtype=jnp.float32)
    # GCNConv layer 2: H -> C
    W2 = jax.random.normal(k4, (H, C), dtype=jnp.float32) * (1.0 / np.sqrt(H))
    b2 = jnp.zeros((C,), dtype=jnp.float32)
    return {"x": x, "edge_index": edge_index, "W1": W1, "b1": b1, "W2": W2, "b2": b2}


def _gcn_layer(x, src, dst, W, b):
    # x' = D^{-1/2} (A + I) D^{-1/2} X W + b  (self-loops already appended to src/dst)
    h = x @ W
    deg = jnp.zeros((N,), dtype=x.dtype).at[dst].add(1.0)
    deg_inv_sqrt = jnp.where(deg > 0, jax.lax.rsqrt(jnp.maximum(deg, 1e-12)), 0.0)
    norm = deg_inv_sqrt[src] * deg_inv_sqrt[dst]
    msg = h[src] * norm[:, None]
    out = jnp.zeros((N, h.shape[1]), dtype=x.dtype).at[dst].add(msg)
    return out + b


def reference(x, edge_index, W1, b1, W2, b2):
    loops = jnp.arange(N, dtype=edge_index.dtype)
    src = jnp.concatenate([edge_index[0], loops])
    dst = jnp.concatenate([edge_index[1], loops])
    x = _gcn_layer(x, src, dst, W1, b1)
    x = _gcn_layer(x, src, dst, W2, b2)
    return x

if __name__ == "__main__":
    import jax
    _d = setup_inputs()
    print(jax.jit(kernel)(*tuple(_d.values())))

</pallas_src>

<mosaic_0001>
#map = affine_map<(d0, d1) -> (0, 0)>
#map1 = affine_map<(d0, d1) -> (0, 0, 0)>
module attributes {stable_mosaic.version = 14 : i64} {
  func.func @_agg1_body(%arg0: i32, %arg1: i32, %arg2: memref<10000x16xf32, #tpu.memory_space<hbm>>, %arg3: memref<2560x125xi32, #tpu.memory_space<hbm>>, %arg4: memref<2560x125xi32, #tpu.memory_space<hbm>>, %arg5: memref<2x10240x16xf32, #tpu.memory_space<hbm>>, %arg6: memref<80x125xi32, #tpu.memory_space<vmem>>, %arg7: memref<80x125xi32, #tpu.memory_space<vmem>>, %arg8: memref<2x125x16xf32, #tpu.memory_space<vmem>>, %arg9: memref<640x16xf32, #tpu.memory_space<vmem>>, %arg10: memref<10240x16xf32, #tpu.memory_space<vmem_shared>>, %arg11: memref<10240x16xf32, #tpu.memory_space<vmem_shared>>, %arg12: memref<!tpu.dma_semaphore, #tpu.memory_space<semaphore_mem>>, %arg13: memref<!tpu.dma_semaphore, #tpu.memory_space<semaphore_mem>>) attributes {dimension_semantics = [#tpu.dimension_semantics<core_parallel>, #tpu.dimension_semantics<subcore_parallel>], iteration_bounds = array<i64: 2, 16>, scalar_prefetch = 0 : i64, scratch_operands = 8 : i64, tpu.core_type = #tpu.core_type<sc_vector_subcore>, window_params = [{transform_indices = #map}, {transform_indices = #map}, {transform_indices = #map}, {transform_indices = #map1}]} {
    %mul3A = arith.constant 2 : i32
    %mul3A_0 = arith.muli %arg1, %mul3A : i32
    %add3A = arith.addi %mul3A_0, %arg0 : i32
    %scan3A = arith.constant 0 : i32
    %scan3A_1 = arith.constant 0 : i32
    %scan3A_2 = arith.constant 640 : i32
    %scan3A_3 = arith.addi %scan3A_1, %scan3A_2 : i32
    %scan3A_4 = arith.constant 8 : i32
    %scan3A_5 = scf.for %scan3A_125 = %scan3A_1 to %scan3A_3 step %scan3A_4 iter_args(%scan3A_126 = %scan3A) -> (i32)  : i32 {
      %broadcast_in_dim3A = arith.constant 0.000000e+00 : f32
      %broadcast_in_dim3A_127 = vector.broadcast %broadcast_in_dim3A : f32 to vector<16xf32>
      %swap3A = arith.index_cast %scan3A_125 : i32 to index
      %swap3A_128 = arith.constant 0 : index
      %swap3A_129 = tpu.vector_load %arg9[%swap3A, %swap3A_128] {strides = array<i32>} : memref<640x16xf32, #tpu.memory_space<vmem>>, vector<1x16xf32>,
      %swap3A_130 = vector.shape_cast %swap3A_129 : vector<1x16xf32> to vector<16xf32>
      %swap3A_131 = vector.shape_cast %broadcast_in_dim3A_127 : vector<16xf32> to vector<1x16xf32>
      tpu.vector_store %arg9[%swap3A, %swap3A_128], %swap3A_131 {strides = array<i32>} : memref<640x16xf32, #tpu.memory_space<vmem>>, vector<1x16xf32>,
      %scan3A_132 = arith.constant 0 : i32
      %scan3A_133 = arith.constant 1 : i32
      %scan3A_134 = arith.addi %scan3A_125, %scan3A_133 : i32
      %broadcast_in_dim3A_135 = arith.constant 0.000000e+00 : f32
      %broadcast_in_dim3A_136 = vector.broadcast %broadcast_in_dim3A_135 : f32 to vector<16xf32>
      %swap3A_137 = arith.index_cast %scan3A_134 : i32 to index
      %swap3A_138 = arith.constant 0 : index
      %swap3A_139 = tpu.vector_load %arg9[%swap3A_137, %swap3A_138] {strides = array<i32>} : memref<640x16xf32, #tpu.memory_space<vmem>>, vector<1x16xf32>,
      %swap3A_140 = vector.shape_cast %swap3A_139 : vector<1x16xf32> to vector<16xf32>
      %swap3A_141 = vector.shape_cast %broadcast_in_dim3A_136 : vector<16xf32> to vector<1x16xf32>
      tpu.vector_store %arg9[%swap3A_137, %swap3A_138], %swap3A_141 {strides = array<i32>} : memref<640x16xf32, #tpu.memory_space<vmem>>, vector<1x16xf32>,
      %scan3A_142 = arith.constant 0 : i32
      %scan3A_143 = arith.constant 2 : i32
      %scan3A_144 = arith.addi %scan3A_125, %scan3A_143 : i32
      %broadcast_in_dim3A_145 = arith.constant 0.000000e+00 : f32
      %broadcast_in_dim3A_146 = vector.broadcast %broadcast_in_dim3A_145 : f32 to vector<16xf32>
      %swap3A_147 = arith.index_cast %scan3A_144 : i32 to index
      %swap3A_148 = arith.constant 0 : index
      %swap3A_149 = tpu.vector_load %arg9[%swap3A_147, %swap3A_148] {strides = array<i32>} : memref<640x16xf32, #tpu.memory_space<vmem>>, vector<1x16xf32>,
      %swap3A_150 = vector.shape_cast %swap3A_149 : vector<1x16xf32> to vector<16xf32>
      %swap3A_151 = vector.shape_cast %broadcast_in_dim3A_146 : vector<16xf32> to vector<1x16xf32>
      tpu.vector_store %arg9[%swap3A_147, %swap3A_148], %swap3A_151 {strides = array<i32>} : memref<640x16xf32, #tpu.memory_space<vmem>>, vector<1x16xf32>,
      %scan3A_152 = arith.constant 0 : i32
      %scan3A_153 = arith.constant 3 : i32
      %scan3A_154 = arith.addi %scan3A_125, %scan3A_153 : i32
      %broadcast_in_dim3A_155 = arith.constant 0.000000e+00 : f32
      %broadcast_in_dim3A_156 = vector.broadcast %broadcast_in_dim3A_155 : f32 to vector<16xf32>
      %swap3A_157 = arith.index_cast %scan3A_154 : i32 to index
      %swap3A_158 = arith.constant 0 : index
      %swap3A_159 = tpu.vector_load %arg9[%swap3A_157, %swap3A_158] {strides = array<i32>} : memref<640x16xf32, #tpu.memory_space<vmem>>, vector<1x16xf32>,
      %swap3A_160 = vector.shape_cast %swap3A_159 : vector<1x16xf32> to vector<16xf32>
      %swap3A_161 = vector.shape_cast %broadcast_in_dim3A_156 : vector<16xf32> to vector<1x16xf32>
      tpu.vector_store %arg9[%swap3A_157, %swap3A_158], %swap3A_161 {strides = array<i32>} : memref<640x16xf32, #tpu.memory_space<vmem>>, vector<1x16xf32>,
      %scan3A_162 = arith.constant 0 : i32
      %scan3A_163 = arith.constant 4 : i32
      %scan3A_164 = arith.addi %scan3A_125, %scan3A_163 : i32
      %broadcast_in_dim3A_165 = arith.constant 0.000000e+00 : f32
      %broadcast_in_dim3A_166 = vector.broadcast %broadcast_in_dim3A_165 : f32 to vector<16xf32>
      %swap3A_167 = arith.index_cast %scan3A_164 : i32 to index
      %swap3A_168 = arith.constant 0 : index
      %swap3A_169 = tpu.vector_load %arg9[%swap3A_167, %swap3A_168] {strides = array<i32>} : memref<640x16xf32, #tpu.memory_space<vmem>>, vector<1x16xf32>,
      %swap3A_170 = vector.shape_cast %swap3A_169 : vector<1x16xf32> to vector<16xf32>
      %swap3A_171 = vector.shape_cast %broadcast_in_dim3A_166 : vector<16xf32> to vector<1x16xf32>
      tpu.vector_store %arg9[%swap3A_167, %swap3A_168], %swap3A_171 {strides = array<i32>} : memref<640x16xf32, #tpu.memory_space<vmem>>, vector<1x16xf32>,
      %scan3A_172 = arith.constant 0 : i32
      %scan3A_173 = arith.constant 5 : i32
      %scan3A_174 = arith.addi %scan3A_125, %scan3A_173 : i32
      %broadcast_in_dim3A_175 = arith.constant 0.000000e+00 : f32
      %broadcast_in_dim3A_176 = vector.broadcast %broadcast_in_dim3A_175 : f32 to vector<16xf32>
      %swap3A_177 = arith.index_cast %scan3A_174 : i32 to index
      %swap3A_178 = arith.constant 0 : index
      %swap3A_179 = tpu.vector_load %arg9[%swap3A_177, %swap3A_178] {strides = array<i32>} : memref<640x16xf32, #tpu.memory_space<vmem>>, vector<1x16xf32>,
      %swap3A_180 = vector.shape_cast %swap3A_179 : vector<1x16xf32> to vector<16xf32>
      %swap3A_181 = vector.shape_cast %broadcast_in_dim3A_176 : vector<16xf32> to vector<1x16xf32>
      tpu.vector_store %arg9[%swap3A_177, %swap3A_178], %swap3A_181 {strides = array<i32>} : memref<640x16xf32, #tpu.memory_space<vmem>>, vector<1x16xf32>,
      %scan3A_182 = arith.constant 0 : i32
      %scan3A_183 = arith.constant 6 : i32
      %scan3A_184 = arith.addi %scan3A_125, %scan3A_183 : i32
      %broadcast_in_dim3A_185 = arith.constant 0.000000e+00 : f32
      %broadcast_in_dim3A_186 = vector.broadcast %broadcast_in_dim3A_185 : f32 to vector<16xf32>
      %swap3A_187 = arith.index_cast %scan3A_184 : i32 to index
      %swap3A_188 = arith.constant 0 : index
      %swap3A_189 = tpu.vector_load %arg9[%swap3A_187, %swap3A_188] {strides = array<i32>} : memref<640x16xf32, #tpu.memory_space<vmem>>, vector<1x16xf32>,
      %swap3A_190 = vector.shape_cast %swap3A_189 : vector<1x16xf32> to vector<16xf32>
      %swap3A_191 = vector.shape_cast %broadcast_in_dim3A_186 : vector<16xf32> to vector<1x16xf32>
      tpu.vector_store %arg9[%swap3A_187, %swap3A_188], %swap3A_191 {strides = array<i32>} : memref<640x16xf32, #tpu.memory_space<vmem>>, vector<1x16xf32>,
      %scan3A_192 = arith.constant 0 : i32
      %scan3A_193 = arith.constant 7 : i32
      %scan3A_194 = arith.addi %scan3A_125, %scan3A_193 : i32
      %broadcast_in_dim3A_195 = arith.constant 0.000000e+00 : f32
      %broadcast_in_dim3A_196 = vector.broadcast %broadcast_in_dim3A_195 : f32 to vector<16xf32>
      %swap3A_197 = arith.index_cast %scan3A_194 : i32 to index
      %swap3A_198 = arith.constant 0 : index
      %swap3A_199 = tpu.vector_load %arg9[%swap3A_197, %swap3A_198] {strides = array<i32>} : memref<640x16xf32, #tpu.memory_space<vmem>>, vector<1x16xf32>,
      %swap3A_200 = vector.shape_cast %swap3A_199 : vector<1x16xf32> to vector<16xf32>
      %swap3A_201 = vector.shape_cast %broadcast_in_dim3A_196 : vector<16xf32> to vector<1x16xf32>
      tpu.vector_store %arg9[%swap3A_197, %swap3A_198], %swap3A_201 {strides = array<i32>} : memref<640x16xf32, #tpu.memory_space<vmem>>, vector<1x16xf32>,
      %scan3A_202 = arith.constant 0 : i32
      scf.yield %scan3A_202 : i32
    }
    %scan3A_6 = arith.constant 640 : i32
    %mul3A_7 = arith.constant 640 : i32
    %mul3A_8 = arith.muli %arg1, %mul3A_7 : i32
    "tpu.region"() ({
      %run_scoped3A = tpu.sem_alloc : memref<!tpu.dma_semaphore, #tpu.memory_space<semaphore_mem>>
      %dma_start3A_125 = arith.constant 0 : i32
      %dma_start3A_126 = tpu.memref_slice %arg11[%mul3A_8, %dma_start3A_125] : memref<10240x16xf32, #tpu.memory_space<vmem_shared>> -> memref<640x16xf32, #tpu.memory_space<vmem_shared>>
      %dma_start3A_127 = arith.constant 0 : i32
      %dma_start3A_128 = tpu.memref_slice %arg11[%mul3A_8, %dma_start3A_127] : memref<10240x16xf32, #tpu.memory_space<vmem_shared>> -> memref<640x16xf32, #tpu.memory_space<vmem_shared>>
      tpu.enqueue_dma source(%arg9 : memref<640x16xf32, #tpu.memory_space<vmem>>) target(%dma_start3A_128 : memref<640x16xf32, #tpu.memory_space<vmem_shared>>) target_semaphore(%run_scoped3A : memref<!tpu.dma_semaphore, #tpu.memory_space<semaphore_mem>>)
      %dma_wait3A_129 = arith.constant 0 : i32
      %dma_wait3A_130 = tpu.memref_slice %arg11[%mul3A_8, %dma_wait3A_129] : memref<10240x16xf32, #tpu.memory_space<vmem_shared>> -> memref<640x16xf32, #tpu.memory_space<vmem_shared>>
      %dma_wait3A_131 = arith.constant 0 : i32
      %dma_wait3A_132 = tpu.memref_slice %arg11[%mul3A_8, %dma_wait3A_131] : memref<10240x16xf32, #tpu.memory_space<vmem_shared>> -> memref<640x16xf32, #tpu.memory_space<vmem_shared>>
      tpu.wait_dma2 semaphore(%run_scoped3A : memref<!tpu.dma_semaphore, #tpu.memory_space<semaphore_mem>>) src(%arg9 : memref<640x16xf32, #tpu.memory_space<vmem>>) dst(%dma_wait3A_132 : memref<640x16xf32, #tpu.memory_space<vmem_shared>>)
      tpu.yield
    }) : () -> ()
    %mul3A_9 = arith.constant 80 : i32
    %mul3A_10 = arith.muli %add3A, %mul3A_9 : i32
    "tpu.region"() ({
      %run_scoped3A = tpu.sem_alloc : memref<!tpu.dma_semaphore, #tpu.memory_space<semaphore_mem>>
      %dma_start3A_125 = arith.constant 0 : i32
      %dma_start3A_126 = tpu.memref_slice %arg3[%mul3A_10, %dma_start3A_125] : memref<2560x125xi32, #tpu.memory_space<hbm>> -> memref<80x125xi32, #tpu.memory_space<hbm>>
      %dma_start3A_127 = arith.constant 0 : i32
      %dma_start3A_128 = tpu.memref_slice %arg3[%mul3A_10, %dma_start3A_127] : memref<2560x125xi32, #tpu.memory_space<hbm>> -> memref<80x125xi32, #tpu.memory_space<hbm>>
      tpu.enqueue_dma source(%dma_start3A_128 : memref<80x125xi32, #tpu.memory_space<hbm>>) target(%arg6 : memref<80x125xi32, #tpu.memory_space<vmem>>) target_semaphore(%run_scoped3A : memref<!tpu.dma_semaphore, #tpu.memory_space<semaphore_mem>>)
      %dma_wait3A_129 = arith.constant 0 : i32
      %dma_wait3A_130 = tpu.memref_slice %arg3[%mul3A_10, %dma_wait3A_129] : memref<2560x125xi32, #tpu.memory_space<hbm>> -> memref<80x125xi32, #tpu.memory_space<hbm>>
      %dma_wait3A_131 = arith.constant 0 : i32
      %dma_wait3A_132 = tpu.memref_slice %arg3[%mul3A_10, %dma_wait3A_131] : memref<2560x125xi32, #tpu.memory_space<hbm>> -> memref<80x125xi32, #tpu.memory_space<hbm>>
      tpu.wait_dma2 semaphore(%run_scoped3A : memref<!tpu.dma_semaphore, #tpu.memory_space<semaphore_mem>>) src(%dma_wait3A_132 : memref<80x125xi32, #tpu.memory_space<hbm>>) dst(%arg6 : memref<80x125xi32, #tpu.memory_space<vmem>>)
      tpu.yield
    }) : () -> ()
    %mul3A_11 = arith.constant 80 : i32
    %mul3A_12 = arith.muli %add3A, %mul3A_11 : i32
    "tpu.region"() ({
      %run_scoped3A = tpu.sem_alloc : memref<!tpu.dma_semaphore, #tpu.memory_space<semaphore_mem>>
      %dma_start3A_125 = arith.constant 0 : i32
      %dma_start3A_126 = tpu.memref_slice %arg4[%mul3A_12, %dma_start3A_125] : memref<2560x125xi32, #tpu.memory_space<hbm>> -> memref<80x125xi32, #tpu.memory_space<hbm>>
      %dma_start3A_127 = arith.constant 0 : i32
      %dma_start3A_128 = tpu.memref_slice %arg4[%mul3A_12, %dma_start3A_127] : memref<2560x125xi32, #tpu.memory_space<hbm>> -> memref<80x125xi32, #tpu.memory_space<hbm>>
      tpu.enqueue_dma source(%dma_start3A_128 : memref<80x125xi32, #tpu.memory_space<hbm>>) target(%arg7 : memref<80x125xi32, #tpu.memory_space<vmem>>) target_semaphore(%run_scoped3A : memref<!tpu.dma_semaphore, #tpu.memory_space<semaphore_mem>>)
      %dma_wait3A_129 = arith.constant 0 : i32
      %dma_wait3A_130 = tpu.memref_slice %arg4[%mul3A_12, %dma_wait3A_129] : memref<2560x125xi32, #tpu.memory_space<hbm>> -> memref<80x125xi32, #tpu.memory_space<hbm>>
      %dma_wait3A_131 = arith.constant 0 : i32
      %dma_wait3A_132 = tpu.memref_slice %arg4[%mul3A_12, %dma_wait3A_131] : memref<2560x125xi32, #tpu.memory_space<hbm>> -> memref<80x125xi32, #tpu.memory_space<hbm>>
      tpu.wait_dma2 semaphore(%run_scoped3A : memref<!tpu.dma_semaphore, #tpu.memory_space<semaphore_mem>>) src(%dma_wait3A_132 : memref<80x125xi32, #tpu.memory_space<hbm>>) dst(%arg7 : memref<80x125xi32, #tpu.memory_space<vmem>>)
      tpu.yield
    }) : () -> ()
    %lt3A = arith.constant 15 : i32
    %lt3A_13 = arith.cmpi slt, %arg1, %lt3A : i32
    %convert_element_type3A = arith.extui %lt3A_13 : i1 to i32
    %cond3A = arith.constant 0 : i32
    %cond3A_14 = arith.cmpi ne, %convert_element_type3A, %cond3A : i32
    scf.if %cond3A_14 {
      %mul3A_125 = arith.constant 640 : i32
      %mul3A_126 = arith.muli %arg1, %mul3A_125 : i32
      %mul3A_127 = arith.constant 640 : i32
      %mul3A_128 = arith.muli %arg1, %mul3A_127 : i32
      "tpu.region"() ({
        %run_scoped3A = tpu.sem_alloc : memref<!tpu.dma_semaphore, #tpu.memory_space<semaphore_mem>>
        %dma_start3A_129 = arith.constant 0 : i32
        %dma_start3A_130 = tpu.memref_slice %arg10[%mul3A_128, %dma_start3A_129] : memref<10240x16xf32, #tpu.memory_space<vmem_shared>> -> memref<640x16xf32, #tpu.memory_space<vmem_shared>>
        %dma_start3A_131 = arith.constant 0 : i32
        %dma_start3A_132 = tpu.memref_slice %arg2[%mul3A_126, %dma_start3A_131] : memref<10000x16xf32, #tpu.memory_space<hbm>> -> memref<640x16xf32, #tpu.memory_space<hbm>>
        tpu.enqueue_dma source(%dma_start3A_132 : memref<640x16xf32, #tpu.memory_space<hbm>>) target(%dma_start3A_130 : memref<640x16xf32, #tpu.memory_space<vmem_shared>>) target_semaphore(%run_scoped3A : memref<!tpu.dma_semaphore, #tpu.memory_space<semaphore_mem>>)
        %dma_wait3A_133 = arith.constant 0 : i32
        %dma_wait3A_134 = tpu.memref_slice %arg10[%mul3A_128, %dma_wait3A_133] : memref<10240x16xf32, #tpu.memory_space<vmem_shared>> -> memref<640x16xf32, #tpu.memory_space<vmem_shared>>
        %dma_wait3A_135 = arith.constant 0 : i32
        %dma_wait3A_136 = tpu.memref_slice %arg2[%mul3A_126, %dma_wait3A_135] : memref<10000x16xf32, #tpu.memory_space<hbm>> -> memref<640x16xf32, #tpu.memory_space<hbm>>
        tpu.wait_dma2 semaphore(%run_scoped3A : memref<!tpu.dma_semaphore, #tpu.memory_space<semaphore_mem>>) src(%dma_wait3A_136 : memref<640x16xf32, #tpu.memory_space<hbm>>) dst(%dma_wait3A_134 : memref<640x16xf32, #tpu.memory_space<vmem_shared>>)
        tpu.yield
      }) : () -> ()
    } else {
    }
    %eq3A = arith.constant 15 : i32
    %eq3A_15 = arith.cmpi eq, %arg1, %eq3A : i32
    %convert_element_type3A_16 = arith.extui %eq3A_15 : i1 to i32
    %cond3A_17 = arith.constant 0 : i32
    %cond3A_18 = arith.cmpi ne, %convert_element_type3A_16, %cond3A_17 : i32
    scf.if %cond3A_18 {
      %mul3A_125 = arith.constant 640 : i32
      %mul3A_126 = arith.muli %arg1, %mul3A_125 : i32
      "tpu.region"() ({
        %run_scoped3A = tpu.sem_alloc : memref<!tpu.dma_semaphore, #tpu.memory_space<semaphore_mem>>
        %dma_start3A_127 = arith.constant 0 : i32
        %dma_start3A_128 = tpu.memref_slice %arg10[%mul3A_126, %dma_start3A_127] : memref<10240x16xf32, #tpu.memory_space<vmem_shared>> -> memref<400x16xf32, #tpu.memory_space<vmem_shared>>
        %dma_start3A_129 = arith.constant 9600 : i32
        %dma_start3A_130 = arith.constant 0 : i32
        %dma_start3A_131 = tpu.memref_slice %arg2[%dma_start3A_129, %dma_start3A_130] : memref<10000x16xf32, #tpu.memory_space<hbm>> -> memref<400x16xf32, #tpu.memory_space<hbm>>
        tpu.enqueue_dma source(%dma_start3A_131 : memref<400x16xf32, #tpu.memory_space<hbm>>) target(%dma_start3A_128 : memref<400x16xf32, #tpu.memory_space<vmem_shared>>) target_semaphore(%run_scoped3A : memref<!tpu.dma_semaphore, #tpu.memory_space<semaphore_mem>>)
        %dma_wait3A_132 = arith.constant 0 : i32
        %dma_wait3A_133 = tpu.memref_slice %arg10[%mul3A_126, %dma_wait3A_132] : memref<10240x16xf32, #tpu.memory_space<vmem_shared>> -> memref<400x16xf32, #tpu.memory_space<vmem_shared>>
        %dma_wait3A_134 = arith.constant 9600 : i32
        %dma_wait3A_135 = arith.constant 0 : i32
        %dma_wait3A_136 = tpu.memref_slice %arg2[%dma_wait3A_134, %dma_wait3A_135] : memref<10000x16xf32, #tpu.memory_space<hbm>> -> memref<400x16xf32, #tpu.memory_space<hbm>>
        tpu.wait_dma2 semaphore(%run_scoped3A : memref<!tpu.dma_semaphore, #tpu.memory_space<semaphore_mem>>) src(%dma_wait3A_136 : memref<400x16xf32, #tpu.memory_space<hbm>>) dst(%dma_wait3A_133 : memref<400x16xf32, #tpu.memory_space<vmem_shared>>)
        tpu.yield
      }) : () -> ()
    } else {
    }
    %barrier3A = arith.constant 0 : index
    tpu.barrier barrier_id(%barrier3A)
    %dma_start3A = arith.constant 0 : i32
    %dma_start3A_19 = arith.constant 0 : i32
    %dma_start3A_20 = arith.constant 0 : i32
    %dma_start3A_21 = arith.constant 0 : i32
    %dma_start3A_22 = tpu.memref_slice %arg8[%dma_start3A_19, %dma_start3A_20, %dma_start3A_21] : memref<2x125x16xf32, #tpu.memory_space<vmem>> -> memref<1x125x16xf32, #tpu.memory_space<vmem>>
    %dma_start3A_23 = tpu.memref_squeeze %dma_start3A_22 : memref<1x125x16xf32, #tpu.memory_space<vmem>> -> memref<125x16xf32, #tpu.memory_space<vmem>>
    %dma_start3A_24 = arith.constant 0 : i32
    %dma_start3A_25 = tpu.memref_slice %arg6[%dma_start3A, %dma_start3A_24] : memref<80x125xi32, #tpu.memory_space<vmem>> -> memref<1x125xi32, #tpu.memory_space<vmem>>
    %dma_start3A_26 = tpu.memref_squeeze %dma_start3A_25 : memref<1x125xi32, #tpu.memory_space<vmem>> -> memref<125xi32, #tpu.memory_space<vmem>>
    %dma_start3A_27 = arith.constant 0 : i32
    %dma_start3A_28 = arith.constant 0 : i32
    %dma_start3A_29 = tpu.memref_slice %arg10[%dma_start3A_27, %dma_start3A_28] : memref<10240x16xf32, #tpu.memory_space<vmem_shared>> -> memref<10240x16xf32, #tpu.memory_space<vmem_shared>>
    tpu.enqueue_indirect_dma source(%dma_start3A_29 : memref<10240x16xf32, #tpu.memory_space<vmem_shared>>) target(%dma_start3A_23 : memref<125x16xf32, #tpu.memory_space<vmem>>) offsets(%dma_start3A_26 : memref<125xi32, #tpu.memory_space<vmem>>) semaphore(%arg12 : memref<!tpu.dma_semaphore, #tpu.memory_space<semaphore_mem>>)
    %scan3A_30 = arith.constant 0 : i32
    %scan3A_31 = arith.constant 0 : i32
    %scan3A_32 = arith.constant 39 : i32
    %scan3A_33 = arith.addi %scan3A_31, %scan3A_32 : i32
    %scan3A_34 = arith.constant 1 : i32
    %scan3A_35 = scf.for %scan3A_125 = %scan3A_31 to %scan3A_33 step %scan3A_34 iter_args(%scan3A_126 = %scan3A_30) -> (i32)  : i32 {
      %mul3A_127 = arith.constant 2 : i32
      %mul3A_128 = arith.muli %mul3A_127, %scan3A_125 : i32
      %dma_wait3A_129 = arith.constant 0 : i32
      %dma_wait3A_130 = arith.constant 0 : i32
      %dma_wait3A_131 = arith.constant 0 : i32
      %dma_wait3A_132 = tpu.memref_slice %arg8[%dma_wait3A_129, %dma_wait3A_130, %dma_wait3A_131] : memref<2x125x16xf32, #tpu.memory_space<vmem>> -> memref<1x125x16xf32, #tpu.memory_space<vmem>>
      %dma_wait3A_133 = tpu.memref_squeeze %dma_wait3A_132 : memref<1x125x16xf32, #tpu.memory_space<vmem>> -> memref<125x16xf32, #tpu.memory_space<vmem>>
      %dma_wait3A_134 = arith.constant 0 : i32
      %dma_wait3A_135 = tpu.memref_slice %arg6[%mul3A_128, %dma_wait3A_134] : memref<80x125xi32, #tpu.memory_space<vmem>> -> memref<1x125xi32, #tpu.memory_space<vmem>>
      %dma_wait3A_136 = tpu.memref_squeeze %dma_wait3A_135 : memref<1x125xi32, #tpu.memory_space<vmem>> -> memref<125xi32, #tpu.memory_space<vmem>>
      %dma_wait3A_137 = arith.constant 0 : i32
      %dma_wait3A_138 = arith.constant 0 : i32
      %dma_wait3A_139 = tpu.memref_slice %arg10[%dma_wait3A_137, %dma_wait3A_138] : memref<10240x16xf32, #tpu.memory_space<vmem_shared>> -> memref<10240x16xf32, #tpu.memory_space<vmem_shared>>
      tpu.wait_indirect_dma semaphore(%arg12 : memref<!tpu.dma_semaphore, #tpu.memory_space<semaphore_mem>>) src(%dma_wait3A_139 : memref<10240x16xf32, #tpu.memory_space<vmem_shared>>) dst(%dma_wait3A_133 : memref<125x16xf32, #tpu.memory_space<vmem>>)
      %add3A_140 = arith.constant 1 : i32
      %add3A_141 = arith.addi %mul3A_128, %add3A_140 : i32
      %dma_start3A_142 = arith.constant 1 : i32
      %dma_start3A_143 = arith.constant 0 : i32
      %dma_start3A_144 = arith.constant 0 : i32
      %dma_start3A_145 = tpu.memref_slice %arg8[%dma_start3A_142, %dma_start3A_143, %dma_start3A_144] : memref<2x125x16xf32, #tpu.memory_space<vmem>> -> memref<1x125x16xf32, #tpu.memory_space<vmem>>
      %dma_start3A_146 = tpu.memref_squeeze %dma_start3A_145 : memref<1x125x16xf32, #tpu.memory_space<vmem>> -> memref<125x16xf32, #tpu.memory_space<vmem>>
      %dma_start3A_147 = arith.constant 0 : i32
      %dma_start3A_148 = tpu.memref_slice %arg6[%add3A_141, %dma_start3A_147] : memref<80x125xi32, #tpu.memory_space<vmem>> -> memref<1x125xi32, #tpu.memory_space<vmem>>
      %dma_start3A_149 = tpu.memref_squeeze %dma_start3A_148 : memref<1x125xi32, #tpu.memory_space<vmem>> -> memref<125xi32, #tpu.memory_space<vmem>>
      %dma_start3A_150 = arith.constant 0 : i32
      %dma_start3A_151 = arith.constant 0 : i32
      %dma_start3A_152 = tpu.memref_slice %arg10[%dma_start3A_150, %dma_start3A_151] : memref<10240x16xf32, #tpu.memory_space<vmem_shared>> -> memref<10240x16xf32, #tpu.memory_space<vmem_shared>>
      tpu.enqueue_indirect_dma source(%dma_start3A_152 : memref<10240x16xf32, #tpu.memory_space<vmem_shared>>) target(%dma_start3A_146 : memref<125x16xf32, #tpu.memory_space<vmem>>) offsets(%dma_start3A_149 : memref<125xi32, #tpu.memory_space<vmem>>) semaphore(%arg12 : memref<!tpu.dma_semaphore, #tpu.memory_space<semaphore_mem>>)
      %dma_start3A_153 = arith.constant 0 : i32
      %dma_start3A_154 = arith.constant 0 : i32
      %dma_start3A_155 = arith.constant 0 : i32
      %dma_start3A_156 = tpu.memref_slice %arg8[%dma_start3A_153, %dma_start3A_154, %dma_start3A_155] : memref<2x125x16xf32, #tpu.memory_space<vmem>> -> memref<1x125x16xf32, #tpu.memory_space<vmem>>
      %dma_start3A_157 = tpu.memref_squeeze %dma_start3A_156 : memref<1x125x16xf32, #tpu.memory_space<vmem>> -> memref<125x16xf32, #tpu.memory_space<vmem>>
      %dma_start3A_158 = arith.constant 0 : i32
      %dma_start3A_159 = tpu.memref_slice %arg7[%mul3A_128, %dma_start3A_158] : memref<80x125xi32, #tpu.memory_space<vmem>> -> memref<1x125xi32, #tpu.memory_space<vmem>>
      %dma_start3A_160 = tpu.memref_squeeze %dma_start3A_159 : memref<1x125xi32, #tpu.memory_space<vmem>> -> memref<125xi32, #tpu.memory_space<vmem>>
      %dma_start3A_161 = arith.constant 0 : i32
      %dma_start3A_162 = arith.constant 0 : i32
      %dma_start3A_163 = tpu.memref_slice %arg11[%dma_start3A_161, %dma_start3A_162] : memref<10240x16xf32, #tpu.memory_space<vmem_shared>> -> memref<10240x16xf32, #tpu.memory_space<vmem_shared>>
      tpu.enqueue_indirect_dma source(%dma_start3A_157 : memref<125x16xf32, #tpu.memory_space<vmem>>) target(%dma_start3A_163 : memref<10240x16xf32, #tpu.memory_space<vmem_shared>>) offsets(%dma_start3A_160 : memref<125xi32, #tpu.memory_space<vmem>>) semaphore(%arg13 : memref<!tpu.dma_semaphore, #tpu.memory_space<semaphore_mem>>) {add = true}
      %dma_wait3A_164 = arith.constant 0 : i32
      %dma_wait3A_165 = arith.constant 0 : i32
      %dma_wait3A_166 = arith.constant 0 : i32
      %dma_wait3A_167 = tpu.memref_slice %arg8[%dma_wait3A_164, %dma_wait3A_165, %dma_wait3A_166] : memref<2x125x16xf32, #tpu.memory_space<vmem>> -> memref<1x125x16xf32, #tpu.memory_space<vmem>>
      %dma_wait3A_168 = tpu.memref_squeeze %dma_wait3A_167 : memref<1x125x16xf32, #tpu.memory_space<vmem>> -> memref<125x16xf32, #tpu.memory_space<vmem>>
      %dma_wait3A_169 = arith.constant 0 : i32
      %dma_wait3A_170 = tpu.memref_slice %arg7[%mul3A_128, %dma_wait3A_169] : memref<80x125xi32, #tpu.memory_space<vmem>> -> memref<1x125xi32, #tpu.memory_space<vmem>>
      %dma_wait3A_171 = tpu.memref_squeeze %dma_wait3A_170 : memref<1x125xi32, #tpu.memory_space<vmem>> -> memref<125xi32, #tpu.memory_space<vmem>>
      %dma_wait3A_172 = arith.constant 0 : i32
      %dma_wait3A_173 = arith.constant 0 : i32
      %dma_wait3A_174 = tpu.memref_slice %arg11[%dma_wait3A_172, %dma_wait3A_173] : memref<10240x16xf32, #tpu.memory_space<vmem_shared>> -> memref<10240x16xf32, #tpu.memory_space<vmem_shared>>
      tpu.wait_indirect_dma semaphore(%arg13 : memref<!tpu.dma_semaphore, #tpu.memory_space<semaphore_mem>>) src(%dma_wait3A_168 : memref<125x16xf32, #tpu.memory_space<vmem>>) dst(%dma_wait3A_174 : memref<10240x16xf32, #tpu.memory_space<vmem_shared>>)
      %add3A_175 = arith.constant 1 : i32
      %add3A_176 = arith.addi %mul3A_128, %add3A_175 : i32
      %dma_wait3A_177 = arith.constant 1 : i32
      %dma_wait3A_178 = arith.constant 0 : i32
      %dma_wait3A_179 = arith.constant 0 : i32
      %dma_wait3A_180 = tpu.memref_slice %arg8[%dma_wait3A_177, %dma_wait3A_178, %dma_wait3A_179] : memref<2x125x16xf32, #tpu.memory_space<vmem>> -> memref<1x125x16xf32, #tpu.memory_space<vmem>>
      %dma_wait3A_181 = tpu.memref_squeeze %dma_wait3A_180 : memref<1x125x16xf32, #tpu.memory_space<vmem>> -> memref<125x16xf32, #tpu.memory_space<vmem>>
      %dma_wait3A_182 = arith.constant 0 : i32
      %dma_wait3A_183 = tpu.memref_slice %arg6[%add3A_176, %dma_wait3A_182] : memref<80x125xi32, #tpu.memory_space<vmem>> -> memref<1x125xi32, #tpu.memory_space<vmem>>
      %dma_wait3A_184 = tpu.memref_squeeze %dma_wait3A_183 : memref<1x125xi32, #tpu.memory_space<vmem>> -> memref<125xi32, #tpu.memory_space<vmem>>
      %dma_wait3A_185 = arith.constant 0 : i32
      %dma_wait3A_186 = arith.constant 0 : i32
      %dma_wait3A_187 = tpu.memref_slice %arg10[%dma_wait3A_185, %dma_wait3A_186] : memref<10240x16xf32, #tpu.memory_space<vmem_shared>> -> memref<10240x16xf32, #tpu.memory_space<vmem_shared>>
      tpu.wait_indirect_dma semaphore(%arg12 : memref<!tpu.dma_semaphore, #tpu.memory_space<semaphore_mem>>) src(%dma_wait3A_187 : memref<10240x16xf32, #tpu.memory_space<vmem_shared>>) dst(%dma_wait3A_181 : memref<125x16xf32, #tpu.memory_space<vmem>>)
      %add3A_188 = arith.constant 2 : i32
      %add3A_189 = arith.addi %mul3A_128, %add3A_188 : i32
      %dma_start3A_190 = arith.constant 0 : i32
      %dma_start3A_191 = arith.constant 0 : i32
      %dma_start3A_192 = arith.constant 0 : i32
      %dma_start3A_193 = tpu.memref_slice %arg8[%dma_start3A_190, %dma_start3A_191, %dma_start3A_192] : memref<2x125x16xf32, #tpu.memory_space<vmem>> -> memref<1x125x16xf32, #tpu.memory_space<vmem>>
      %dma_start3A_194 = tpu.memref_squeeze %dma_start3A_193 : memref<1x125x16xf32, #tpu.memory_space<vmem>> -> memref<125x16xf32, #tpu.memory_space<vmem>>
      %dma_start3A_195 = arith.constant 0 : i32
      %dma_start3A_196 = tpu.memref_slice %arg6[%add3A_189, %dma_start3A_195] : memref<80x125xi32, #tpu.memory_space<vmem>> -> memref<1x125xi32, #tpu.memory_space<vmem>>
      %dma_start3A_197 = tpu.memref_squeeze %dma_start3A_196 : memref<1x125xi32, #tpu.memory_space<vmem>> -> memref<125xi32, #tpu.memory_space<vmem>>
      %dma_start3A_198 = arith.constant 0 : i32
      %dma_start3A_199 = arith.constant 0 : i32
      %dma_start3A_200 = tpu.memref_slice %arg10[%dma_start3A_198, %dma_start3A_199] : memref<10240x16xf32, #tpu.memory_space<vmem_shared>> -> memref<10240x16xf32, #tpu.memory_space<vmem_shared>>
      tpu.enqueue_indirect_dma source(%dma_start3A_200 : memref<10240x16xf32, #tpu.memory_space<vmem_shared>>) target(%dma_start3A_194 : memref<125x16xf32, #tpu.memory_space<vmem>>) offsets(%dma_start3A_197 : memref<125xi32, #tpu.memory_space<vmem>>) semaphore(%arg12 : memref<!tpu.dma_semaphore, #tpu.memory_space<semaphore_mem>>)
      %add3A_201 = arith.constant 1 : i32
      %add3A_202 = arith.addi %mul3A_128, %add3A_201 : i32
      %dma_start3A_203 = arith.constant 1 : i32
      %dma_start3A_204 = arith.constant 0 : i32
      %dma_start3A_205 = arith.constant 0 : i32
      %dma_start3A_206 = tpu.memref_slice %arg8[%dma_start3A_203, %dma_start3A_204, %dma_start3A_205] : memref<2x125x16xf32, #tpu.memory_space<vmem>> -> memref<1x125x16xf32, #tpu.memory_space<vmem>>
      %dma_start3A_207 = tpu.memref_squeeze %dma_start3A_206 : memref<1x125x16xf32, #tpu.memory_space<vmem>> -> memref<125x16xf32, #tpu.memory_space<vmem>>
      %dma_start3A_208 = arith.constant 0 : i32
      %dma_start3A_209 = tpu.memref_slice %arg7[%add3A_202, %dma_start3A_208] : memref<80x125xi32, #tpu.memory_space<vmem>> -> memref<1x125xi32, #tpu.memory_space<vmem>>
      %dma_start3A_210 = tpu.memref_squeeze %dma_start3A_209 : memref<1x125xi32, #tpu.memory_space<vmem>> -> memref<125xi32, #tpu.memory_space<vmem>>
      %dma_start3A_211 = arith.constant 0 : i32
      %dma_start3A_212 = arith.constant 0 : i32
      %dma_start3A_213 = tpu.memref_slice %arg11[%dma_start3A_211, %dma_start3A_212] : memref<10240x16xf32, #tpu.memory_space<vmem_shared>> -> memref<10240x16xf32, #tpu.memory_space<vmem_shared>>
      tpu.enqueue_indirect_dma source(%dma_start3A_207 : memref<125x16xf32, #tpu.memory_space<vmem>>) target(%dma_start3A_213 : memref<10240x16xf32, #tpu.memory_space<vmem_shared>>) offsets(%dma_start3A_210 : memref<125xi32, #tpu.memory_space<vmem>>) semaphore(%arg13 : memref<!tpu.dma_semaphore, #tpu.memory_space<semaphore_mem>>) {add = true}
      %dma_wait3A_214 = arith.constant 1 : i32
      %dma_wait3A_215 = arith.constant 0 : i32
      %dma_wait3A_216 = arith.constant 0 : i32
      %dma_wait3A_217 = tpu.memref_slice %arg8[%dma_wait3A_214, %dma_wait3A_215, %dma_wait3A_216] : memref<2x125x16xf32, #tpu.memory_space<vmem>> -> memref<1x125x16xf32, #tpu.memory_space<vmem>>
      %dma_wait3A_218 = tpu.memref_squeeze %dma_wait3A_217 : memref<1x125x16xf32, #tpu.memory_space<vmem>> -> memref<125x16xf32, #tpu.memory_space<vmem>>
      %dma_wait3A_219 = arith.constant 0 : i32
      %dma_wait3A_220 = tpu.memref_slice %arg7[%add3A_202, %dma_wait3A_219] : memref<80x125xi32, #tpu.memory_space<vmem>> -> memref<1x125xi32, #tpu.memory_space<vmem>>
      %dma_wait3A_221 = tpu.memref_squeeze %dma_wait3A_220 : memref<1x125xi32, #tpu.memory_space<vmem>> -> memref<125xi32, #tpu.memory_space<vmem>>
      %dma_wait3A_222 = arith.constant 0 : i32
      %dma_wait3A_223 = arith.constant 0 : i32
      %dma_wait3A_224 = tpu.memref_slice %arg11[%dma_wait3A_222, %dma_wait3A_223] : memref<10240x16xf32, #tpu.memory_space<vmem_shared>> -> memref<10240x16xf32, #tpu.memory_space<vmem_shared>>
      tpu.wait_indirect_dma semaphore(%arg13 : memref<!tpu.dma_semaphore, #tpu.memory_space<semaphore_mem>>) src(%dma_wait3A_218 : memref<125x16xf32, #tpu.memory_space<vmem>>) dst(%dma_wait3A_224 : memref<10240x16xf32, #tpu.memory_space<vmem_shared>>)
      %scan3A_225 = arith.constant 0 : i32
      scf.yield %scan3A_225 : i32
    }
    %scan3A_36 = arith.constant 39 : i32
    %dma_wait3A = arith.constant 78 : i32
    %dma_wait3A_37 = arith.constant 0 : i32
    %dma_wait3A_38 = arith.constant 0 : i32
    %dma_wait3A_39 = arith.constant 0 : i32
    %dma_wait3A_40 = tpu.memref_slice %arg8[%dma_wait3A_37, %dma_wait3A_38, %dma_wait3A_39] : memref<2x125x16xf32, #tpu.memory_space<vmem>> -> memref<1x125x16xf32, #tpu.memory_space<vmem>>
    %dma_wait3A_41 = tpu.memref_squeeze %dma_wait3A_40 : memref<1x125x16xf32, #tpu.memory_space<vmem>> -> memref<125x16xf32, #tpu.memory_space<vmem>>
    %dma_wait3A_42 = arith.constant 0 : i32
    %dma_wait3A_43 = tpu.memref_slice %arg6[%dma_wait3A, %dma_wait3A_42] : memref<80x125xi32, #tpu.memory_space<vmem>> -> memref<1x125xi32, #tpu.memory_space<vmem>>
    %dma_wait3A_44 = tpu.memref_squeeze %dma_wait3A_43 : memref<1x125xi32, #tpu.memory_space<vmem>> -> memref<125xi32, #tpu.memory_space<vmem>>
    %dma_wait3A_45 = arith.constant 0 : i32
    %dma_wait3A_46 = arith.constant 0 : i32
    %dma_wait3A_47 = tpu.memref_slice %arg10[%dma_wait3A_45, %dma_wait3A_46] : memref<10240x16xf32, #tpu.memory_space<vmem_shared>> -> memref<10240x16xf32, #tpu.memory_space<vmem_shared>>
    tpu.wait_indirect_dma semaphore(%arg12 : memref<!tpu.dma_semaphore, #tpu.memory_space<semaphore_mem>>) src(%dma_wait3A_47 : memref<10240x16xf32, #tpu.memory_space<vmem_shared>>) dst(%dma_wait3A_41 : memref<125x16xf32, #tpu.memory_space<vmem>>)
    %dma_start3A_48 = arith.constant 79 : i32
    %dma_start3A_49 = arith.constant 1 : i32
    %dma_start3A_50 = arith.constant 0 : i32
    %dma_start3A_51 = arith.constant 0 : i32
    %dma_start3A_52 = tpu.memref_slice %arg8[%dma_start3A_49, %dma_start3A_50, %dma_start3A_51] : memref<2x125x16xf32, #tpu.memory_space<vmem>> -> memref<1x125x16xf32, #tpu.memory_space<vmem>>
    %dma_start3A_53 = tpu.memref_squeeze %dma_start3A_52 : memref<1x125x16xf32, #tpu.memory_space<vmem>> -> memref<125x16xf32, #tpu.memory_space<vmem>>
    %dma_start3A_54 = arith.constant 0 : i32
    %dma_start3A_55 = tpu.memref_slice %arg6[%dma_start3A_48, %dma_start3A_54] : memref<80x125xi32, #tpu.memory_space<vmem>> -> memref<1x125xi32, #tpu.memory_space<vmem>>
    %dma_start3A_56 = tpu.memref_squeeze %dma_start3A_55 : memref<1x125xi32, #tpu.memory_space<vmem>> -> memref<125xi32, #tpu.memory_space<vmem>>
    %dma_start3A_57 = arith.constant 0 : i32
    %dma_start3A_58 = arith.constant 0 : i32
    %dma_start3A_59 = tpu.memref_slice %arg10[%dma_start3A_57, %dma_start3A_58] : memref<10240x16xf32, #tpu.memory_space<vmem_shared>> -> memref<10240x16xf32, #tpu.memory_space<vmem_shared>>
    tpu.enqueue_indirect_dma source(%dma_start3A_59 : memref<10240x16xf32, #tpu.memory_space<vmem_shared>>) target(%dma_start3A_53 : memref<125x16xf32, #tpu.memory_space<vmem>>) offsets(%dma_start3A_56 : memref<125xi32, #tpu.memory_space<vmem>>) semaphore(%arg12 : memref<!tpu.dma_semaphore, #tpu.memory_space<semaphore_mem>>)
    %dma_start3A_60 = arith.constant 0 : i32
    %dma_start3A_61 = arith.constant 78 : i32
    %dma_start3A_62 = arith.constant 0 : i32
    %dma_start3A_63 = arith.constant 0 : i32
    %dma_start3A_64 = tpu.memref_slice %arg8[%dma_start3A_60, %dma_start3A_62, %dma_start3A_63] : memref<2x125x16xf32, #tpu.memory_space<vmem>> -> memref<1x125x16xf32, #tpu.memory_space<vmem>>
    %dma_start3A_65 = tpu.memref_squeeze %dma_start3A_64 : memref<1x125x16xf32, #tpu.memory_space<vmem>> -> memref<125x16xf32, #tpu.memory_space<vmem>>
    %dma_start3A_66 = arith.constant 0 : i32
    %dma_start3A_67 = tpu.memref_slice %arg7[%dma_start3A_61, %dma_start3A_66] : memref<80x125xi32, #tpu.memory_space<vmem>> -> memref<1x125xi32, #tpu.memory_space<vmem>>
    %dma_start3A_68 = tpu.memref_squeeze %dma_start3A_67 : memref<1x125xi32, #tpu.memory_space<vmem>> -> memref<125xi32, #tpu.memory_space<vmem>>
    %dma_start3A_69 = arith.constant 0 : i32
    %dma_start3A_70 = arith.constant 0 : i32
    %dma_start3A_71 = tpu.memref_slice %arg11[%dma_start3A_69, %dma_start3A_70] : memref<10240x16xf32, #tpu.memory_space<vmem_shared>> -> memref<10240x16xf32, #tpu.memory_space<vmem_shared>>
    tpu.enqueue_indirect_dma source(%dma_start3A_65 : memref<125x16xf32, #tpu.memory_space<vmem>>) target(%dma_start3A_71 : memref<10240x16xf32, #tpu.memory_space<vmem_shared>>) offsets(%dma_start3A_68 : memref<125xi32, #tpu.memory_space<vmem>>) semaphore(%arg13 : memref<!tpu.dma_semaphore, #tpu.memory_space<semaphore_mem>>) {add = true}
    %dma_wait3A_72 = arith.constant 0 : i32
    %dma_wait3A_73 = arith.constant 78 : i32
    %dma_wait3A_74 = arith.constant 0 : i32
    %dma_wait3A_75 = arith.constant 0 : i32
    %dma_wait3A_76 = tpu.memref_slice %arg8[%dma_wait3A_72, %dma_wait3A_74, %dma_wait3A_75] : memref<2x125x16xf32, #tpu.memory_space<vmem>> -> memref<1x125x16xf32, #tpu.memory_space<vmem>>
    %dma_wait3A_77 = tpu.memref_squeeze %dma_wait3A_76 : memref<1x125x16xf32, #tpu.memory_space<vmem>> -> memref<125x16xf32, #tpu.memory_space<vmem>>
    %dma_wait3A_78 = arith.constant 0 : i32
    %dma_wait3A_79 = tpu.memref_slice %arg7[%dma_wait3A_73, %dma_wait3A_78] : memref<80x125xi32, #tpu.memory_space<vmem>> -> memref<1x125xi32, #tpu.memory_space<vmem>>
    %dma_wait3A_80 = tpu.memref_squeeze %dma_wait3A_79 : memref<1x125xi32, #tpu.memory_space<vmem>> -> memref<125xi32, #tpu.memory_space<vmem>>
    %dma_wait3A_81 = arith.constant 0 : i32
    %dma_wait3A_82 = arith.constant 0 : i32
    %dma_wait3A_83 = tpu.memref_slice %arg11[%dma_wait3A_81, %dma_wait3A_82] : memref<10240x16xf32, #tpu.memory_space<vmem_shared>> -> memref<10240x16xf32, #tpu.memory_space<vmem_shared>>
    tpu.wait_indirect_dma semaphore(%arg13 : memref<!tpu.dma_semaphore, #tpu.memory_space<semaphore_mem>>) src(%dma_wait3A_77 : memref<125x16xf32, #tpu.memory_space<vmem>>) dst(%dma_wait3A_83 : memref<10240x16xf32, #tpu.memory_space<vmem_shared>>)
    %dma_wait3A_84 = arith.constant 79 : i32
    %dma_wait3A_85 = arith.constant 1 : i32
    %dma_wait3A_86 = arith.constant 0 : i32
    %dma_wait3A_87 = arith.constant 0 : i32
    %dma_wait3A_88 = tpu.memref_slice %arg8[%dma_wait3A_85, %dma_wait3A_86, %dma_wait3A_87] : memref<2x125x16xf32, #tpu.memory_space<vmem>> -> memref<1x125x16xf32, #tpu.memory_space<vmem>>
    %dma_wait3A_89 = tpu.memref_squeeze %dma_wait3A_88 : memref<1x125x16xf32, #tpu.memory_space<vmem>> -> memref<125x16xf32, #tpu.memory_space<vmem>>
    %dma_wait3A_90 = arith.constant 0 : i32
    %dma_wait3A_91 = tpu.memref_slice %arg6[%dma_wait3A_84, %dma_wait3A_90] : memref<80x125xi32, #tpu.memory_space<vmem>> -> memref<1x125xi32, #tpu.memory_space<vmem>>
    %dma_wait3A_92 = tpu.memref_squeeze %dma_wait3A_91 : memref<1x125xi32, #tpu.memory_space<vmem>> -> memref<125xi32, #tpu.memory_space<vmem>>
    %dma_wait3A_93 = arith.constant 0 : i32
    %dma_wait3A_94 = arith.constant 0 : i32
    %dma_wait3A_95 = tpu.memref_slice %arg10[%dma_wait3A_93, %dma_wait3A_94] : memref<10240x16xf32, #tpu.memory_space<vmem_shared>> -> memref<10240x16xf32, #tpu.memory_space<vmem_shared>>
    tpu.wait_indirect_dma semaphore(%arg12 : memref<!tpu.dma_semaphore, #tpu.memory_space<semaphore_mem>>) src(%dma_wait3A_95 : memref<10240x16xf32, #tpu.memory_space<vmem_shared>>) dst(%dma_wait3A_89 : memref<125x16xf32, #tpu.memory_space<vmem>>)
    %dma_start3A_96 = arith.constant 1 : i32
    %dma_start3A_97 = arith.constant 79 : i32
    %dma_start3A_98 = arith.constant 0 : i32
    %dma_start3A_99 = arith.constant 0 : i32
    %dma_start3A_100 = tpu.memref_slice %arg8[%dma_start3A_96, %dma_start3A_98, %dma_start3A_99] : memref<2x125x16xf32, #tpu.memory_space<vmem>> -> memref<1x125x16xf32, #tpu.memory_space<vmem>>
    %dma_start3A_101 = tpu.memref_squeeze %dma_start3A_100 : memref<1x125x16xf32, #tpu.memory_space<vmem>> -> memref<125x16xf32, #tpu.memory_space<vmem>>
    %dma_start3A_102 = arith.constant 0 : i32
    %dma_start3A_103 = tpu.memref_slice %arg7[%dma_start3A_97, %dma_start3A_102] : memref<80x125xi32, #tpu.memory_space<vmem>> -> memref<1x125xi32, #tpu.memory_space<vmem>>
    %dma_start3A_104 = tpu.memref_squeeze %dma_start3A_103 : memref<1x125xi32, #tpu.memory_space<vmem>> -> memref<125xi32, #tpu.memory_space<vmem>>
    %dma_start3A_105 = arith.constant 0 : i32
    %dma_start3A_106 = arith.constant 0 : i32
    %dma_start3A_107 = tpu.memref_slice %arg11[%dma_start3A_105, %dma_start3A_106] : memref<10240x16xf32, #tpu.memory_space<vmem_shared>> -> memref<10240x16xf32, #tpu.memory_space<vmem_shared>>
    tpu.enqueue_indirect_dma source(%dma_start3A_101 : memref<125x16xf32, #tpu.memory_space<vmem>>) target(%dma_start3A_107 : memref<10240x16xf32, #tpu.memory_space<vmem_shared>>) offsets(%dma_start3A_104 : memref<125xi32, #tpu.memory_space<vmem>>) semaphore(%arg13 : memref<!tpu.dma_semaphore, #tpu.memory_space<semaphore_mem>>) {add = true}
    %dma_wait3A_108 = arith.constant 1 : i32
    %dma_wait3A_109 = arith.constant 79 : i32
    %dma_wait3A_110 = arith.constant 0 : i32
    %dma_wait3A_111 = arith.constant 0 : i32
    %dma_wait3A_112 = tpu.memref_slice %arg8[%dma_wait3A_108, %dma_wait3A_110, %dma_wait3A_111] : memref<2x125x16xf32, #tpu.memory_space<vmem>> -> memref<1x125x16xf32, #tpu.memory_space<vmem>>
    %dma_wait3A_113 = tpu.memref_squeeze %dma_wait3A_112 : memref<1x125x16xf32, #tpu.memory_space<vmem>> -> memref<125x16xf32, #tpu.memory_space<vmem>>
    %dma_wait3A_114 = arith.constant 0 : i32
    %dma_wait3A_115 = tpu.memref_slice %arg7[%dma_wait3A_109, %dma_wait3A_114] : memref<80x125xi32, #tpu.memory_space<vmem>> -> memref<1x125xi32, #tpu.memory_space<vmem>>
    %dma_wait3A_116 = tpu.memref_squeeze %dma_wait3A_115 : memref<1x125xi32, #tpu.memory_space<vmem>> -> memref<125xi32, #tpu.memory_space<vmem>>
    %dma_wait3A_117 = arith.constant 0 : i32
    %dma_wait3A_118 = arith.constant 0 : i32
    %dma_wait3A_119 = tpu.memref_slice %arg11[%dma_wait3A_117, %dma_wait3A_118] : memref<10240x16xf32, #tpu.memory_space<vmem_shared>> -> memref<10240x16xf32, #tpu.memory_space<vmem_shared>>
    tpu.wait_indirect_dma semaphore(%arg13 : memref<!tpu.dma_semaphore, #tpu.memory_space<semaphore_mem>>) src(%dma_wait3A_113 : memref<125x16xf32, #tpu.memory_space<vmem>>) dst(%dma_wait3A_119 : memref<10240x16xf32, #tpu.memory_space<vmem_shared>>)
    %barrier3A_120 = arith.constant 0 : index
    tpu.barrier barrier_id(%barrier3A_120)
    %mul3A_121 = arith.constant 640 : i32
    %mul3A_122 = arith.muli %arg1, %mul3A_121 : i32
    %mul3A_123 = arith.constant 640 : i32
    %mul3A_124 = arith.muli %arg1, %mul3A_123 : i32
    "tpu.region"() ({
      %run_scoped3A = tpu.sem_alloc : memref<!tpu.dma_semaphore, #tpu.memory_space<semaphore_mem>>
      %dma_start3A_125 = arith.constant 0 : i32
      %dma_start3A_126 = tpu.memref_slice %arg5[%arg0, %mul3A_124, %dma_start3A_125] : memref<2x10240x16xf32, #tpu.memory_space<hbm>> -> memref<1x640x16xf32, #tpu.memory_space<hbm>>
      %dma_start3A_127 = tpu.memref_squeeze %dma_start3A_126 : memref<1x640x16xf32, #tpu.memory_space<hbm>> -> memref<640x16xf32, #tpu.memory_space<hbm>>
      %dma_start3A_128 = arith.constant 0 : i32
      %dma_start3A_129 = tpu.memref_slice %arg11[%mul3A_122, %dma_start3A_128] : memref<10240x16xf32, #tpu.memory_space<vmem_shared>> -> memref<640x16xf32, #tpu.memory_space<vmem_shared>>
      tpu.enqueue_dma source(%dma_start3A_129 : memref<640x16xf32, #tpu.memory_space<vmem_shared>>) target(%dma_start3A_127 : memref<640x16xf32, #tpu.memory_space<hbm>>) target_semaphore(%run_scoped3A : memref<!tpu.dma_semaphore, #tpu.memory_space<semaphore_mem>>)
      %dma_wait3A_130 = arith.constant 0 : i32
      %dma_wait3A_131 = tpu.memref_slice %arg5[%arg0, %mul3A_124, %dma_wait3A_130] : memref<2x10240x16xf32, #tpu.memory_space<hbm>> -> memref<1x640x16xf32, #tpu.memory_space<hbm>>
      %dma_wait3A_132 = tpu.memref_squeeze %dma_wait3A_131 : memref<1x640x16xf32, #tpu.memory_space<hbm>> -> memref<640x16xf32, #tpu.memory_space<hbm>>
      %dma_wait3A_133 = arith.constant 0 : i32
      %dma_wait3A_134 = tpu.memref_slice %arg11[%mul3A_122, %dma_wait3A_133] : memref<10240x16xf32, #tpu.memory_space<vmem_shared>> -> memref<640x16xf32, #tpu.memory_space<vmem_shared>>
      tpu.wait_dma2 semaphore(%run_scoped3A : memref<!tpu.dma_semaphore, #tpu.memory_space<semaphore_mem>>) src(%dma_wait3A_134 : memref<640x16xf32, #tpu.memory_space<vmem_shared>>) dst(%dma_wait3A_132 : memref<640x16xf32, #tpu.memory_space<hbm>>)
      tpu.yield
    }) : () -> ()
    return
  }
}

#map = affine_map<(d0, d1) -> (0, 0, 0)>
#map1 = affine_map<(d0, d1) -> (0, 0)>
#map2 = affine_map<(d0, d1) -> (0)>
module attributes {stable_mosaic.version = 14 : i64} {
  func.func @_agg2_body(%arg0: i32, %arg1: i32, %arg2: memref<2x10240x16xf32, #tpu.memory_space<hbm>>, %arg3: memref<10000x16xf32, #tpu.memory_space<hbm>>, %arg4: memref<10000x16xf32, #tpu.memory_space<hbm>>, %arg5: memref<16xf32, #tpu.memory_space<hbm>>, %arg6: memref<2560x125xi32, #tpu.memory_space<hbm>>, %arg7: memref<2560x125xi32, #tpu.memory_space<hbm>>, %arg8: memref<2x10240x16xf32, #tpu.memory_space<hbm>>, %arg9: memref<10240x16xf32, #tpu.memory_space<hbm>>, %arg10: memref<80x125xi32, #tpu.memory_space<vmem>>, %arg11: memref<80x125xi32, #tpu.memory_space<vmem>>, %arg12: memref<2x125x16xf32, #tpu.memory_space<vmem>>, %arg13: memref<640x16xf32, #tpu.memory_space<vmem>>, %arg14: memref<640x16xf32, #tpu.memory_space<vmem>>, %arg15: memref<640x16xf32, #tpu.memory_space<vmem>>, %arg16: memref<640x16xf32, #tpu.memory_space<vmem>>, %arg17: memref<640x16xf32, #tpu.memory_space<vmem>>, %arg18: memref<16xf32, #tpu.memory_space<vmem>>, %arg19: memref<10240x16xf32, #tpu.memory_space<vmem_shared>>, %arg20: memref<10240x16xf32, #tpu.memory_space<vmem_shared>>, %arg21: memref<!tpu.dma_semaphore, #tpu.memory_space<semaphore_mem>>, %arg22: memref<!tpu.dma_semaphore, #tpu.memory_space<semaphore_mem>>) attributes {dimension_semantics = [#tpu.dimension_semantics<core_parallel>, #tpu.dimension_semantics<subcore_parallel>], iteration_bounds = array<i64: 2, 16>, scalar_prefetch = 0 : i64, scratch_operands = 13 : i64, tpu.core_type = #tpu.core_type<sc_vector_subcore>, window_params = [{transform_indices = #map}, {transform_indices = #map1}, {transform_indices = #map1}, {transform_indices = #map2}, {transform_indices = #map1}, {transform_indices = #map1}, {transform_indices = #map}, {transform_indices = #map1}]} {
    %mul3A = arith.constant 2 : i32
    %mul3A_0 = arith.muli %arg1, %mul3A : i32
    %add3A = arith.addi %mul3A_0, %arg0 : i32
    %scan3A = arith.constant 0 : i32
    %scan3A_1 = arith.constant 0 : i32
    %scan3A_2 = arith.constant 640 : i32
    %scan3A_3 = arith.addi %scan3A_1, %scan3A_2 : i32
    %scan3A_4 = arith.constant 8 : i32
    %scan3A_5 = scf.for %scan3A_153 = %scan3A_1 to %scan3A_3 step %scan3A_4 iter_args(%scan3A_154 = %scan3A) -> (i32)  : i32 {
      %broadcast_in_dim3A = arith.constant 0.000000e+00 : f32
      %broadcast_in_dim3A_155 = vector.broadcast %broadcast_in_dim3A : f32 to vector<16xf32>
      %swap3A = arith.index_cast %scan3A_153 : i32 to index
      %swap3A_156 = arith.constant 0 : index
      %swap3A_157 = tpu.vector_load %arg17[%swap3A, %swap3A_156] {strides = array<i32>} : memref<640x16xf32, #tpu.memory_space<vmem>>, vector<1x16xf32>,
      %swap3A_158 = vector.shape_cast %swap3A_157 : vector<1x16xf32> to vector<16xf32>
      %swap3A_159 = vector.shape_cast %broadcast_in_dim3A_155 : vector<16xf32> to vector<1x16xf32>
      tpu.vector_store %arg17[%swap3A, %swap3A_156], %swap3A_159 {strides = array<i32>} : memref<640x16xf32, #tpu.memory_space<vmem>>, vector<1x16xf32>,
      %scan3A_160 = arith.constant 0 : i32
      %scan3A_161 = arith.constant 1 : i32
      %scan3A_162 = arith.addi %scan3A_153, %scan3A_161 : i32
      %broadcast_in_dim3A_163 = arith.constant 0.000000e+00 : f32
      %broadcast_in_dim3A_164 = vector.broadcast %broadcast_in_dim3A_163 : f32 to vector<16xf32>
      %swap3A_165 = arith.index_cast %scan3A_162 : i32 to index
      %swap3A_166 = arith.constant 0 : index
      %swap3A_167 = tpu.vector_load %arg17[%swap3A_165, %swap3A_166] {strides = array<i32>} : memref<640x16xf32, #tpu.memory_space<vmem>>, vector<1x16xf32>,
      %swap3A_168 = vector.shape_cast %swap3A_167 : vector<1x16xf32> to vector<16xf32>
      %swap3A_169 = vector.shape_cast %broadcast_in_dim3A_164 : vector<16xf32> to vector<1x16xf32>
      tpu.vector_store %arg17[%swap3A_165, %swap3A_166], %swap3A_169 {strides = array<i32>} : memref<640x16xf32, #tpu.memory_space<vmem>>, vector<1x16xf32>,
      %scan3A_170 = arith.constant 0 : i32
      %scan3A_171 = arith.constant 2 : i32
      %scan3A_172 = arith.addi %scan3A_153, %scan3A_171 : i32
      %broadcast_in_dim3A_173 = arith.constant 0.000000e+00 : f32
      %broadcast_in_dim3A_174 = vector.broadcast %broadcast_in_dim3A_173 : f32 to vector<16xf32>
      %swap3A_175 = arith.index_cast %scan3A_172 : i32 to index
      %swap3A_176 = arith.constant 0 : index
      %swap3A_177 = tpu.vector_load %arg17[%swap3A_175, %swap3A_176] {strides = array<i32>} : memref<640x16xf32, #tpu.memory_space<vmem>>, vector<1x16xf32>,
      %swap3A_178 = vector.shape_cast %swap3A_177 : vector<1x16xf32> to vector<16xf32>
      %swap3A_179 = vector.shape_cast %broadcast_in_dim3A_174 : vector<16xf32> to vector<1x16xf32>
      tpu.vector_store %arg17[%swap3A_175, %swap3A_176], %swap3A_179 {strides = array<i32>} : memref<640x16xf32, #tpu.memory_space<vmem>>, vector<1x16xf32>,
      %scan3A_180 = arith.constant 0 : i32
      %scan3A_181 = arith.constant 3 : i32
      %scan3A_182 = arith.addi %scan3A_153, %scan3A_181 : i32
      %broadcast_in_dim3A_183 = arith.constant 0.000000e+00 : f32
      %broadcast_in_dim3A_184 = vector.broadcast %broadcast_in_dim3A_183 : f32 to vector<16xf32>
      %swap3A_185 = arith.index_cast %scan3A_182 : i32 to index
      %swap3A_186 = arith.constant 0 : index
      %swap3A_187 = tpu.vector_load %arg17[%swap3A_185, %swap3A_186] {strides = array<i32>} : memref<640x16xf32, #tpu.memory_space<vmem>>, vector<1x16xf32>,
      %swap3A_188 = vector.shape_cast %swap3A_187 : vector<1x16xf32> to vector<16xf32>
      %swap3A_189 = vector.shape_cast %broadcast_in_dim3A_184 : vector<16xf32> to vector<1x16xf32>
      tpu.vector_store %arg17[%swap3A_185, %swap3A_186], %swap3A_189 {strides = array<i32>} : memref<640x16xf32, #tpu.memory_space<vmem>>, vector<1x16xf32>,
      %scan3A_190 = arith.constant 0 : i32
      %scan3A_191 = arith.constant 4 : i32
      %scan3A_192 = arith.addi %scan3A_153, %scan3A_191 : i32
      %broadcast_in_dim3A_193 = arith.constant 0.000000e+00 : f32
      %broadcast_in_dim3A_194 = vector.broadcast %broadcast_in_dim3A_193 : f32 to vector<16xf32>
      %swap3A_195 = arith.index_cast %scan3A_192 : i32 to index
      %swap3A_196 = arith.constant 0 : index
      %swap3A_197 = tpu.vector_load %arg17[%swap3A_195, %swap3A_196] {strides = array<i32>} : memref<640x16xf32, #tpu.memory_space<vmem>>, vector<1x16xf32>,
      %swap3A_198 = vector.shape_cast %swap3A_197 : vector<1x16xf32> to vector<16xf32>
      %swap3A_199 = vector.shape_cast %broadcast_in_dim3A_194 : vector<16xf32> to vector<1x16xf32>
      tpu.vector_store %arg17[%swap3A_195, %swap3A_196], %swap3A_199 {strides = array<i32>} : memref<640x16xf32, #tpu.memory_space<vmem>>, vector<1x16xf32>,
      %scan3A_200 = arith.constant 0 : i32
      %scan3A_201 = arith.constant 5 : i32
      %scan3A_202 = arith.addi %scan3A_153, %scan3A_201 : i32
      %broadcast_in_dim3A_203 = arith.constant 0.000000e+00 : f32
      %broadcast_in_dim3A_204 = vector.broadcast %broadcast_in_dim3A_203 : f32 to vector<16xf32>
      %swap3A_205 = arith.index_cast %scan3A_202 : i32 to index
      %swap3A_206 = arith.constant 0 : index
      %swap3A_207 = tpu.vector_load %arg17[%swap3A_205, %swap3A_206] {strides = array<i32>} : memref<640x16xf32, #tpu.memory_space<vmem>>, vector<1x16xf32>,
      %swap3A_208 = vector.shape_cast %swap3A_207 : vector<1x16xf32> to vector<16xf32>
      %swap3A_209 = vector.shape_cast %broadcast_in_dim3A_204 : vector<16xf32> to vector<1x16xf32>
      tpu.vector_store %arg17[%swap3A_205, %swap3A_206], %swap3A_209 {strides = array<i32>} : memref<640x16xf32, #tpu.memory_space<vmem>>, vector<1x16xf32>,
      %scan3A_210 = arith.constant 0 : i32
      %scan3A_211 = arith.constant 6 : i32
      %scan3A_212 = arith.addi %scan3A_153, %scan3A_211 : i32
      %broadcast_in_dim3A_213 = arith.constant 0.000000e+00 : f32
      %broadcast_in_dim3A_214 = vector.broadcast %broadcast_in_dim3A_213 : f32 to vector<16xf32>
      %swap3A_215 = arith.index_cast %scan3A_212 : i32 to index
      %swap3A_216 = arith.constant 0 : index
      %swap3A_217 = tpu.vector_load %arg17[%swap3A_215, %swap3A_216] {strides = array<i32>} : memref<640x16xf32, #tpu.memory_space<vmem>>, vector<1x16xf32>,
      %swap3A_218 = vector.shape_cast %swap3A_217 : vector<1x16xf32> to vector<16xf32>
      %swap3A_219 = vector.shape_cast %broadcast_in_dim3A_214 : vector<16xf32> to vector<1x16xf32>
      tpu.vector_store %arg17[%swap3A_215, %swap3A_216], %swap3A_219 {strides = array<i32>} : memref<640x16xf32, #tpu.memory_space<vmem>>, vector<1x16xf32>,
      %scan3A_220 = arith.constant 0 : i32
      %scan3A_221 = arith.constant 7 : i32
      %scan3A_222 = arith.addi %scan3A_153, %scan3A_221 : i32
      %broadcast_in_dim3A_223 = arith.constant 0.000000e+00 : f32
      %broadcast_in_dim3A_224 = vector.broadcast %broadcast_in_dim3A_223 : f32 to vector<16xf32>
      %swap3A_225 = arith.index_cast %scan3A_222 : i32 to index
      %swap3A_226 = arith.constant 0 : index
      %swap3A_227 = tpu.vector_load %arg17[%swap3A_225, %swap3A_226] {strides = array<i32>} : memref<640x16xf32, #tpu.memory_space<vmem>>, vector<1x16xf32>,
      %swap3A_228 = vector.shape_cast %swap3A_227 : vector<1x16xf32> to vector<16xf32>
      %swap3A_229 = vector.shape_cast %broadcast_in_dim3A_224 : vector<16xf32> to vector<1x16xf32>
      tpu.vector_store %arg17[%swap3A_225, %swap3A_226], %swap3A_229 {strides = array<i32>} : memref<640x16xf32, #tpu.memory_space<vmem>>, vector<1x16xf32>,
      %scan3A_230 = arith.constant 0 : i32
      scf.yield %scan3A_230 : i32
    }
    %scan3A_6 = arith.constant 640 : i32
    %mul3A_7 = arith.constant 640 : i32
    %mul3A_8 = arith.muli %arg1, %mul3A_7 : i32
    "tpu.region"() ({
      %run_scoped3A_153 = tpu.sem_alloc : memref<!tpu.dma_semaphore, #tpu.memory_space<semaphore_mem>>
      %dma_start3A_154 = arith.constant 0 : i32
      %dma_start3A_155 = tpu.memref_slice %arg20[%mul3A_8, %dma_start3A_154] : memref<10240x16xf32, #tpu.memory_space<vmem_shared>> -> memref<640x16xf32, #tpu.memory_space<vmem_shared>>
      %dma_start3A_156 = arith.constant 0 : i32
      %dma_start3A_157 = tpu.memref_slice %arg20[%mul3A_8, %dma_start3A_156] : memref<10240x16xf32, #tpu.memory_space<vmem_shared>> -> memref<640x16xf32, #tpu.memory_space<vmem_shared>>
      tpu.enqueue_dma source(%arg17 : memref<640x16xf32, #tpu.memory_space<vmem>>) target(%dma_start3A_157 : memref<640x16xf32, #tpu.memory_space<vmem_shared>>) target_semaphore(%run_scoped3A_153 : memref<!tpu.dma_semaphore, #tpu.memory_space<semaphore_mem>>)
      %dma_wait3A_158 = arith.constant 0 : i32
      %dma_wait3A_159 = tpu.memref_slice %arg20[%mul3A_8, %dma_wait3A_158] : memref<10240x16xf32, #tpu.memory_space<vmem_shared>> -> memref<640x16xf32, #tpu.memory_space<vmem_shared>>
      %dma_wait3A_160 = arith.constant 0 : i32
      %dma_wait3A_161 = tpu.memref_slice %arg20[%mul3A_8, %dma_wait3A_160] : memref<10240x16xf32, #tpu.memory_space<vmem_shared>> -> memref<640x16xf32, #tpu.memory_space<vmem_shared>>
      tpu.wait_dma2 semaphore(%run_scoped3A_153 : memref<!tpu.dma_semaphore, #tpu.memory_space<semaphore_mem>>) src(%arg17 : memref<640x16xf32, #tpu.memory_space<vmem>>) dst(%dma_wait3A_161 : memref<640x16xf32, #tpu.memory_space<vmem_shared>>)
      tpu.yield
    }) : () -> ()
    %mul3A_9 = arith.constant 80 : i32
    %mul3A_10 = arith.muli %add3A, %mul3A_9 : i32
    "tpu.region"() ({
      %run_scoped3A_153 = tpu.sem_alloc : memref<!tpu.dma_semaphore, #tpu.memory_space<semaphore_mem>>
      %dma_start3A_154 = arith.constant 0 : i32
      %dma_start3A_155 = tpu.memref_slice %arg6[%mul3A_10, %dma_start3A_154] : memref<2560x125xi32, #tpu.memory_space<hbm>> -> memref<80x125xi32, #tpu.memory_space<hbm>>
      %dma_start3A_156 = arith.constant 0 : i32
      %dma_start3A_157 = tpu.memref_slice %arg6[%mul3A_10, %dma_start3A_156] : memref<2560x125xi32, #tpu.memory_space<hbm>> -> memref<80x125xi32, #tpu.memory_space<hbm>>
      tpu.enqueue_dma source(%dma_start3A_157 : memref<80x125xi32, #tpu.memory_space<hbm>>) target(%arg10 : memref<80x125xi32, #tpu.memory_space<vmem>>) target_semaphore(%run_scoped3A_153 : memref<!tpu.dma_semaphore, #tpu.memory_space<semaphore_mem>>)
      %dma_wait3A_158 = arith.constant 0 : i32
      %dma_wait3A_159 = tpu.memref_slice %arg6[%mul3A_10, %dma_wait3A_158] : memref<2560x125xi32, #tpu.memory_space<hbm>> -> memref<80x125xi32, #tpu.memory_space<hbm>>
      %dma_wait3A_160 = arith.constant 0 : i32
      %dma_wait3A_161 = tpu.memref_slice %arg6[%mul3A_10, %dma_wait3A_160] : memref<2560x125xi32, #tpu.memory_space<hbm>> -> memref<80x125xi32, #tpu.memory_space<hbm>>
      tpu.wait_dma2 semaphore(%run_scoped3A_153 : memref<!tpu.dma_semaphore, #tpu.memory_space<semaphore_mem>>) src(%dma_wait3A_161 : memref<80x125xi32, #tpu.memory_space<hbm>>) dst(%arg10 : memref<80x125xi32, #tpu.memory_space<vmem>>)
      tpu.yield
    }) : () -> ()
    %mul3A_11 = arith.constant 80 : i32
    %mul3A_12 = arith.muli %add3A, %mul3A_11 : i32
    "tpu.region"() ({
      %run_scoped3A_153 = tpu.sem_alloc : memref<!tpu.dma_semaphore, #tpu.memory_space<semaphore_mem>>
      %dma_start3A_154 = arith.constant 0 : i32
      %dma_start3A_155 = tpu.memref_slice %arg7[%mul3A_12, %dma_start3A_154] : memref<2560x125xi32, #tpu.memory_space<hbm>> -> memref<80x125xi32, #tpu.memory_space<hbm>>
      %dma_start3A_156 = arith.constant 0 : i32
      %dma_start3A_157 = tpu.memref_slice %arg7[%mul3A_12, %dma_start3A_156] : memref<2560x125xi32, #tpu.memory_space<hbm>> -> memref<80x125xi32, #tpu.memory_space<hbm>>
      tpu.enqueue_dma source(%dma_start3A_157 : memref<80x125xi32, #tpu.memory_space<hbm>>) target(%arg11 : memref<80x125xi32, #tpu.memory_space<vmem>>) target_semaphore(%run_scoped3A_153 : memref<!tpu.dma_semaphore, #tpu.memory_space<semaphore_mem>>)
      %dma_wait3A_158 = arith.constant 0 : i32
      %dma_wait3A_159 = tpu.memref_slice %arg7[%mul3A_12, %dma_wait3A_158] : memref<2560x125xi32, #tpu.memory_space<hbm>> -> memref<80x125xi32, #tpu.memory_space<hbm>>
      %dma_wait3A_160 = arith.constant 0 : i32
      %dma_wait3A_161 = tpu.memref_slice %arg7[%mul3A_12, %dma_wait3A_160] : memref<2560x125xi32, #tpu.memory_space<hbm>> -> memref<80x125xi32, #tpu.memory_space<hbm>>
      tpu.wait_dma2 semaphore(%run_scoped3A_153 : memref<!tpu.dma_semaphore, #tpu.memory_space<semaphore_mem>>) src(%dma_wait3A_161 : memref<80x125xi32, #tpu.memory_space<hbm>>) dst(%arg11 : memref<80x125xi32, #tpu.memory_space<vmem>>)
      tpu.yield
    }) : () -> ()
    %mul3A_13 = arith.constant 640 : i32
    %mul3A_14 = arith.muli %arg1, %mul3A_13 : i32
    %run_scoped3A = arith.constant 0 : i32
    "tpu.region"() ({
      %run_scoped3A_153 = tpu.sem_alloc : memref<!tpu.dma_semaphore, #tpu.memory_space<semaphore_mem>>
      %dma_start3A_154 = arith.constant 0 : i32
      %dma_start3A_155 = tpu.memref_slice %arg2[%run_scoped3A, %mul3A_14, %dma_start3A_154] : memref<2x10240x16xf32, #tpu.memory_space<hbm>> -> memref<1x640x16xf32, #tpu.memory_space<hbm>>
      %dma_start3A_156 = tpu.memref_squeeze %dma_start3A_155 : memref<1x640x16xf32, #tpu.memory_space<hbm>> -> memref<640x16xf32, #tpu.memory_space<hbm>>
      %dma_start3A_157 = arith.constant 0 : i32
      %dma_start3A_158 = tpu.memref_slice %arg2[%run_scoped3A, %mul3A_14, %dma_start3A_157] : memref<2x10240x16xf32, #tpu.memory_space<hbm>> -> memref<1x640x16xf32, #tpu.memory_space<hbm>>
      %dma_start3A_159 = tpu.memref_squeeze %dma_start3A_158 : memref<1x640x16xf32, #tpu.memory_space<hbm>> -> memref<640x16xf32, #tpu.memory_space<hbm>>
      tpu.enqueue_dma source(%dma_start3A_159 : memref<640x16xf32, #tpu.memory_space<hbm>>) target(%arg13 : memref<640x16xf32, #tpu.memory_space<vmem>>) target_semaphore(%run_scoped3A_153 : memref<!tpu.dma_semaphore, #tpu.memory_space<semaphore_mem>>)
      %dma_wait3A_160 = arith.constant 0 : i32
      %dma_wait3A_161 = tpu.memref_slice %arg2[%run_scoped3A, %mul3A_14, %dma_wait3A_160] : memref<2x10240x16xf32, #tpu.memory_space<hbm>> -> memref<1x640x16xf32, #tpu.memory_space<hbm>>
      %dma_wait3A_162 = tpu.memref_squeeze %dma_wait3A_161 : memref<1x640x16xf32, #tpu.memory_space<hbm>> -> memref<640x16xf32, #tpu.memory_space<hbm>>
      %dma_wait3A_163 = arith.constant 0 : i32
      %dma_wait3A_164 = tpu.memref_slice %arg2[%run_scoped3A, %mul3A_14, %dma_wait3A_163] : memref<2x10240x16xf32, #tpu.memory_space<hbm>> -> memref<1x640x16xf32, #tpu.memory_space<hbm>>
      %dma_wait3A_165 = tpu.memref_squeeze %dma_wait3A_164 : memref<1x640x16xf32, #tpu.memory_space<hbm>> -> memref<640x16xf32, #tpu.memory_space<hbm>>
      tpu.wait_dma2 semaphore(%run_scoped3A_153 : memref<!tpu.dma_semaphore, #tpu.memory_space<semaphore_mem>>) src(%dma_wait3A_165 : memref<640x16xf32, #tpu.memory_space<hbm>>) dst(%arg13 : memref<640x16xf32, #tpu.memory_space<vmem>>)
      tpu.yield
    }) : () -> ()
    %mul3A_15 = arith.constant 640 : i32
    %mul3A_16 = arith.muli %arg1, %mul3A_15 : i32
    %run_scoped3A_17 = arith.constant 1 : i32
    "tpu.region"() ({
      %run_scoped3A_153 = tpu.sem_alloc : memref<!tpu.dma_semaphore, #tpu.memory_space<semaphore_mem>>
      %dma_start3A_154 = arith.constant 0 : i32
      %dma_start3A_155 = tpu.memref_slice %arg2[%run_scoped3A_17, %mul3A_16, %dma_start3A_154] : memref<2x10240x16xf32, #tpu.memory_space<hbm>> -> memref<1x640x16xf32, #tpu.memory_space<hbm>>
      %dma_start3A_156 = tpu.memref_squeeze %dma_start3A_155 : memref<1x640x16xf32, #tpu.memory_space<hbm>> -> memref<640x16xf32, #tpu.memory_space<hbm>>
      %dma_start3A_157 = arith.constant 0 : i32
      %dma_start3A_158 = tpu.memref_slice %arg2[%run_scoped3A_17, %mul3A_16, %dma_start3A_157] : memref<2x10240x16xf32, #tpu.memory_space<hbm>> -> memref<1x640x16xf32, #tpu.memory_space<hbm>>
      %dma_start3A_159 = tpu.memref_squeeze %dma_start3A_158 : memref<1x640x16xf32, #tpu.memory_space<hbm>> -> memref<640x16xf32, #tpu.memory_space<hbm>>
      tpu.enqueue_dma source(%dma_start3A_159 : memref<640x16xf32, #tpu.memory_space<hbm>>) target(%arg14 : memref<640x16xf32, #tpu.memory_space<vmem>>) target_semaphore(%run_scoped3A_153 : memref<!tpu.dma_semaphore, #tpu.memory_space<semaphore_mem>>)
      %dma_wait3A_160 = arith.constant 0 : i32
      %dma_wait3A_161 = tpu.memref_slice %arg2[%run_scoped3A_17, %mul3A_16, %dma_wait3A_160] : memref<2x10240x16xf32, #tpu.memory_space<hbm>> -> memref<1x640x16xf32, #tpu.memory_space<hbm>>
      %dma_wait3A_162 = tpu.memref_squeeze %dma_wait3A_161 : memref<1x640x16xf32, #tpu.memory_space<hbm>> -> memref<640x16xf32, #tpu.memory_space<hbm>>
      %dma_wait3A_163 = arith.constant 0 : i32
      %dma_wait3A_164 = tpu.memref_slice %arg2[%run_scoped3A_17, %mul3A_16, %dma_wait3A_163] : memref<2x10240x16xf32, #tpu.memory_space<hbm>> -> memref<1x640x16xf32, #tpu.memory_space<hbm>>
      %dma_wait3A_165 = tpu.memref_squeeze %dma_wait3A_164 : memref<1x640x16xf32, #tpu.memory_space<hbm>> -> memref<640x16xf32, #tpu.memory_space<hbm>>
      tpu.wait_dma2 semaphore(%run_scoped3A_153 : memref<!tpu.dma_semaphore, #tpu.memory_space<semaphore_mem>>) src(%dma_wait3A_165 : memref<640x16xf32, #tpu.memory_space<hbm>>) dst(%arg14 : memref<640x16xf32, #tpu.memory_space<vmem>>)
      tpu.yield
    }) : () -> ()
    %lt3A = arith.constant 15 : i32
    %lt3A_18 = arith.cmpi slt, %arg1, %lt3A : i32
    %convert_element_type3A = arith.extui %lt3A_18 : i1 to i32
    %cond3A = arith.constant 0 : i32
    %cond3A_19 = arith.cmpi ne, %convert_element_type3A, %cond3A : i32
    scf.if %cond3A_19 {
      %mul3A_153 = arith.constant 640 : i32
      %mul3A_154 = arith.muli %arg1, %mul3A_153 : i32
      "tpu.region"() ({
        %run_scoped3A_155 = tpu.sem_alloc : memref<!tpu.dma_semaphore, #tpu.memory_space<semaphore_mem>>
        %dma_start3A_156 = arith.constant 0 : i32
        %dma_start3A_157 = arith.constant 0 : i32
        %dma_start3A_158 = tpu.memref_slice %arg15[%dma_start3A_156, %dma_start3A_157] : memref<640x16xf32, #tpu.memory_space<vmem>> -> memref<640x16xf32, #tpu.memory_space<vmem>>
        %dma_start3A_159 = arith.constant 0 : i32
        %dma_start3A_160 = tpu.memref_slice %arg3[%mul3A_154, %dma_start3A_159] : memref<10000x16xf32, #tpu.memory_space<hbm>> -> memref<640x16xf32, #tpu.memory_space<hbm>>
        %dma_start3A_161 = arith.constant 0 : i32
        %dma_start3A_162 = arith.constant 0 : i32
        %dma_start3A_163 = tpu.memref_slice %arg15[%dma_start3A_161, %dma_start3A_162] : memref<640x16xf32, #tpu.memory_space<vmem>> -> memref<640x16xf32, #tpu.memory_space<vmem>>
        %dma_start3A_164 = arith.constant 0 : i32
        %dma_start3A_165 = tpu.memref_slice %arg3[%mul3A_154, %dma_start3A_164] : memref<10000x16xf32, #tpu.memory_space<hbm>> -> memref<640x16xf32, #tpu.memory_space<hbm>>
        tpu.enqueue_dma source(%dma_start3A_165 : memref<640x16xf32, #tpu.memory_space<hbm>>) target(%dma_start3A_163 : memref<640x16xf32, #tpu.memory_space<vmem>>) target_semaphore(%run_scoped3A_155 : memref<!tpu.dma_semaphore, #tpu.memory_space<semaphore_mem>>)
        %dma_wait3A_166 = arith.constant 0 : i32
        %dma_wait3A_167 = arith.constant 0 : i32
        %dma_wait3A_168 = tpu.memref_slice %arg15[%dma_wait3A_166, %dma_wait3A_167] : memref<640x16xf32, #tpu.memory_space<vmem>> -> memref<640x16xf32, #tpu.memory_space<vmem>>
        %dma_wait3A_169 = arith.constant 0 : i32
        %dma_wait3A_170 = tpu.memref_slice %arg3[%mul3A_154, %dma_wait3A_169] : memref<10000x16xf32, #tpu.memory_space<hbm>> -> memref<640x16xf32, #tpu.memory_space<hbm>>
        %dma_wait3A_171 = arith.constant 0 : i32
        %dma_wait3A_172 = arith.constant 0 : i32
        %dma_wait3A_173 = tpu.memref_slice %arg15[%dma_wait3A_171, %dma_wait3A_172] : memref<640x16xf32, #tpu.memory_space<vmem>> -> memref<640x16xf32, #tpu.memory_space<vmem>>
        %dma_wait3A_174 = arith.constant 0 : i32
        %dma_wait3A_175 = tpu.memref_slice %arg3[%mul3A_154, %dma_wait3A_174] : memref<10000x16xf32, #tpu.memory_space<hbm>> -> memref<640x16xf32, #tpu.memory_space<hbm>>
        tpu.wait_dma2 semaphore(%run_scoped3A_155 : memref<!tpu.dma_semaphore, #tpu.memory_space<semaphore_mem>>) src(%dma_wait3A_175 : memref<640x16xf32, #tpu.memory_space<hbm>>) dst(%dma_wait3A_173 : memref<640x16xf32, #tpu.memory_space<vmem>>)
        tpu.yield
      }) : () -> ()
    } else {
    }
    %eq3A = arith.constant 15 : i32
    %eq3A_20 = arith.cmpi eq, %arg1, %eq3A : i32
    %convert_element_type3A_21 = arith.extui %eq3A_20 : i1 to i32
    %cond3A_22 = arith.constant 0 : i32
    %cond3A_23 = arith.cmpi ne, %convert_element_type3A_21, %cond3A_22 : i32
    scf.if %cond3A_23 {
      "tpu.region"() ({
        %run_scoped3A_153 = tpu.sem_alloc : memref<!tpu.dma_semaphore, #tpu.memory_space<semaphore_mem>>
        %dma_start3A_154 = arith.constant 0 : i32
        %dma_start3A_155 = arith.constant 0 : i32
        %dma_start3A_156 = tpu.memref_slice %arg15[%dma_start3A_154, %dma_start3A_155] : memref<640x16xf32, #tpu.memory_space<vmem>> -> memref<400x16xf32, #tpu.memory_space<vmem>>
        %dma_start3A_157 = arith.constant 9600 : i32
        %dma_start3A_158 = arith.constant 0 : i32
        %dma_start3A_159 = tpu.memref_slice %arg3[%dma_start3A_157, %dma_start3A_158] : memref<10000x16xf32, #tpu.memory_space<hbm>> -> memref<400x16xf32, #tpu.memory_space<hbm>>
        %dma_start3A_160 = arith.constant 0 : i32
        %dma_start3A_161 = arith.constant 0 : i32
        %dma_start3A_162 = tpu.memref_slice %arg15[%dma_start3A_160, %dma_start3A_161] : memref<640x16xf32, #tpu.memory_space<vmem>> -> memref<400x16xf32, #tpu.memory_space<vmem>>
        %dma_start3A_163 = arith.constant 9600 : i32
        %dma_start3A_164 = arith.constant 0 : i32
        %dma_start3A_165 = tpu.memref_slice %arg3[%dma_start3A_163, %dma_start3A_164] : memref<10000x16xf32, #tpu.memory_space<hbm>> -> memref<400x16xf32, #tpu.memory_space<hbm>>
        tpu.enqueue_dma source(%dma_start3A_165 : memref<400x16xf32, #tpu.memory_space<hbm>>) target(%dma_start3A_162 : memref<400x16xf32, #tpu.memory_space<vmem>>) target_semaphore(%run_scoped3A_153 : memref<!tpu.dma_semaphore, #tpu.memory_space<semaphore_mem>>)
        %dma_wait3A_166 = arith.constant 0 : i32
        %dma_wait3A_167 = arith.constant 0 : i32
        %dma_wait3A_168 = tpu.memref_slice %arg15[%dma_wait3A_166, %dma_wait3A_167] : memref<640x16xf32, #tpu.memory_space<vmem>> -> memref<400x16xf32, #tpu.memory_space<vmem>>
        %dma_wait3A_169 = arith.constant 9600 : i32
        %dma_wait3A_170 = arith.constant 0 : i32
        %dma_wait3A_171 = tpu.memref_slice %arg3[%dma_wait3A_169, %dma_wait3A_170] : memref<10000x16xf32, #tpu.memory_space<hbm>> -> memref<400x16xf32, #tpu.memory_space<hbm>>
        %dma_wait3A_172 = arith.constant 0 : i32
        %dma_wait3A_173 = arith.constant 0 : i32
        %dma_wait3A_174 = tpu.memref_slice %arg15[%dma_wait3A_172, %dma_wait3A_173] : memref<640x16xf32, #tpu.memory_space<vmem>> -> memref<400x16xf32, #tpu.memory_space<vmem>>
        %dma_wait3A_175 = arith.constant 9600 : i32
        %dma_wait3A_176 = arith.constant 0 : i32
        %dma_wait3A_177 = tpu.memref_slice %arg3[%dma_wait3A_175, %dma_wait3A_176] : memref<10000x16xf32, #tpu.memory_space<hbm>> -> memref<400x16xf32, #tpu.memory_space<hbm>>
        tpu.wait_dma2 semaphore(%run_scoped3A_153 : memref<!tpu.dma_semaphore, #tpu.memory_space<semaphore_mem>>) src(%dma_wait3A_177 : memref<400x16xf32, #tpu.memory_space<hbm>>) dst(%dma_wait3A_174 : memref<400x16xf32, #tpu.memory_space<vmem>>)
        tpu.yield
      }) : () -> ()
    } else {
    }
    %lt3A_24 = arith.constant 15 : i32
    %lt3A_25 = arith.cmpi slt, %arg1, %lt3A_24 : i32
    %convert_element_type3A_26 = arith.extui %lt3A_25 : i1 to i32
    %cond3A_27 = arith.constant 0 : i32
    %cond3A_28 = arith.cmpi ne, %convert_element_type3A_26, %cond3A_27 : i32
    scf.if %cond3A_28 {
      %mul3A_153 = arith.constant 640 : i32
      %mul3A_154 = arith.muli %arg1, %mul3A_153 : i32
      "tpu.region"() ({
        %run_scoped3A_155 = tpu.sem_alloc : memref<!tpu.dma_semaphore, #tpu.memory_space<semaphore_mem>>
        %dma_start3A_156 = arith.constant 0 : i32
        %dma_start3A_157 = arith.constant 0 : i32
        %dma_start3A_158 = tpu.memref_slice %arg16[%dma_start3A_156, %dma_start3A_157] : memref<640x16xf32, #tpu.memory_space<vmem>> -> memref<640x16xf32, #tpu.memory_space<vmem>>
        %dma_start3A_159 = arith.constant 0 : i32
        %dma_start3A_160 = tpu.memref_slice %arg4[%mul3A_154, %dma_start3A_159] : memref<10000x16xf32, #tpu.memory_space<hbm>> -> memref<640x16xf32, #tpu.memory_space<hbm>>
        %dma_start3A_161 = arith.constant 0 : i32
        %dma_start3A_162 = arith.constant 0 : i32
        %dma_start3A_163 = tpu.memref_slice %arg16[%dma_start3A_161, %dma_start3A_162] : memref<640x16xf32, #tpu.memory_space<vmem>> -> memref<640x16xf32, #tpu.memory_space<vmem>>
        %dma_start3A_164 = arith.constant 0 : i32
        %dma_start3A_165 = tpu.memref_slice %arg4[%mul3A_154, %dma_start3A_164] : memref<10000x16xf32, #tpu.memory_space<hbm>> -> memref<640x16xf32, #tpu.memory_space<hbm>>
        tpu.enqueue_dma source(%dma_start3A_165 : memref<640x16xf32, #tpu.memory_space<hbm>>) target(%dma_start3A_163 : memref<640x16xf32, #tpu.memory_space<vmem>>) target_semaphore(%run_scoped3A_155 : memref<!tpu.dma_semaphore, #tpu.memory_space<semaphore_mem>>)
        %dma_wait3A_166 = arith.constant 0 : i32
        %dma_wait3A_167 = arith.constant 0 : i32
        %dma_wait3A_168 = tpu.memref_slice %arg16[%dma_wait3A_166, %dma_wait3A_167] : memref<640x16xf32, #tpu.memory_space<vmem>> -> memref<640x16xf32, #tpu.memory_space<vmem>>
        %dma_wait3A_169 = arith.constant 0 : i32
        %dma_wait3A_170 = tpu.memref_slice %arg4[%mul3A_154, %dma_wait3A_169] : memref<10000x16xf32, #tpu.memory_space<hbm>> -> memref<640x16xf32, #tpu.memory_space<hbm>>
        %dma_wait3A_171 = arith.constant 0 : i32
        %dma_wait3A_172 = arith.constant 0 : i32
        %dma_wait3A_173 = tpu.memref_slice %arg16[%dma_wait3A_171, %dma_wait3A_172] : memref<640x16xf32, #tpu.memory_space<vmem>> -> memref<640x16xf32, #tpu.memory_space<vmem>>
        %dma_wait3A_174 = arith.constant 0 : i32
        %dma_wait3A_175 = tpu.memref_slice %arg4[%mul3A_154, %dma_wait3A_174] : memref<10000x16xf32, #tpu.memory_space<hbm>> -> memref<640x16xf32, #tpu.memory_space<hbm>>
        tpu.wait_dma2 semaphore(%run_scoped3A_155 : memref<!tpu.dma_semaphore, #tpu.memory_space<semaphore_mem>>) src(%dma_wait3A_175 : memref<640x16xf32, #tpu.memory_space<hbm>>) dst(%dma_wait3A_173 : memref<640x16xf32, #tpu.memory_space<vmem>>)
        tpu.yield
      }) : () -> ()
    } else {
    }
    %eq3A_29 = arith.constant 15 : i32
    %eq3A_30 = arith.cmpi eq, %arg1, %eq3A_29 : i32
    %convert_element_type3A_31 = arith.extui %eq3A_30 : i1 to i32
    %cond3A_32 = arith.constant 0 : i32
    %cond3A_33 = arith.cmpi ne, %convert_element_type3A_31, %cond3A_32 : i32
    scf.if %cond3A_33 {
      "tpu.region"() ({
        %run_scoped3A_153 = tpu.sem_alloc : memref<!tpu.dma_semaphore, #tpu.memory_space<semaphore_mem>>
        %dma_start3A_154 = arith.constant 0 : i32
        %dma_start3A_155 = arith.constant 0 : i32
        %dma_start3A_156 = tpu.memref_slice %arg16[%dma_start3A_154, %dma_start3A_155] : memref<640x16xf32, #tpu.memory_space<vmem>> -> memref<400x16xf32, #tpu.memory_space<vmem>>
        %dma_start3A_157 = arith.constant 9600 : i32
        %dma_start3A_158 = arith.constant 0 : i32
        %dma_start3A_159 = tpu.memref_slice %arg4[%dma_start3A_157, %dma_start3A_158] : memref<10000x16xf32, #tpu.memory_space<hbm>> -> memref<400x16xf32, #tpu.memory_space<hbm>>
        %dma_start3A_160 = arith.constant 0 : i32
        %dma_start3A_161 = arith.constant 0 : i32
        %dma_start3A_162 = tpu.memref_slice %arg16[%dma_start3A_160, %dma_start3A_161] : memref<640x16xf32, #tpu.memory_space<vmem>> -> memref<400x16xf32, #tpu.memory_space<vmem>>
        %dma_start3A_163 = arith.constant 9600 : i32
        %dma_start3A_164 = arith.constant 0 : i32
        %dma_start3A_165 = tpu.memref_slice %arg4[%dma_start3A_163, %dma_start3A_164] : memref<10000x16xf32, #tpu.memory_space<hbm>> -> memref<400x16xf32, #tpu.memory_space<hbm>>
        tpu.enqueue_dma source(%dma_start3A_165 : memref<400x16xf32, #tpu.memory_space<hbm>>) target(%dma_start3A_162 : memref<400x16xf32, #tpu.memory_space<vmem>>) target_semaphore(%run_scoped3A_153 : memref<!tpu.dma_semaphore, #tpu.memory_space<semaphore_mem>>)
        %dma_wait3A_166 = arith.constant 0 : i32
        %dma_wait3A_167 = arith.constant 0 : i32
        %dma_wait3A_168 = tpu.memref_slice %arg16[%dma_wait3A_166, %dma_wait3A_167] : memref<640x16xf32, #tpu.memory_space<vmem>> -> memref<400x16xf32, #tpu.memory_space<vmem>>
        %dma_wait3A_169 = arith.constant 9600 : i32
        %dma_wait3A_170 = arith.constant 0 : i32
        %dma_wait3A_171 = tpu.memref_slice %arg4[%dma_wait3A_169, %dma_wait3A_170] : memref<10000x16xf32, #tpu.memory_space<hbm>> -> memref<400x16xf32, #tpu.memory_space<hbm>>
        %dma_wait3A_172 = arith.constant 0 : i32
        %dma_wait3A_173 = arith.constant 0 : i32
        %dma_wait3A_174 = tpu.memref_slice %arg16[%dma_wait3A_172, %dma_wait3A_173] : memref<640x16xf32, #tpu.memory_space<vmem>> -> memref<400x16xf32, #tpu.memory_space<vmem>>
        %dma_wait3A_175 = arith.constant 9600 : i32
        %dma_wait3A_176 = arith.constant 0 : i32
        %dma_wait3A_177 = tpu.memref_slice %arg4[%dma_wait3A_175, %dma_wait3A_176] : memref<10000x16xf32, #tpu.memory_space<hbm>> -> memref<400x16xf32, #tpu.memory_space<hbm>>
        tpu.wait_dma2 semaphore(%run_scoped3A_153 : memref<!tpu.dma_semaphore, #tpu.memory_space<semaphore_mem>>) src(%dma_wait3A_177 : memref<400x16xf32, #tpu.memory_space<hbm>>) dst(%dma_wait3A_174 : memref<400x16xf32, #tpu.memory_space<vmem>>)
        tpu.yield
      }) : () -> ()
    } else {
    }
    "tpu.region"() ({
      %run_scoped3A_153 = tpu.sem_alloc : memref<!tpu.dma_semaphore, #tpu.memory_space<semaphore_mem>>
      tpu.enqueue_dma source(%arg5 : memref<16xf32, #tpu.memory_space<hbm>>) target(%arg18 : memref<16xf32, #tpu.memory_space<vmem>>) target_semaphore(%run_scoped3A_153 : memref<!tpu.dma_semaphore, #tpu.memory_space<semaphore_mem>>)
      tpu.wait_dma2 semaphore(%run_scoped3A_153 : memref<!tpu.dma_semaphore, #tpu.memory_space<semaphore_mem>>) src(%arg5 : memref<16xf32, #tpu.memory_space<hbm>>) dst(%arg18 : memref<16xf32, #tpu.memory_space<vmem>>)
      tpu.yield
    }) : () -> ()
    %get3A = arith.constant 0 : index
    %get3A_34 = tpu.vector_load %arg18[%get3A] {strides = array<i32>} : memref<16xf32, #tpu.memory_space<vmem>>, vector<16xf32>,
    %get3A_35 = vector.shape_cast %get3A_34 : vector<16xf32> to vector<16xf32>
    %scan3A_36 = arith.constant 0 : i32
    %scan3A_37 = arith.constant 0 : i32
    %scan3A_38 = arith.constant 640 : i32
    %scan3A_39 = arith.addi %scan3A_37, %scan3A_38 : i32
    %scan3A_40 = arith.constant 8 : i32
    %scan3A_41 = scf.for %scan3A_153 = %scan3A_37 to %scan3A_39 step %scan3A_40 iter_args(%scan3A_154 = %scan3A_36) -> (i32)  : i32 {
      %get3A_155 = arith.index_cast %scan3A_153 : i32 to index
      %get3A_156 = arith.constant 0 : index
      %get3A_157 = tpu.vector_load %arg16[%get3A_155, %get3A_156] {strides = array<i32>} : memref<640x16xf32, #tpu.memory_space<vmem>>, vector<1x16xf32>,
      %get3A_158 = vector.shape_cast %get3A_157 : vector<1x16xf32> to vector<16xf32>
      %get3A_159 = arith.index_cast %scan3A_153 : i32 to index
      %get3A_160 = arith.constant 0 : index
      %get3A_161 = tpu.vector_load %arg13[%get3A_159, %get3A_160] {strides = array<i32>} : memref<640x16xf32, #tpu.memory_space<vmem>>, vector<1x16xf32>,
      %get3A_162 = vector.shape_cast %get3A_161 : vector<1x16xf32> to vector<16xf32>
      %get3A_163 = arith.index_cast %scan3A_153 : i32 to index
      %get3A_164 = arith.constant 0 : index
      %get3A_165 = tpu.vector_load %arg14[%get3A_163, %get3A_164] {strides = array<i32>} : memref<640x16xf32, #tpu.memory_space<vmem>>, vector<1x16xf32>,
      %get3A_166 = vector.shape_cast %get3A_165 : vector<1x16xf32> to vector<16xf32>
      %add3A_167 = arith.addf %get3A_162, %get3A_166 : vector<16xf32>
      %get3A_168 = arith.index_cast %scan3A_153 : i32 to index
      %get3A_169 = arith.constant 0 : index
      %get3A_170 = tpu.vector_load %arg15[%get3A_168, %get3A_169] {strides = array<i32>} : memref<640x16xf32, #tpu.memory_space<vmem>>, vector<1x16xf32>,
      %get3A_171 = vector.shape_cast %get3A_170 : vector<1x16xf32> to vector<16xf32>
      %add3A_172 = arith.addf %add3A_167, %get3A_171 : vector<16xf32>
      %mul3A_173 = arith.mulf %get3A_158, %add3A_172 : vector<16xf32>
      %add3A_174 = arith.addf %mul3A_173, %get3A_35 : vector<16xf32>
      %mul3A_175 = arith.mulf %add3A_174, %get3A_158 : vector<16xf32>
      %swap3A = arith.index_cast %scan3A_153 : i32 to index
      %swap3A_176 = arith.constant 0 : index
      %swap3A_177 = tpu.vector_load %arg17[%swap3A, %swap3A_176] {strides = array<i32>} : memref<640x16xf32, #tpu.memory_space<vmem>>, vector<1x16xf32>,
      %swap3A_178 = vector.shape_cast %swap3A_177 : vector<1x16xf32> to vector<16xf32>
      %swap3A_179 = vector.shape_cast %mul3A_175 : vector<16xf32> to vector<1x16xf32>
      tpu.vector_store %arg17[%swap3A, %swap3A_176], %swap3A_179 {strides = array<i32>} : memref<640x16xf32, #tpu.memory_space<vmem>>, vector<1x16xf32>,
      %scan3A_180 = arith.constant 0 : i32
      %scan3A_181 = arith.constant 1 : i32
      %scan3A_182 = arith.addi %scan3A_153, %scan3A_181 : i32
      %get3A_183 = arith.index_cast %scan3A_182 : i32 to index
      %get3A_184 = arith.constant 0 : index
      %get3A_185 = tpu.vector_load %arg16[%get3A_183, %get3A_184] {strides = array<i32>} : memref<640x16xf32, #tpu.memory_space<vmem>>, vector<1x16xf32>,
      %get3A_186 = vector.shape_cast %get3A_185 : vector<1x16xf32> to vector<16xf32>
      %get3A_187 = arith.index_cast %scan3A_182 : i32 to index
      %get3A_188 = arith.constant 0 : index
      %get3A_189 = tpu.vector_load %arg13[%get3A_187, %get3A_188] {strides = array<i32>} : memref<640x16xf32, #tpu.memory_space<vmem>>, vector<1x16xf32>,
      %get3A_190 = vector.shape_cast %get3A_189 : vector<1x16xf32> to vector<16xf32>
      %get3A_191 = arith.index_cast %scan3A_182 : i32 to index
      %get3A_192 = arith.constant 0 : index
      %get3A_193 = tpu.vector_load %arg14[%get3A_191, %get3A_192] {strides = array<i32>} : memref<640x16xf32, #tpu.memory_space<vmem>>, vector<1x16xf32>,
      %get3A_194 = vector.shape_cast %get3A_193 : vector<1x16xf32> to vector<16xf32>
      %add3A_195 = arith.addf %get3A_190, %get3A_194 : vector<16xf32>
      %get3A_196 = arith.index_cast %scan3A_182 : i32 to index
      %get3A_197 = arith.constant 0 : index
      %get3A_198 = tpu.vector_load %arg15[%get3A_196, %get3A_197] {strides = array<i32>} : memref<640x16xf32, #tpu.memory_space<vmem>>, vector<1x16xf32>,
      %get3A_199 = vector.shape_cast %get3A_198 : vector<1x16xf32> to vector<16xf32>
      %add3A_200 = arith.addf %add3A_195, %get3A_199 : vector<16xf32>
      %mul3A_201 = arith.mulf %get3A_186, %add3A_200 : vector<16xf32>
      %add3A_202 = arith.addf %mul3A_201, %get3A_35 : vector<16xf32>
      %mul3A_203 = arith.mulf %add3A_202, %get3A_186 : vector<16xf32>
      %swap3A_204 = arith.index_cast %scan3A_182 : i32 to index
      %swap3A_205 = arith.constant 0 : index
      %swap3A_206 = tpu.vector_load %arg17[%swap3A_204, %swap3A_205] {strides = array<i32>} : memref<640x16xf32, #tpu.memory_space<vmem>>, vector<1x16xf32>,
      %swap3A_207 = vector.shape_cast %swap3A_206 : vector<1x16xf32> to vector<16xf32>
      %swap3A_208 = vector.shape_cast %mul3A_203 : vector<16xf32> to vector<1x16xf32>
      tpu.vector_store %arg17[%swap3A_204, %swap3A_205], %swap3A_208 {strides = array<i32>} : memref<640x16xf32, #tpu.memory_space<vmem>>, vector<1x16xf32>,
      %scan3A_209 = arith.constant 0 : i32
      %scan3A_210 = arith.constant 2 : i32
      %scan3A_211 = arith.addi %scan3A_153, %scan3A_210 : i32
      %get3A_212 = arith.index_cast %scan3A_211 : i32 to index
      %get3A_213 = arith.constant 0 : index
      %get3A_214 = tpu.vector_load %arg16[%get3A_212, %get3A_213] {strides = array<i32>} : memref<640x16xf32, #tpu.memory_space<vmem>>, vector<1x16xf32>,
      %get3A_215 = vector.shape_cast %get3A_214 : vector<1x16xf32> to vector<16xf32>
      %get3A_216 = arith.index_cast %scan3A_211 : i32 to index
      %get3A_217 = arith.constant 0 : index
      %get3A_218 = tpu.vector_load %arg13[%get3A_216, %get3A_217] {strides = array<i32>} : memref<640x16xf32, #tpu.memory_space<vmem>>, vector<1x16xf32>,
      %get3A_219 = vector.shape_cast %get3A_218 : vector<1x16xf32> to vector<16xf32>
      %get3A_220 = arith.index_cast %scan3A_211 : i32 to index
      %get3A_221 = arith.constant 0 : index
      %get3A_222 = tpu.vector_load %arg14[%get3A_220, %get3A_221] {strides = array<i32>} : memref<640x16xf32, #tpu.memory_space<vmem>>, vector<1x16xf32>,
      %get3A_223 = vector.shape_cast %get3A_222 : vector<1x16xf32> to vector<16xf32>
      %add3A_224 = arith.addf %get3A_219, %get3A_223 : vector<16xf32>
      %get3A_225 = arith.index_cast %scan3A_211 : i32 to index
      %get3A_226 = arith.constant 0 : index
      %get3A_227 = tpu.vector_load %arg15[%get3A_225, %get3A_226] {strides = array<i32>} : memref<640x16xf32, #tpu.memory_space<vmem>>, vector<1x16xf32>,
      %get3A_228 = vector.shape_cast %get3A_227 : vector<1x16xf32> to vector<16xf32>
      %add3A_229 = arith.addf %add3A_224, %get3A_228 : vector<16xf32>
      %mul3A_230 = arith.mulf %get3A_215, %add3A_229 : vector<16xf32>
      %add3A_231 = arith.addf %mul3A_230, %get3A_35 : vector<16xf32>
      %mul3A_232 = arith.mulf %add3A_231, %get3A_215 : vector<16xf32>
      %swap3A_233 = arith.index_cast %scan3A_211 : i32 to index
      %swap3A_234 = arith.constant 0 : index
      %swap3A_235 = tpu.vector_load %arg17[%swap3A_233, %swap3A_234] {strides = array<i32>} : memref<640x16xf32, #tpu.memory_space<vmem>>, vector<1x16xf32>,
      %swap3A_236 = vector.shape_cast %swap3A_235 : vector<1x16xf32> to vector<16xf32>
      %swap3A_237 = vector.shape_cast %mul3A_232 : vector<16xf32> to vector<1x16xf32>
      tpu.vector_store %arg17[%swap3A_233, %swap3A_234], %swap3A_237 {strides = array<i32>} : memref<640x16xf32, #tpu.memory_space<vmem>>, vector<1x16xf32>,
      %scan3A_238 = arith.constant 0 : i32
      %scan3A_239 = arith.constant 3 : i32
      %scan3A_240 = arith.addi %scan3A_153, %scan3A_239 : i32
      %get3A_241 = arith.index_cast %scan3A_240 : i32 to index
      %get3A_242 = arith.constant 0 : index
      %get3A_243 = tpu.vector_load %arg16[%get3A_241, %get3A_242] {strides = array<i32>} : memref<640x16xf32, #tpu.memory_space<vmem>>, vector<1x16xf32>,
      %get3A_244 = vector.shape_cast %get3A_243 : vector<1x16xf32> to vector<16xf32>
      %get3A_245 = arith.index_cast %scan3A_240 : i32 to index
      %get3A_246 = arith.constant 0 : index
      %get3A_247 = tpu.vector_load %arg13[%get3A_245, %get3A_246] {strides = array<i32>} : memref<640x16xf32, #tpu.memory_space<vmem>>, vector<1x16xf32>,
      %get3A_248 = vector.shape_cast %get3A_247 : vector<1x16xf32> to vector<16xf32>
      %get3A_249 = arith.index_cast %scan3A_240 : i32 to index
      %get3A_250 = arith.constant 0 : index
      %get3A_251 = tpu.vector_load %arg14[%get3A_249, %get3A_250] {strides = array<i32>} : memref<640x16xf32, #tpu.memory_space<vmem>>, vector<1x16xf32>,
      %get3A_252 = vector.shape_cast %get3A_251 : vector<1x16xf32> to vector<16xf32>
      %add3A_253 = arith.addf %get3A_248, %get3A_252 : vector<16xf32>
      %get3A_254 = arith.index_cast %scan3A_240 : i32 to index
      %get3A_255 = arith.constant 0 : index
      %get3A_256 = tpu.vector_load %arg15[%get3A_254, %get3A_255] {strides = array<i32>} : memref<640x16xf32, #tpu.memory_space<vmem>>, vector<1x16xf32>,
      %get3A_257 = vector.shape_cast %get3A_256 : vector<1x16xf32> to vector<16xf32>
      %add3A_258 = arith.addf %add3A_253, %get3A_257 : vector<16xf32>
      %mul3A_259 = arith.mulf %get3A_244, %add3A_258 : vector<16xf32>
      %add3A_260 = arith.addf %mul3A_259, %get3A_35 : vector<16xf32>
      %mul3A_261 = arith.mulf %add3A_260, %get3A_244 : vector<16xf32>
      %swap3A_262 = arith.index_cast %scan3A_240 : i32 to index
      %swap3A_263 = arith.constant 0 : index
      %swap3A_264 = tpu.vector_load %arg17[%swap3A_262, %swap3A_263] {strides = array<i32>} : memref<640x16xf32, #tpu.memory_space<vmem>>, vector<1x16xf32>,
      %swap3A_265 = vector.shape_cast %swap3A_264 : vector<1x16xf32> to vector<16xf32>
      %swap3A_266 = vector.shape_cast %mul3A_261 : vector<16xf32> to vector<1x16xf32>
      tpu.vector_store %arg17[%swap3A_262, %swap3A_263], %swap3A_266 {strides = array<i32>} : memref<640x16xf32, #tpu.memory_space<vmem>>, vector<1x16xf32>,
      %scan3A_267 = arith.constant 0 : i32
      %scan3A_268 = arith.constant 4 : i32
      %scan3A_269 = arith.addi %scan3A_153, %scan3A_268 : i32
      %get3A_270 = arith.index_cast %scan3A_269 : i32 to index
      %get3A_271 = arith.constant 0 : index
      %get3A_272 = tpu.vector_load %arg16[%get3A_270, %get3A_271] {strides = array<i32>} : memref<640x16xf32, #tpu.memory_space<vmem>>, vector<1x16xf32>,
      %get3A_273 = vector.shape_cast %get3A_272 : vector<1x16xf32> to vector<16xf32>
      %get3A_274 = arith.index_cast %scan3A_269 : i32 to index
      %get3A_275 = arith.constant 0 : index
      %get3A_276 = tpu.vector_load %arg13[%get3A_274, %get3A_275] {strides = array<i32>} : memref<640x16xf32, #tpu.memory_space<vmem>>, vector<1x16xf32>,
      %get3A_277 = vector.shape_cast %get3A_276 : vector<1x16xf32> to vector<16xf32>
      %get3A_278 = arith.index_cast %scan3A_269 : i32 to index
      %get3A_279 = arith.constant 0 : index
      %get3A_280 = tpu.vector_load %arg14[%get3A_278, %get3A_279] {strides = array<i32>} : memref<640x16xf32, #tpu.memory_space<vmem>>, vector<1x16xf32>,
      %get3A_281 = vector.shape_cast %get3A_280 : vector<1x16xf32> to vector<16xf32>
      %add3A_282 = arith.addf %get3A_277, %get3A_281 : vector<16xf32>
      %get3A_283 = arith.index_cast %scan3A_269 : i32 to index
      %get3A_284 = arith.constant 0 : index
      %get3A_285 = tpu.vector_load %arg15[%get3A_283, %get3A_284] {strides = array<i32>} : memref<640x16xf32, #tpu.memory_space<vmem>>, vector<1x16xf32>,
      %get3A_286 = vector.shape_cast %get3A_285 : vector<1x16xf32> to vector<16xf32>
      %add3A_287 = arith.addf %add3A_282, %get3A_286 : vector<16xf32>
      %mul3A_288 = arith.mulf %get3A_273, %add3A_287 : vector<16xf32>
      %add3A_289 = arith.addf %mul3A_288, %get3A_35 : vector<16xf32>
      %mul3A_290 = arith.mulf %add3A_289, %get3A_273 : vector<16xf32>
      %swap3A_291 = arith.index_cast %scan3A_269 : i32 to index
      %swap3A_292 = arith.constant 0 : index
      %swap3A_293 = tpu.vector_load %arg17[%swap3A_291, %swap3A_292] {strides = array<i32>} : memref<640x16xf32, #tpu.memory_space<vmem>>, vector<1x16xf32>,
      %swap3A_294 = vector.shape_cast %swap3A_293 : vector<1x16xf32> to vector<16xf32>
      %swap3A_295 = vector.shape_cast %mul3A_290 : vector<16xf32> to vector<1x16xf32>
      tpu.vector_store %arg17[%swap3A_291, %swap3A_292], %swap3A_295 {strides = array<i32>} : memref<640x16xf32, #tpu.memory_space<vmem>>, vector<1x16xf32>,
      %scan3A_296 = arith.constant 0 : i32
      %scan3A_297 = arith.constant 5 : i32
      %scan3A_298 = arith.addi %scan3A_153, %scan3A_297 : i32
      %get3A_299 = arith.index_cast %scan3A_298 : i32 to index
      %get3A_300 = arith.constant 0 : index
      %get3A_301 = tpu.vector_load %arg16[%get3A_299, %get3A_300] {strides = array<i32>} : memref<640x16xf32, #tpu.memory_space<vmem>>, vector<1x16xf32>,
      %get3A_302 = vector.shape_cast %get3A_301 : vector<1x16xf32> to vector<16xf32>
      %get3A_303 = arith.index_cast %scan3A_298 : i32 to index
      %get3A_304 = arith.constant 0 : index
      %get3A_305 = tpu.vector_load %arg13[%get3A_303, %get3A_304] {strides = array<i32>} : memref<640x16xf32, #tpu.memory_space<vmem>>, vector<1x16xf32>,
      %get3A_306 = vector.shape_cast %get3A_305 : vector<1x16xf32> to vector<16xf32>
      %get3A_307 = arith.index_cast %scan3A_298 : i32 to index
      %get3A_308 = arith.constant 0 : index
      %get3A_309 = tpu.vector_load %arg14[%get3A_307, %get3A_308] {strides = array<i32>} : memref<640x16xf32, #tpu.memory_space<vmem>>, vector<1x16xf32>,
      %get3A_310 = vector.shape_cast %get3A_309 : vector<1x16xf32> to vector<16xf32>
      %add3A_311 = arith.addf %get3A_306, %get3A_310 : vector<16xf32>
      %get3A_312 = arith.index_cast %scan3A_298 : i32 to index
      %get3A_313 = arith.constant 0 : index
      %get3A_314 = tpu.vector_load %arg15[%get3A_312, %get3A_313] {strides = array<i32>} : memref<640x16xf32, #tpu.memory_space<vmem>>, vector<1x16xf32>,
      %get3A_315 = vector.shape_cast %get3A_314 : vector<1x16xf32> to vector<16xf32>
      %add3A_316 = arith.addf %add3A_311, %get3A_315 : vector<16xf32>
      %mul3A_317 = arith.mulf %get3A_302, %add3A_316 : vector<16xf32>
      %add3A_318 = arith.addf %mul3A_317, %get3A_35 : vector<16xf32>
      %mul3A_319 = arith.mulf %add3A_318, %get3A_302 : vector<16xf32>
      %swap3A_320 = arith.index_cast %scan3A_298 : i32 to index
      %swap3A_321 = arith.constant 0 : index
      %swap3A_322 = tpu.vector_load %arg17[%swap3A_320, %swap3A_321] {strides = array<i32>} : memref<640x16xf32, #tpu.memory_space<vmem>>, vector<1x16xf32>,
      %swap3A_323 = vector.shape_cast %swap3A_322 : vector<1x16xf32> to vector<16xf32>
      %swap3A_324 = vector.shape_cast %mul3A_319 : vector<16xf32> to vector<1x16xf32>
      tpu.vector_store %arg17[%swap3A_320, %swap3A_321], %swap3A_324 {strides = array<i32>} : memref<640x16xf32, #tpu.memory_space<vmem>>, vector<1x16xf32>,
      %scan3A_325 = arith.constant 0 : i32
      %scan3A_326 = arith.constant 6 : i32
      %scan3A_327 = arith.addi %scan3A_153, %scan3A_326 : i32
      %get3A_328 = arith.index_cast %scan3A_327 : i32 to index
      %get3A_329 = arith.constant 0 : index
      %get3A_330 = tpu.vector_load %arg16[%get3A_328, %get3A_329] {strides = array<i32>} : memref<640x16xf32, #tpu.memory_space<vmem>>, vector<1x16xf32>,
      %get3A_331 = vector.shape_cast %get3A_330 : vector<1x16xf32> to vector<16xf32>
      %get3A_332 = arith.index_cast %scan3A_327 : i32 to index
      %get3A_333 = arith.constant 0 : index
      %get3A_334 = tpu.vector_load %arg13[%get3A_332, %get3A_333] {strides = array<i32>} : memref<640x16xf32, #tpu.memory_space<vmem>>, vector<1x16xf32>,
      %get3A_335 = vector.shape_cast %get3A_334 : vector<1x16xf32> to vector<16xf32>
      %get3A_336 = arith.index_cast %scan3A_327 : i32 to index
      %get3A_337 = arith.constant 0 : index
      %get3A_338 = tpu.vector_load %arg14[%get3A_336, %get3A_337] {strides = array<i32>} : memref<640x16xf32, #tpu.memory_space<vmem>>, vector<1x16xf32>,
      %get3A_339 = vector.shape_cast %get3A_338 : vector<1x16xf32> to vector<16xf32>
      %add3A_340 = arith.addf %get3A_335, %get3A_339 : vector<16xf32>
      %get3A_341 = arith.index_cast %scan3A_327 : i32 to index
      %get3A_342 = arith.constant 0 : index
      %get3A_343 = tpu.vector_load %arg15[%get3A_341, %get3A_342] {strides = array<i32>} : memref<640x16xf32, #tpu.memory_space<vmem>>, vector<1x16xf32>,
      %get3A_344 = vector.shape_cast %get3A_343 : vector<1x16xf32> to vector<16xf32>
      %add3A_345 = arith.addf %add3A_340, %get3A_344 : vector<16xf32>
      %mul3A_346 = arith.mulf %get3A_331, %add3A_345 : vector<16xf32>
      %add3A_347 = arith.addf %mul3A_346, %get3A_35 : vector<16xf32>
      %mul3A_348 = arith.mulf %add3A_347, %get3A_331 : vector<16xf32>
      %swap3A_349 = arith.index_cast %scan3A_327 : i32 to index
      %swap3A_350 = arith.constant 0 : index
      %swap3A_351 = tpu.vector_load %arg17[%swap3A_349, %swap3A_350] {strides = array<i32>} : memref<640x16xf32, #tpu.memory_space<vmem>>, vector<1x16xf32>,
      %swap3A_352 = vector.shape_cast %swap3A_351 : vector<1x16xf32> to vector<16xf32>
      %swap3A_353 = vector.shape_cast %mul3A_348 : vector<16xf32> to vector<1x16xf32>
      tpu.vector_store %arg17[%swap3A_349, %swap3A_350], %swap3A_353 {strides = array<i32>} : memref<640x16xf32, #tpu.memory_space<vmem>>, vector<1x16xf32>,
      %scan3A_354 = arith.constant 0 : i32
      %scan3A_355 = arith.constant 7 : i32
      %scan3A_356 = arith.addi %scan3A_153, %scan3A_355 : i32
      %get3A_357 = arith.index_cast %scan3A_356 : i32 to index
      %get3A_358 = arith.constant 0 : index
      %get3A_359 = tpu.vector_load %arg16[%get3A_357, %get3A_358] {strides = array<i32>} : memref<640x16xf32, #tpu.memory_space<vmem>>, vector<1x16xf32>,
      %get3A_360 = vector.shape_cast %get3A_359 : vector<1x16xf32> to vector<16xf32>
      %get3A_361 = arith.index_cast %scan3A_356 : i32 to index
      %get3A_362 = arith.constant 0 : index
      %get3A_363 = tpu.vector_load %arg13[%get3A_361, %get3A_362] {strides = array<i32>} : memref<640x16xf32, #tpu.memory_space<vmem>>, vector<1x16xf32>,
      %get3A_364 = vector.shape_cast %get3A_363 : vector<1x16xf32> to vector<16xf32>
      %get3A_365 = arith.index_cast %scan3A_356 : i32 to index
      %get3A_366 = arith.constant 0 : index
      %get3A_367 = tpu.vector_load %arg14[%get3A_365, %get3A_366] {strides = array<i32>} : memref<640x16xf32, #tpu.memory_space<vmem>>, vector<1x16xf32>,
      %get3A_368 = vector.shape_cast %get3A_367 : vector<1x16xf32> to vector<16xf32>
      %add3A_369 = arith.addf %get3A_364, %get3A_368 : vector<16xf32>
      %get3A_370 = arith.index_cast %scan3A_356 : i32 to index
      %get3A_371 = arith.constant 0 : index
      %get3A_372 = tpu.vector_load %arg15[%get3A_370, %get3A_371] {strides = array<i32>} : memref<640x16xf32, #tpu.memory_space<vmem>>, vector<1x16xf32>,
      %get3A_373 = vector.shape_cast %get3A_372 : vector<1x16xf32> to vector<16xf32>
      %add3A_374 = arith.addf %add3A_369, %get3A_373 : vector<16xf32>
      %mul3A_375 = arith.mulf %get3A_360, %add3A_374 : vector<16xf32>
      %add3A_376 = arith.addf %mul3A_375, %get3A_35 : vector<16xf32>
      %mul3A_377 = arith.mulf %add3A_376, %get3A_360 : vector<16xf32>
      %swap3A_378 = arith.index_cast %scan3A_356 : i32 to index
      %swap3A_379 = arith.constant 0 : index
      %swap3A_380 = tpu.vector_load %arg17[%swap3A_378, %swap3A_379] {strides = array<i32>} : memref<640x16xf32, #tpu.memory_space<vmem>>, vector<1x16xf32>,
      %swap3A_381 = vector.shape_cast %swap3A_380 : vector<1x16xf32> to vector<16xf32>
      %swap3A_382 = vector.shape_cast %mul3A_377 : vector<16xf32> to vector<1x16xf32>
      tpu.vector_store %arg17[%swap3A_378, %swap3A_379], %swap3A_382 {strides = array<i32>} : memref<640x16xf32, #tpu.memory_space<vmem>>, vector<1x16xf32>,
      %scan3A_383 = arith.constant 0 : i32
      scf.yield %scan3A_383 : i32
    }
    %scan3A_42 = arith.constant 640 : i32
    %mul3A_43 = arith.constant 640 : i32
    %mul3A_44 = arith.muli %arg1, %mul3A_43 : i32
    "tpu.region"() ({
      %run_scoped3A_153 = tpu.sem_alloc : memref<!tpu.dma_semaphore, #tpu.memory_space<semaphore_mem>>
      %dma_start3A_154 = arith.constant 0 : i32
      %dma_start3A_155 = tpu.memref_slice %arg19[%mul3A_44, %dma_start3A_154] : memref<10240x16xf32, #tpu.memory_space<vmem_shared>> -> memref<640x16xf32, #tpu.memory_space<vmem_shared>>
      %dma_start3A_156 = arith.constant 0 : i32
      %dma_start3A_157 = tpu.memref_slice %arg19[%mul3A_44, %dma_start3A_156] : memref<10240x16xf32, #tpu.memory_space<vmem_shared>> -> memref<640x16xf32, #tpu.memory_space<vmem_shared>>
      tpu.enqueue_dma source(%arg17 : memref<640x16xf32, #tpu.memory_space<vmem>>) target(%dma_start3A_157 : memref<640x16xf32, #tpu.memory_space<vmem_shared>>) target_semaphore(%run_scoped3A_153 : memref<!tpu.dma_semaphore, #tpu.memory_space<semaphore_mem>>)
      %dma_wait3A_158 = arith.constant 0 : i32
      %dma_wait3A_159 = tpu.memref_slice %arg19[%mul3A_44, %dma_wait3A_158] : memref<10240x16xf32, #tpu.memory_space<vmem_shared>> -> memref<640x16xf32, #tpu.memory_space<vmem_shared>>
      %dma_wait3A_160 = arith.constant 0 : i32
      %dma_wait3A_161 = tpu.memref_slice %arg19[%mul3A_44, %dma_wait3A_160] : memref<10240x16xf32, #tpu.memory_space<vmem_shared>> -> memref<640x16xf32, #tpu.memory_space<vmem_shared>>
      tpu.wait_dma2 semaphore(%run_scoped3A_153 : memref<!tpu.dma_semaphore, #tpu.memory_space<semaphore_mem>>) src(%arg17 : memref<640x16xf32, #tpu.memory_space<vmem>>) dst(%dma_wait3A_161 : memref<640x16xf32, #tpu.memory_space<vmem_shared>>)
      tpu.yield
    }) : () -> ()
    %mul3A_45 = arith.constant 640 : i32
    %mul3A_46 = arith.muli %arg1, %mul3A_45 : i32
    "tpu.region"() ({
      %run_scoped3A_153 = tpu.sem_alloc : memref<!tpu.dma_semaphore, #tpu.memory_space<semaphore_mem>>
      %dma_start3A_154 = arith.constant 0 : i32
      %dma_start3A_155 = tpu.memref_slice %arg9[%mul3A_46, %dma_start3A_154] : memref<10240x16xf32, #tpu.memory_space<hbm>> -> memref<640x16xf32, #tpu.memory_space<hbm>>
      %dma_start3A_156 = arith.constant 0 : i32
      %dma_start3A_157 = tpu.memref_slice %arg9[%mul3A_46, %dma_start3A_156] : memref<10240x16xf32, #tpu.memory_space<hbm>> -> memref<640x16xf32, #tpu.memory_space<hbm>>
      tpu.enqueue_dma source(%arg17 : memref<640x16xf32, #tpu.memory_space<vmem>>) target(%dma_start3A_157 : memref<640x16xf32, #tpu.memory_space<hbm>>) target_semaphore(%run_scoped3A_153 : memref<!tpu.dma_semaphore, #tpu.memory_space<semaphore_mem>>)
      %dma_wait3A_158 = arith.constant 0 : i32
      %dma_wait3A_159 = tpu.memref_slice %arg9[%mul3A_46, %dma_wait3A_158] : memref<10240x16xf32, #tpu.memory_space<hbm>> -> memref<640x16xf32, #tpu.memory_space<hbm>>
      %dma_wait3A_160 = arith.constant 0 : i32
      %dma_wait3A_161 = tpu.memref_slice %arg9[%mul3A_46, %dma_wait3A_160] : memref<10240x16xf32, #tpu.memory_space<hbm>> -> memref<640x16xf32, #tpu.memory_space<hbm>>
      tpu.wait_dma2 semaphore(%run_scoped3A_153 : memref<!tpu.dma_semaphore, #tpu.memory_space<semaphore_mem>>) src(%arg17 : memref<640x16xf32, #tpu.memory_space<vmem>>) dst(%dma_wait3A_161 : memref<640x16xf32, #tpu.memory_space<hbm>>)
      tpu.yield
    }) : () -> ()
    %barrier3A = arith.constant 0 : index
    tpu.barrier barrier_id(%barrier3A)
    %dma_start3A = arith.constant 0 : i32
    %dma_start3A_47 = arith.constant 0 : i32
    %dma_start3A_48 = arith.constant 0 : i32
    %dma_start3A_49 = arith.constant 0 : i32
    %dma_start3A_50 = tpu.memref_slice %arg12[%dma_start3A_47, %dma_start3A_48, %dma_start3A_49] : memref<2x125x16xf32, #tpu.memory_space<vmem>> -> memref<1x125x16xf32, #tpu.memory_space<vmem>>
    %dma_start3A_51 = tpu.memref_squeeze %dma_start3A_50 : memref<1x125x16xf32, #tpu.memory_space<vmem>> -> memref<125x16xf32, #tpu.memory_space<vmem>>
    %dma_start3A_52 = arith.constant 0 : i32
    %dma_start3A_53 = tpu.memref_slice %arg10[%dma_start3A, %dma_start3A_52] : memref<80x125xi32, #tpu.memory_space<vmem>> -> memref<1x125xi32, #tpu.memory_space<vmem>>
    %dma_start3A_54 = tpu.memref_squeeze %dma_start3A_53 : memref<1x125xi32, #tpu.memory_space<vmem>> -> memref<125xi32, #tpu.memory_space<vmem>>
    %dma_start3A_55 = arith.constant 0 : i32
    %dma_start3A_56 = arith.constant 0 : i32
    %dma_start3A_57 = tpu.memref_slice %arg19[%dma_start3A_55, %dma_start3A_56] : memref<10240x16xf32, #tpu.memory_space<vmem_shared>> -> memref<10240x16xf32, #tpu.memory_space<vmem_shared>>
    tpu.enqueue_indirect_dma source(%dma_start3A_57 : memref<10240x16xf32, #tpu.memory_space<vmem_shared>>) target(%dma_start3A_51 : memref<125x16xf32, #tpu.memory_space<vmem>>) offsets(%dma_start3A_54 : memref<125xi32, #tpu.memory_space<vmem>>) semaphore(%arg21 : memref<!tpu.dma_semaphore, #tpu.memory_space<semaphore_mem>>)
    %scan3A_58 = arith.constant 0 : i32
    %scan3A_59 = arith.constant 0 : i32
    %scan3A_60 = arith.constant 39 : i32
    %scan3A_61 = arith.addi %scan3A_59, %scan3A_60 : i32
    %scan3A_62 = arith.constant 1 : i32
    %scan3A_63 = scf.for %scan3A_153 = %scan3A_59 to %scan3A_61 step %scan3A_62 iter_args(%scan3A_154 = %scan3A_58) -> (i32)  : i32 {
      %mul3A_155 = arith.constant 2 : i32
      %mul3A_156 = arith.muli %mul3A_155, %scan3A_153 : i32
      %dma_wait3A_157 = arith.constant 0 : i32
      %dma_wait3A_158 = arith.constant 0 : i32
      %dma_wait3A_159 = arith.constant 0 : i32
      %dma_wait3A_160 = tpu.memref_slice %arg12[%dma_wait3A_157, %dma_wait3A_158, %dma_wait3A_159] : memref<2x125x16xf32, #tpu.memory_space<vmem>> -> memref<1x125x16xf32, #tpu.memory_space<vmem>>
      %dma_wait3A_161 = tpu.memref_squeeze %dma_wait3A_160 : memref<1x125x16xf32, #tpu.memory_space<vmem>> -> memref<125x16xf32, #tpu.memory_space<vmem>>
      %dma_wait3A_162 = arith.constant 0 : i32
      %dma_wait3A_163 = tpu.memref_slice %arg10[%mul3A_156, %dma_wait3A_162] : memref<80x125xi32, #tpu.memory_space<vmem>> -> memref<1x125xi32, #tpu.memory_space<vmem>>
      %dma_wait3A_164 = tpu.memref_squeeze %dma_wait3A_163 : memref<1x125xi32, #tpu.memory_space<vmem>> -> memref<125xi32, #tpu.memory_space<vmem>>
      %dma_wait3A_165 = arith.constant 0 : i32
      %dma_wait3A_166 = arith.constant 0 : i32
      %dma_wait3A_167 = tpu.memref_slice %arg19[%dma_wait3A_165, %dma_wait3A_166] : memref<10240x16xf32, #tpu.memory_space<vmem_shared>> -> memref<10240x16xf32, #tpu.memory_space<vmem_shared>>
      tpu.wait_indirect_dma semaphore(%arg21 : memref<!tpu.dma_semaphore, #tpu.memory_space<semaphore_mem>>) src(%dma_wait3A_167 : memref<10240x16xf32, #tpu.memory_space<vmem_shared>>) dst(%dma_wait3A_161 : memref<125x16xf32, #tpu.memory_space<vmem>>)
      %add3A_168 = arith.constant 1 : i32
      %add3A_169 = arith.addi %mul3A_156, %add3A_168 : i32
      %dma_start3A_170 = arith.constant 1 : i32
      %dma_start3A_171 = arith.constant 0 : i32
      %dma_start3A_172 = arith.constant 0 : i32
      %dma_start3A_173 = tpu.memref_slice %arg12[%dma_start3A_170, %dma_start3A_171, %dma_start3A_172] : memref<2x125x16xf32, #tpu.memory_space<vmem>> -> memref<1x125x16xf32, #tpu.memory_space<vmem>>
      %dma_start3A_174 = tpu.memref_squeeze %dma_start3A_173 : memref<1x125x16xf32, #tpu.memory_space<vmem>> -> memref<125x16xf32, #tpu.memory_space<vmem>>
      %dma_start3A_175 = arith.constant 0 : i32
      %dma_start3A_176 = tpu.memref_slice %arg10[%add3A_169, %dma_start3A_175] : memref<80x125xi32, #tpu.memory_space<vmem>> -> memref<1x125xi32, #tpu.memory_space<vmem>>
      %dma_start3A_177 = tpu.memref_squeeze %dma_start3A_176 : memref<1x125xi32, #tpu.memory_space<vmem>> -> memref<125xi32, #tpu.memory_space<vmem>>
      %dma_start3A_178 = arith.constant 0 : i32
      %dma_start3A_179 = arith.constant 0 : i32
      %dma_start3A_180 = tpu.memref_slice %arg19[%dma_start3A_178, %dma_start3A_179] : memref<10240x16xf32, #tpu.memory_space<vmem_shared>> -> memref<10240x16xf32, #tpu.memory_space<vmem_shared>>
      tpu.enqueue_indirect_dma source(%dma_start3A_180 : memref<10240x16xf32, #tpu.memory_space<vmem_shared>>) target(%dma_start3A_174 : memref<125x16xf32, #tpu.memory_space<vmem>>) offsets(%dma_start3A_177 : memref<125xi32, #tpu.memory_space<vmem>>) semaphore(%arg21 : memref<!tpu.dma_semaphore, #tpu.memory_space<semaphore_mem>>)
      %dma_start3A_181 = arith.constant 0 : i32
      %dma_start3A_182 = arith.constant 0 : i32
      %dma_start3A_183 = arith.constant 0 : i32
      %dma_start3A_184 = tpu.memref_slice %arg12[%dma_start3A_181, %dma_start3A_182, %dma_start3A_183] : memref<2x125x16xf32, #tpu.memory_space<vmem>> -> memref<1x125x16xf32, #tpu.memory_space<vmem>>
      %dma_start3A_185 = tpu.memref_squeeze %dma_start3A_184 : memref<1x125x16xf32, #tpu.memory_space<vmem>> -> memref<125x16xf32, #tpu.memory_space<vmem>>
      %dma_start3A_186 = arith.constant 0 : i32
      %dma_start3A_187 = tpu.memref_slice %arg11[%mul3A_156, %dma_start3A_186] : memref<80x125xi32, #tpu.memory_space<vmem>> -> memref<1x125xi32, #tpu.memory_space<vmem>>
      %dma_start3A_188 = tpu.memref_squeeze %dma_start3A_187 : memref<1x125xi32, #tpu.memory_space<vmem>> -> memref<125xi32, #tpu.memory_space<vmem>>
      %dma_start3A_189 = arith.constant 0 : i32
      %dma_start3A_190 = arith.constant 0 : i32
      %dma_start3A_191 = tpu.memref_slice %arg20[%dma_start3A_189, %dma_start3A_190] : memref<10240x16xf32, #tpu.memory_space<vmem_shared>> -> memref<10240x16xf32, #tpu.memory_space<vmem_shared>>
      tpu.enqueue_indirect_dma source(%dma_start3A_185 : memref<125x16xf32, #tpu.memory_space<vmem>>) target(%dma_start3A_191 : memref<10240x16xf32, #tpu.memory_space<vmem_shared>>) offsets(%dma_start3A_188 : memref<125xi32, #tpu.memory_space<vmem>>) semaphore(%arg22 : memref<!tpu.dma_semaphore, #tpu.memory_space<semaphore_mem>>) {add = true}
      %dma_wait3A_192 = arith.constant 0 : i32
      %dma_wait3A_193 = arith.constant 0 : i32
      %dma_wait3A_194 = arith.constant 0 : i32
      %dma_wait3A_195 = tpu.memref_slice %arg12[%dma_wait3A_192, %dma_wait3A_193, %dma_wait3A_194] : memref<2x125x16xf32, #tpu.memory_space<vmem>> -> memref<1x125x16xf32, #tpu.memory_space<vmem>>
      %dma_wait3A_196 = tpu.memref_squeeze %dma_wait3A_195 : memref<1x125x16xf32, #tpu.memory_space<vmem>> -> memref<125x16xf32, #tpu.memory_space<vmem>>
      %dma_wait3A_197 = arith.constant 0 : i32
      %dma_wait3A_198 = tpu.memref_slice %arg11[%mul3A_156, %dma_wait3A_197] : memref<80x125xi32, #tpu.memory_space<vmem>> -> memref<1x125xi32, #tpu.memory_space<vmem>>
      %dma_wait3A_199 = tpu.memref_squeeze %dma_wait3A_198 : memref<1x125xi32, #tpu.memory_space<vmem>> -> memref<125xi32, #tpu.memory_space<vmem>>
      %dma_wait3A_200 = arith.constant 0 : i32
      %dma_wait3A_201 = arith.constant 0 : i32
      %dma_wait3A_202 = tpu.memref_slice %arg20[%dma_wait3A_200, %dma_wait3A_201] : memref<10240x16xf32, #tpu.memory_space<vmem_shared>> -> memref<10240x16xf32, #tpu.memory_space<vmem_shared>>
      tpu.wait_indirect_dma semaphore(%arg22 : memref<!tpu.dma_semaphore, #tpu.memory_space<semaphore_mem>>) src(%dma_wait3A_196 : memref<125x16xf32, #tpu.memory_space<vmem>>) dst(%dma_wait3A_202 : memref<10240x16xf32, #tpu.memory_space<vmem_shared>>)
      %add3A_203 = arith.constant 1 : i32
      %add3A_204 = arith.addi %mul3A_156, %add3A_203 : i32
      %dma_wait3A_205 = arith.constant 1 : i32
      %dma_wait3A_206 = arith.constant 0 : i32
      %dma_wait3A_207 = arith.constant 0 : i32
      %dma_wait3A_208 = tpu.memref_slice %arg12[%dma_wait3A_205, %dma_wait3A_206, %dma_wait3A_207] : memref<2x125x16xf32, #tpu.memory_space<vmem>> -> memref<1x125x16xf32, #tpu.memory_space<vmem>>
      %dma_wait3A_209 = tpu.memref_squeeze %dma_wait3A_208 : memref<1x125x16xf32, #tpu.memory_space<vmem>> -> memref<125x16xf32, #tpu.memory_space<vmem>>
      %dma_wait3A_210 = arith.constant 0 : i32
      %dma_wait3A_211 = tpu.memref_slice %arg10[%add3A_204, %dma_wait3A_210] : memref<80x125xi32, #tpu.memory_space<vmem>> -> memref<1x125xi32, #tpu.memory_space<vmem>>
      %dma_wait3A_212 = tpu.memref_squeeze %dma_wait3A_211 : memref<1x125xi32, #tpu.memory_space<vmem>> -> memref<125xi32, #tpu.memory_space<vmem>>
      %dma_wait3A_213 = arith.constant 0 : i32
      %dma_wait3A_214 = arith.constant 0 : i32
      %dma_wait3A_215 = tpu.memref_slice %arg19[%dma_wait3A_213, %dma_wait3A_214] : memref<10240x16xf32, #tpu.memory_space<vmem_shared>> -> memref<10240x16xf32, #tpu.memory_space<vmem_shared>>
      tpu.wait_indirect_dma semaphore(%arg21 : memref<!tpu.dma_semaphore, #tpu.memory_space<semaphore_mem>>) src(%dma_wait3A_215 : memref<10240x16xf32, #tpu.memory_space<vmem_shared>>) dst(%dma_wait3A_209 : memref<125x16xf32, #tpu.memory_space<vmem>>)
      %add3A_216 = arith.constant 2 : i32
      %add3A_217 = arith.addi %mul3A_156, %add3A_216 : i32
      %dma_start3A_218 = arith.constant 0 : i32
      %dma_start3A_219 = arith.constant 0 : i32
      %dma_start3A_220 = arith.constant 0 : i32
      %dma_start3A_221 = tpu.memref_slice %arg12[%dma_start3A_218, %dma_start3A_219, %dma_start3A_220] : memref<2x125x16xf32, #tpu.memory_space<vmem>> -> memref<1x125x16xf32, #tpu.memory_space<vmem>>
      %dma_start3A_222 = tpu.memref_squeeze %dma_start3A_221 : memref<1x125x16xf32, #tpu.memory_space<vmem>> -> memref<125x16xf32, #tpu.memory_space<vmem>>
      %dma_start3A_223 = arith.constant 0 : i32
      %dma_start3A_224 = tpu.memref_slice %arg10[%add3A_217, %dma_start3A_223] : memref<80x125xi32, #tpu.memory_space<vmem>> -> memref<1x125xi32, #tpu.memory_space<vmem>>
      %dma_start3A_225 = tpu.memref_squeeze %dma_start3A_224 : memref<1x125xi32, #tpu.memory_space<vmem>> -> memref<125xi32, #tpu.memory_space<vmem>>
      %dma_start3A_226 = arith.constant 0 : i32
      %dma_start3A_227 = arith.constant 0 : i32
      %dma_start3A_228 = tpu.memref_slice %arg19[%dma_start3A_226, %dma_start3A_227] : memref<10240x16xf32, #tpu.memory_space<vmem_shared>> -> memref<10240x16xf32, #tpu.memory_space<vmem_shared>>
      tpu.enqueue_indirect_dma source(%dma_start3A_228 : memref<10240x16xf32, #tpu.memory_space<vmem_shared>>) target(%dma_start3A_222 : memref<125x16xf32, #tpu.memory_space<vmem>>) offsets(%dma_start3A_225 : memref<125xi32, #tpu.memory_space<vmem>>) semaphore(%arg21 : memref<!tpu.dma_semaphore, #tpu.memory_space<semaphore_mem>>)
      %add3A_229 = arith.constant 1 : i32
      %add3A_230 = arith.addi %mul3A_156, %add3A_229 : i32
      %dma_start3A_231 = arith.constant 1 : i32
      %dma_start3A_232 = arith.constant 0 : i32
      %dma_start3A_233 = arith.constant 0 : i32
      %dma_start3A_234 = tpu.memref_slice %arg12[%dma_start3A_231, %dma_start3A_232, %dma_start3A_233] : memref<2x125x16xf32, #tpu.memory_space<vmem>> -> memref<1x125x16xf32, #tpu.memory_space<vmem>>
      %dma_start3A_235 = tpu.memref_squeeze %dma_start3A_234 : memref<1x125x16xf32, #tpu.memory_space<vmem>> -> memref<125x16xf32, #tpu.memory_space<vmem>>
      %dma_start3A_236 = arith.constant 0 : i32
      %dma_start3A_237 = tpu.memref_slice %arg11[%add3A_230, %dma_start3A_236] : memref<80x125xi32, #tpu.memory_space<vmem>> -> memref<1x125xi32, #tpu.memory_space<vmem>>
      %dma_start3A_238 = tpu.memref_squeeze %dma_start3A_237 : memref<1x125xi32, #tpu.memory_space<vmem>> -> memref<125xi32, #tpu.memory_space<vmem>>
      %dma_start3A_239 = arith.constant 0 : i32
      %dma_start3A_240 = arith.constant 0 : i32
      %dma_start3A_241 = tpu.memref_slice %arg20[%dma_start3A_239, %dma_start3A_240] : memref<10240x16xf32, #tpu.memory_space<vmem_shared>> -> memref<10240x16xf32, #tpu.memory_space<vmem_shared>>
      tpu.enqueue_indirect_dma source(%dma_start3A_235 : memref<125x16xf32, #tpu.memory_space<vmem>>) target(%dma_start3A_241 : memref<10240x16xf32, #tpu.memory_space<vmem_shared>>) offsets(%dma_start3A_238 : memref<125xi32, #tpu.memory_space<vmem>>) semaphore(%arg22 : memref<!tpu.dma_semaphore, #tpu.memory_space<semaphore_mem>>) {add = true}
      %dma_wait3A_242 = arith.constant 1 : i32
      %dma_wait3A_243 = arith.constant 0 : i32
      %dma_wait3A_244 = arith.constant 0 : i32
      %dma_wait3A_245 = tpu.memref_slice %arg12[%dma_wait3A_242, %dma_wait3A_243, %dma_wait3A_244] : memref<2x125x16xf32, #tpu.memory_space<vmem>> -> memref<1x125x16xf32, #tpu.memory_space<vmem>>
      %dma_wait3A_246 = tpu.memref_squeeze %dma_wait3A_245 : memref<1x125x16xf32, #tpu.memory_space<vmem>> -> memref<125x16xf32, #tpu.memory_space<vmem>>
      %dma_wait3A_247 = arith.constant 0 : i32
      %dma_wait3A_248 = tpu.memref_slice %arg11[%add3A_230, %dma_wait3A_247] : memref<80x125xi32, #tpu.memory_space<vmem>> -> memref<1x125xi32, #tpu.memory_space<vmem>>
      %dma_wait3A_249 = tpu.memref_squeeze %dma_wait3A_248 : memref<1x125xi32, #tpu.memory_space<vmem>> -> memref<125xi32, #tpu.memory_space<vmem>>
      %dma_wait3A_250 = arith.constant 0 : i32
      %dma_wait3A_251 = arith.constant 0 : i32
      %dma_wait3A_252 = tpu.memref_slice %arg20[%dma_wait3A_250, %dma_wait3A_251] : memref<10240x16xf32, #tpu.memory_space<vmem_shared>> -> memref<10240x16xf32, #tpu.memory_space<vmem_shared>>
      tpu.wait_indirect_dma semaphore(%arg22 : memref<!tpu.dma_semaphore, #tpu.memory_space<semaphore_mem>>) src(%dma_wait3A_246 : memref<125x16xf32, #tpu.memory_space<vmem>>) dst(%dma_wait3A_252 : memref<10240x16xf32, #tpu.memory_space<vmem_shared>>)
      %scan3A_253 = arith.constant 0 : i32
      scf.yield %scan3A_253 : i32
    }
    %scan3A_64 = arith.constant 39 : i32
    %dma_wait3A = arith.constant 78 : i32
    %dma_wait3A_65 = arith.constant 0 : i32
    %dma_wait3A_66 = arith.constant 0 : i32
    %dma_wait3A_67 = arith.constant 0 : i32
    %dma_wait3A_68 = tpu.memref_slice %arg12[%dma_wait3A_65, %dma_wait3A_66, %dma_wait3A_67] : memref<2x125x16xf32, #tpu.memory_space<vmem>> -> memref<1x125x16xf32, #tpu.memory_space<vmem>>
    %dma_wait3A_69 = tpu.memref_squeeze %dma_wait3A_68 : memref<1x125x16xf32, #tpu.memory_space<vmem>> -> memref<125x16xf32, #tpu.memory_space<vmem>>
    %dma_wait3A_70 = arith.constant 0 : i32
    %dma_wait3A_71 = tpu.memref_slice %arg10[%dma_wait3A, %dma_wait3A_70] : memref<80x125xi32, #tpu.memory_space<vmem>> -> memref<1x125xi32, #tpu.memory_space<vmem>>
    %dma_wait3A_72 = tpu.memref_squeeze %dma_wait3A_71 : memref<1x125xi32, #tpu.memory_space<vmem>> -> memref<125xi32, #tpu.memory_space<vmem>>
    %dma_wait3A_73 = arith.constant 0 : i32
    %dma_wait3A_74 = arith.constant 0 : i32
    %dma_wait3A_75 = tpu.memref_slice %arg19[%dma_wait3A_73, %dma_wait3A_74] : memref<10240x16xf32, #tpu.memory_space<vmem_shared>> -> memref<10240x16xf32, #tpu.memory_space<vmem_shared>>
    tpu.wait_indirect_dma semaphore(%arg21 : memref<!tpu.dma_semaphore, #tpu.memory_space<semaphore_mem>>) src(%dma_wait3A_75 : memref<10240x16xf32, #tpu.memory_space<vmem_shared>>) dst(%dma_wait3A_69 : memref<125x16xf32, #tpu.memory_space<vmem>>)
    %dma_start3A_76 = arith.constant 79 : i32
    %dma_start3A_77 = arith.constant 1 : i32
    %dma_start3A_78 = arith.constant 0 : i32
    %dma_start3A_79 = arith.constant 0 : i32
    %dma_start3A_80 = tpu.memref_slice %arg12[%dma_start3A_77, %dma_start3A_78, %dma_start3A_79] : memref<2x125x16xf32, #tpu.memory_space<vmem>> -> memref<1x125x16xf32, #tpu.memory_space<vmem>>
    %dma_start3A_81 = tpu.memref_squeeze %dma_start3A_80 : memref<1x125x16xf32, #tpu.memory_space<vmem>> -> memref<125x16xf32, #tpu.memory_space<vmem>>
    %dma_start3A_82 = arith.constant 0 : i32
    %dma_start3A_83 = tpu.memref_slice %arg10[%dma_start3A_76, %dma_start3A_82] : memref<80x125xi32, #tpu.memory_space<vmem>> -> memref<1x125xi32, #tpu.memory_space<vmem>>
    %dma_start3A_84 = tpu.memref_squeeze %dma_start3A_83 : memref<1x125xi32, #tpu.memory_space<vmem>> -> memref<125xi32, #tpu.memory_space<vmem>>
    %dma_start3A_85 = arith.constant 0 : i32
    %dma_start3A_86 = arith.constant 0 : i32
    %dma_start3A_87 = tpu.memref_slice %arg19[%dma_start3A_85, %dma_start3A_86] : memref<10240x16xf32, #tpu.memory_space<vmem_shared>> -> memref<10240x16xf32, #tpu.memory_space<vmem_shared>>
    tpu.enqueue_indirect_dma source(%dma_start3A_87 : memref<10240x16xf32, #tpu.memory_space<vmem_shared>>) target(%dma_start3A_81 : memref<125x16xf32, #tpu.memory_space<vmem>>) offsets(%dma_start3A_84 : memref<125xi32, #tpu.memory_space<vmem>>) semaphore(%arg21 : memref<!tpu.dma_semaphore, #tpu.memory_space<semaphore_mem>>)
    %dma_start3A_88 = arith.constant 0 : i32
    %dma_start3A_89 = arith.constant 78 : i32
    %dma_start3A_90 = arith.constant 0 : i32
    %dma_start3A_91 = arith.constant 0 : i32
    %dma_start3A_92 = tpu.memref_slice %arg12[%dma_start3A_88, %dma_start3A_90, %dma_start3A_91] : memref<2x125x16xf32, #tpu.memory_space<vmem>> -> memref<1x125x16xf32, #tpu.memory_space<vmem>>
    %dma_start3A_93 = tpu.memref_squeeze %dma_start3A_92 : memref<1x125x16xf32, #tpu.memory_space<vmem>> -> memref<125x16xf32, #tpu.memory_space<vmem>>
    %dma_start3A_94 = arith.constant 0 : i32
    %dma_start3A_95 = tpu.memref_slice %arg11[%dma_start3A_89, %dma_start3A_94] : memref<80x125xi32, #tpu.memory_space<vmem>> -> memref<1x125xi32, #tpu.memory_space<vmem>>
    %dma_start3A_96 = tpu.memref_squeeze %dma_start3A_95 : memref<1x125xi32, #tpu.memory_space<vmem>> -> memref<125xi32, #tpu.memory_space<vmem>>
    %dma_start3A_97 = arith.constant 0 : i32
    %dma_start3A_98 = arith.constant 0 : i32
    %dma_start3A_99 = tpu.memref_slice %arg20[%dma_start3A_97, %dma_start3A_98] : memref<10240x16xf32, #tpu.memory_space<vmem_shared>> -> memref<10240x16xf32, #tpu.memory_space<vmem_shared>>
    tpu.enqueue_indirect_dma source(%dma_start3A_93 : memref<125x16xf32, #tpu.memory_space<vmem>>) target(%dma_start3A_99 : memref<10240x16xf32, #tpu.memory_space<vmem_shared>>) offsets(%dma_start3A_96 : memref<125xi32, #tpu.memory_space<vmem>>) semaphore(%arg22 : memref<!tpu.dma_semaphore, #tpu.memory_space<semaphore_mem>>) {add = true}
    %dma_wait3A_100 = arith.constant 0 : i32
    %dma_wait3A_101 = arith.constant 78 : i32
    %dma_wait3A_102 = arith.constant 0 : i32
    %dma_wait3A_103 = arith.constant 0 : i32
    %dma_wait3A_104 = tpu.memref_slice %arg12[%dma_wait3A_100, %dma_wait3A_102, %dma_wait3A_103] : memref<2x125x16xf32, #tpu.memory_space<vmem>> -> memref<1x125x16xf32, #tpu.memory_space<vmem>>
    %dma_wait3A_105 = tpu.memref_squeeze %dma_wait3A_104 : memref<1x125x16xf32, #tpu.memory_space<vmem>> -> memref<125x16xf32, #tpu.memory_space<vmem>>
    %dma_wait3A_106 = arith.constant 0 : i32
    %dma_wait3A_107 = tpu.memref_slice %arg11[%dma_wait3A_101, %dma_wait3A_106] : memref<80x125xi32, #tpu.memory_space<vmem>> -> memref<1x125xi32, #tpu.memory_space<vmem>>
    %dma_wait3A_108 = tpu.memref_squeeze %dma_wait3A_107 : memref<1x125xi32, #tpu.memory_space<vmem>> -> memref<125xi32, #tpu.memory_space<vmem>>
    %dma_wait3A_109 = arith.constant 0 : i32
    %dma_wait3A_110 = arith.constant 0 : i32
    %dma_wait3A_111 = tpu.memref_slice %arg20[%dma_wait3A_109, %dma_wait3A_110] : memref<10240x16xf32, #tpu.memory_space<vmem_shared>> -> memref<10240x16xf32, #tpu.memory_space<vmem_shared>>
    tpu.wait_indirect_dma semaphore(%arg22 : memref<!tpu.dma_semaphore, #tpu.memory_space<semaphore_mem>>) src(%dma_wait3A_105 : memref<125x16xf32, #tpu.memory_space<vmem>>) dst(%dma_wait3A_111 : memref<10240x16xf32, #tpu.memory_space<vmem_shared>>)
    %dma_wait3A_112 = arith.constant 79 : i32
    %dma_wait3A_113 = arith.constant 1 : i32
    %dma_wait3A_114 = arith.constant 0 : i32
    %dma_wait3A_115 = arith.constant 0 : i32
    %dma_wait3A_116 = tpu.memref_slice %arg12[%dma_wait3A_113, %dma_wait3A_114, %dma_wait3A_115] : memref<2x125x16xf32, #tpu.memory_space<vmem>> -> memref<1x125x16xf32, #tpu.memory_space<vmem>>
    %dma_wait3A_117 = tpu.memref_squeeze %dma_wait3A_116 : memref<1x125x16xf32, #tpu.memory_space<vmem>> -> memref<125x16xf32, #tpu.memory_space<vmem>>
    %dma_wait3A_118 = arith.constant 0 : i32
    %dma_wait3A_119 = tpu.memref_slice %arg10[%dma_wait3A_112, %dma_wait3A_118] : memref<80x125xi32, #tpu.memory_space<vmem>> -> memref<1x125xi32, #tpu.memory_space<vmem>>
    %dma_wait3A_120 = tpu.memref_squeeze %dma_wait3A_119 : memref<1x125xi32, #tpu.memory_space<vmem>> -> memref<125xi32, #tpu.memory_space<vmem>>
    %dma_wait3A_121 = arith.constant 0 : i32
    %dma_wait3A_122 = arith.constant 0 : i32
    %dma_wait3A_123 = tpu.memref_slice %arg19[%dma_wait3A_121, %dma_wait3A_122] : memref<10240x16xf32, #tpu.memory_space<vmem_shared>> -> memref<10240x16xf32, #tpu.memory_space<vmem_shared>>
    tpu.wait_indirect_dma semaphore(%arg21 : memref<!tpu.dma_semaphore, #tpu.memory_space<semaphore_mem>>) src(%dma_wait3A_123 : memref<10240x16xf32, #tpu.memory_space<vmem_shared>>) dst(%dma_wait3A_117 : memref<125x16xf32, #tpu.memory_space<vmem>>)
    %dma_start3A_124 = arith.constant 1 : i32
    %dma_start3A_125 = arith.constant 79 : i32
    %dma_start3A_126 = arith.constant 0 : i32
    %dma_start3A_127 = arith.constant 0 : i32
    %dma_start3A_128 = tpu.memref_slice %arg12[%dma_start3A_124, %dma_start3A_126, %dma_start3A_127] : memref<2x125x16xf32, #tpu.memory_space<vmem>> -> memref<1x125x16xf32, #tpu.memory_space<vmem>>
    %dma_start3A_129 = tpu.memref_squeeze %dma_start3A_128 : memref<1x125x16xf32, #tpu.memory_space<vmem>> -> memref<125x16xf32, #tpu.memory_space<vmem>>
    %dma_start3A_130 = arith.constant 0 : i32
    %dma_start3A_131 = tpu.memref_slice %arg11[%dma_start3A_125, %dma_start3A_130] : memref<80x125xi32, #tpu.memory_space<vmem>> -> memref<1x125xi32, #tpu.memory_space<vmem>>
    %dma_start3A_132 = tpu.memref_squeeze %dma_start3A_131 : memref<1x125xi32, #tpu.memory_space<vmem>> -> memref<125xi32, #tpu.memory_space<vmem>>
    %dma_start3A_133 = arith.constant 0 : i32
    %dma_start3A_134 = arith.constant 0 : i32
    %dma_start3A_135 = tpu.memref_slice %arg20[%dma_start3A_133, %dma_start3A_134] : memref<10240x16xf32, #tpu.memory_space<vmem_shared>> -> memref<10240x16xf32, #tpu.memory_space<vmem_shared>>
    tpu.enqueue_indirect_dma source(%dma_start3A_129 : memref<125x16xf32, #tpu.memory_space<vmem>>) target(%dma_start3A_135 : memref<10240x16xf32, #tpu.memory_space<vmem_shared>>) offsets(%dma_start3A_132 : memref<125xi32, #tpu.memory_space<vmem>>) semaphore(%arg22 : memref<!tpu.dma_semaphore, #tpu.memory_space<semaphore_mem>>) {add = true}
    %dma_wait3A_136 = arith.constant 1 : i32
    %dma_wait3A_137 = arith.constant 79 : i32
    %dma_wait3A_138 = arith.constant 0 : i32
    %dma_wait3A_139 = arith.constant 0 : i32
    %dma_wait3A_140 = tpu.memref_slice %arg12[%dma_wait3A_136, %dma_wait3A_138, %dma_wait3A_139] : memref<2x125x16xf32, #tpu.memory_space<vmem>> -> memref<1x125x16xf32, #tpu.memory_space<vmem>>
    %dma_wait3A_141 = tpu.memref_squeeze %dma_wait3A_140 : memref<1x125x16xf32, #tpu.memory_space<vmem>> -> memref<125x16xf32, #tpu.memory_space<vmem>>
    %dma_wait3A_142 = arith.constant 0 : i32
    %dma_wait3A_143 = tpu.memref_slice %arg11[%dma_wait3A_137, %dma_wait3A_142] : memref<80x125xi32, #tpu.memory_space<vmem>> -> memref<1x125xi32, #tpu.memory_space<vmem>>
    %dma_wait3A_144 = tpu.memref_squeeze %dma_wait3A_143 : memref<1x125xi32, #tpu.memory_space<vmem>> -> memref<125xi32, #tpu.memory_space<vmem>>
    %dma_wait3A_145 = arith.constant 0 : i32
    %dma_wait3A_146 = arith.constant 0 : i32
    %dma_wait3A_147 = tpu.memref_slice %arg20[%dma_wait3A_145, %dma_wait3A_146] : memref<10240x16xf32, #tpu.memory_space<vmem_shared>> -> memref<10240x16xf32, #tpu.memory_space<vmem_shared>>
    tpu.wait_indirect_dma semaphore(%arg22 : memref<!tpu.dma_semaphore, #tpu.memory_space<semaphore_mem>>) src(%dma_wait3A_141 : memref<125x16xf32, #tpu.memory_space<vmem>>) dst(%dma_wait3A_147 : memref<10240x16xf32, #tpu.memory_space<vmem_shared>>)
    %barrier3A_148 = arith.constant 0 : index
    tpu.barrier barrier_id(%barrier3A_148)
    %mul3A_149 = arith.constant 640 : i32
    %mul3A_150 = arith.muli %arg1, %mul3A_149 : i32
    %mul3A_151 = arith.constant 640 : i32
    %mul3A_152 = arith.muli %arg1, %mul3A_151 : i32
    "tpu.region"() ({
      %run_scoped3A_153 = tpu.sem_alloc : memref<!tpu.dma_semaphore, #tpu.memory_space<semaphore_mem>>
      %dma_start3A_154 = arith.constant 0 : i32
      %dma_start3A_155 = tpu.memref_slice %arg8[%arg0, %mul3A_152, %dma_start3A_154] : memref<2x10240x16xf32, #tpu.memory_space<hbm>> -> memref<1x640x16xf32, #tpu.memory_space<hbm>>
      %dma_start3A_156 = tpu.memref_squeeze %dma_start3A_155 : memref<1x640x16xf32, #tpu.memory_space<hbm>> -> memref<640x16xf32, #tpu.memory_space<hbm>>
      %dma_start3A_157 = arith.constant 0 : i32
      %dma_start3A_158 = tpu.memref_slice %arg20[%mul3A_150, %dma_start3A_157] : memref<10240x16xf32, #tpu.memory_space<vmem_shared>> -> memref<640x16xf32, #tpu.memory_space<vmem_shared>>
      tpu.enqueue_dma source(%dma_start3A_158 : memref<640x16xf32, #tpu.memory_space<vmem_shared>>) target(%dma_start3A_156 : memref<640x16xf32, #tpu.memory_space<hbm>>) target_semaphore(%run_scoped3A_153 : memref<!tpu.dma_semaphore, #tpu.memory_space<semaphore_mem>>)
      %dma_wait3A_159 = arith.constant 0 : i32
      %dma_wait3A_160 = tpu.memref_slice %arg8[%arg0, %mul3A_152, %dma_wait3A_159] : memref<2x10240x16xf32, #tpu.memory_space<hbm>> -> memref<1x640x16xf32, #tpu.memory_space<hbm>>
      %dma_wait3A_161 = tpu.memref_squeeze %dma_wait3A_160 : memref<1x640x16xf32, #tpu.memory_space<hbm>> -> memref<640x16xf32, #tpu.memory_space<hbm>>
      %dma_wait3A_162 = arith.constant 0 : i32
      %dma_wait3A_163 = tpu.memref_slice %arg20[%mul3A_150, %dma_wait3A_162] : memref<10240x16xf32, #tpu.memory_space<vmem_shared>> -> memref<640x16xf32, #tpu.memory_space<vmem_shared>>
      tpu.wait_dma2 semaphore(%run_scoped3A_153 : memref<!tpu.dma_semaphore, #tpu.memory_space<semaphore_mem>>) src(%dma_wait3A_163 : memref<640x16xf32, #tpu.memory_space<vmem_shared>>) dst(%dma_wait3A_161 : memref<640x16xf32, #tpu.memory_space<hbm>>)
      tpu.yield
    }) : () -> ()
    return
  }
}

#map = affine_map<(d0, d1) -> (0, 0)>
#map1 = affine_map<(d0, d1) -> (0)>
module attributes {stable_mosaic.version = 14 : i64} {
  func.func @_deg_body(%arg0: i32, %arg1: i32, %arg2: memref<2560x125xi32, #tpu.memory_space<hbm>>, %arg3: memref<20480xf32, #tpu.memory_space<hbm>>, %arg4: memref<80x125xi32, #tpu.memory_space<vmem>>, %arg5: memref<128xf32, #tpu.memory_space<vmem>>, %arg6: memref<640xf32, #tpu.memory_space<vmem>>, %arg7: memref<10240xf32, #tpu.memory_space<vmem_shared>>, %arg8: memref<!tpu.dma_semaphore, #tpu.memory_space<semaphore_mem>>) attributes {dimension_semantics = [#tpu.dimension_semantics<core_parallel>, #tpu.dimension_semantics<subcore_parallel>], iteration_bounds = array<i64: 2, 16>, scalar_prefetch = 0 : i64, scratch_operands = 5 : i64, tpu.core_type = #tpu.core_type<sc_vector_subcore>, window_params = [{transform_indices = #map}, {transform_indices = #map1}]} {
    %mul3A = arith.constant 2 : i32
    %mul3A_0 = arith.muli %arg1, %mul3A : i32
    %add3A = arith.addi %mul3A_0, %arg0 : i32
    %scan3A = arith.constant 0 : i32
    %scan3A_1 = arith.constant 0 : i32
    %scan3A_2 = arith.constant 40 : i32
    %scan3A_3 = arith.addi %scan3A_1, %scan3A_2 : i32
    %scan3A_4 = arith.constant 8 : i32
    %scan3A_5 = scf.for %scan3A_106 = %scan3A_1 to %scan3A_3 step %scan3A_4 iter_args(%scan3A_107 = %scan3A) -> (i32)  : i32 {
      %broadcast_in_dim3A_108 = arith.constant 0.000000e+00 : f32
      %broadcast_in_dim3A_109 = vector.broadcast %broadcast_in_dim3A_108 : f32 to vector<16xf32>
      %mul3A_110 = arith.constant 16 : i32
      %mul3A_111 = arith.muli %scan3A_106, %mul3A_110 : i32
      %swap3A_112 = arith.index_cast %mul3A_111 : i32 to index
      %swap3A_113 = tpu.vector_load %arg6[%swap3A_112] {strides = array<i32>} : memref<640xf32, #tpu.memory_space<vmem>>, vector<16xf32>,
      %swap3A_114 = vector.shape_cast %swap3A_113 : vector<16xf32> to vector<16xf32>
      %swap3A_115 = vector.shape_cast %broadcast_in_dim3A_109 : vector<16xf32> to vector<16xf32>
      tpu.vector_store %arg6[%swap3A_112], %swap3A_115 {strides = array<i32>} : memref<640xf32, #tpu.memory_space<vmem>>, vector<16xf32>,
      %scan3A_116 = arith.constant 0 : i32
      %scan3A_117 = arith.constant 1 : i32
      %scan3A_118 = arith.addi %scan3A_106, %scan3A_117 : i32
      %broadcast_in_dim3A_119 = arith.constant 0.000000e+00 : f32
      %broadcast_in_dim3A_120 = vector.broadcast %broadcast_in_dim3A_119 : f32 to vector<16xf32>
      %mul3A_121 = arith.constant 16 : i32
      %mul3A_122 = arith.muli %scan3A_118, %mul3A_121 : i32
      %swap3A_123 = arith.index_cast %mul3A_122 : i32 to index
      %swap3A_124 = tpu.vector_load %arg6[%swap3A_123] {strides = array<i32>} : memref<640xf32, #tpu.memory_space<vmem>>, vector<16xf32>,
      %swap3A_125 = vector.shape_cast %swap3A_124 : vector<16xf32> to vector<16xf32>
      %swap3A_126 = vector.shape_cast %broadcast_in_dim3A_120 : vector<16xf32> to vector<16xf32>
      tpu.vector_store %arg6[%swap3A_123], %swap3A_126 {strides = array<i32>} : memref<640xf32, #tpu.memory_space<vmem>>, vector<16xf32>,
      %scan3A_127 = arith.constant 0 : i32
      %scan3A_128 = arith.constant 2 : i32
      %scan3A_129 = arith.addi %scan3A_106, %scan3A_128 : i32
      %broadcast_in_dim3A_130 = arith.constant 0.000000e+00 : f32
      %broadcast_in_dim3A_131 = vector.broadcast %broadcast_in_dim3A_130 : f32 to vector<16xf32>
      %mul3A_132 = arith.constant 16 : i32
      %mul3A_133 = arith.muli %scan3A_129, %mul3A_132 : i32
      %swap3A_134 = arith.index_cast %mul3A_133 : i32 to index
      %swap3A_135 = tpu.vector_load %arg6[%swap3A_134] {strides = array<i32>} : memref<640xf32, #tpu.memory_space<vmem>>, vector<16xf32>,
      %swap3A_136 = vector.shape_cast %swap3A_135 : vector<16xf32> to vector<16xf32>
      %swap3A_137 = vector.shape_cast %broadcast_in_dim3A_131 : vector<16xf32> to vector<16xf32>
      tpu.vector_store %arg6[%swap3A_134], %swap3A_137 {strides = array<i32>} : memref<640xf32, #tpu.memory_space<vmem>>, vector<16xf32>,
      %scan3A_138 = arith.constant 0 : i32
      %scan3A_139 = arith.constant 3 : i32
      %scan3A_140 = arith.addi %scan3A_106, %scan3A_139 : i32
      %broadcast_in_dim3A_141 = arith.constant 0.000000e+00 : f32
      %broadcast_in_dim3A_142 = vector.broadcast %broadcast_in_dim3A_141 : f32 to vector<16xf32>
      %mul3A_143 = arith.constant 16 : i32
      %mul3A_144 = arith.muli %scan3A_140, %mul3A_143 : i32
      %swap3A_145 = arith.index_cast %mul3A_144 : i32 to index
      %swap3A_146 = tpu.vector_load %arg6[%swap3A_145] {strides = array<i32>} : memref<640xf32, #tpu.memory_space<vmem>>, vector<16xf32>,
      %swap3A_147 = vector.shape_cast %swap3A_146 : vector<16xf32> to vector<16xf32>
      %swap3A_148 = vector.shape_cast %broadcast_in_dim3A_142 : vector<16xf32> to vector<16xf32>
      tpu.vector_store %arg6[%swap3A_145], %swap3A_148 {strides = array<i32>} : memref<640xf32, #tpu.memory_space<vmem>>, vector<16xf32>,
      %scan3A_149 = arith.constant 0 : i32
      %scan3A_150 = arith.constant 4 : i32
      %scan3A_151 = arith.addi %scan3A_106, %scan3A_150 : i32
      %broadcast_in_dim3A_152 = arith.constant 0.000000e+00 : f32
      %broadcast_in_dim3A_153 = vector.broadcast %broadcast_in_dim3A_152 : f32 to vector<16xf32>
      %mul3A_154 = arith.constant 16 : i32
      %mul3A_155 = arith.muli %scan3A_151, %mul3A_154 : i32
      %swap3A_156 = arith.index_cast %mul3A_155 : i32 to index
      %swap3A_157 = tpu.vector_load %arg6[%swap3A_156] {strides = array<i32>} : memref<640xf32, #tpu.memory_space<vmem>>, vector<16xf32>,
      %swap3A_158 = vector.shape_cast %swap3A_157 : vector<16xf32> to vector<16xf32>
      %swap3A_159 = vector.shape_cast %broadcast_in_dim3A_153 : vector<16xf32> to vector<16xf32>
      tpu.vector_store %arg6[%swap3A_156], %swap3A_159 {strides = array<i32>} : memref<640xf32, #tpu.memory_space<vmem>>, vector<16xf32>,
      %scan3A_160 = arith.constant 0 : i32
      %scan3A_161 = arith.constant 5 : i32
      %scan3A_162 = arith.addi %scan3A_106, %scan3A_161 : i32
      %broadcast_in_dim3A_163 = arith.constant 0.000000e+00 : f32
      %broadcast_in_dim3A_164 = vector.broadcast %broadcast_in_dim3A_163 : f32 to vector<16xf32>
      %mul3A_165 = arith.constant 16 : i32
      %mul3A_166 = arith.muli %scan3A_162, %mul3A_165 : i32
      %swap3A_167 = arith.index_cast %mul3A_166 : i32 to index
      %swap3A_168 = tpu.vector_load %arg6[%swap3A_167] {strides = array<i32>} : memref<640xf32, #tpu.memory_space<vmem>>, vector<16xf32>,
      %swap3A_169 = vector.shape_cast %swap3A_168 : vector<16xf32> to vector<16xf32>
      %swap3A_170 = vector.shape_cast %broadcast_in_dim3A_164 : vector<16xf32> to vector<16xf32>
      tpu.vector_store %arg6[%swap3A_167], %swap3A_170 {strides = array<i32>} : memref<640xf32, #tpu.memory_space<vmem>>, vector<16xf32>,
      %scan3A_171 = arith.constant 0 : i32
      %scan3A_172 = arith.constant 6 : i32
      %scan3A_173 = arith.addi %scan3A_106, %scan3A_172 : i32
      %broadcast_in_dim3A_174 = arith.constant 0.000000e+00 : f32
      %broadcast_in_dim3A_175 = vector.broadcast %broadcast_in_dim3A_174 : f32 to vector<16xf32>
      %mul3A_176 = arith.constant 16 : i32
      %mul3A_177 = arith.muli %scan3A_173, %mul3A_176 : i32
      %swap3A_178 = arith.index_cast %mul3A_177 : i32 to index
      %swap3A_179 = tpu.vector_load %arg6[%swap3A_178] {strides = array<i32>} : memref<640xf32, #tpu.memory_space<vmem>>, vector<16xf32>,
      %swap3A_180 = vector.shape_cast %swap3A_179 : vector<16xf32> to vector<16xf32>
      %swap3A_181 = vector.shape_cast %broadcast_in_dim3A_175 : vector<16xf32> to vector<16xf32>
      tpu.vector_store %arg6[%swap3A_178], %swap3A_181 {strides = array<i32>} : memref<640xf32, #tpu.memory_space<vmem>>, vector<16xf32>,
      %scan3A_182 = arith.constant 0 : i32
      %scan3A_183 = arith.constant 7 : i32
      %scan3A_184 = arith.addi %scan3A_106, %scan3A_183 : i32
      %broadcast_in_dim3A_185 = arith.constant 0.000000e+00 : f32
      %broadcast_in_dim3A_186 = vector.broadcast %broadcast_in_dim3A_185 : f32 to vector<16xf32>
      %mul3A_187 = arith.constant 16 : i32
      %mul3A_188 = arith.muli %scan3A_184, %mul3A_187 : i32
      %swap3A_189 = arith.index_cast %mul3A_188 : i32 to index
      %swap3A_190 = tpu.vector_load %arg6[%swap3A_189] {strides = array<i32>} : memref<640xf32, #tpu.memory_space<vmem>>, vector<16xf32>,
      %swap3A_191 = vector.shape_cast %swap3A_190 : vector<16xf32> to vector<16xf32>
      %swap3A_192 = vector.shape_cast %broadcast_in_dim3A_186 : vector<16xf32> to vector<16xf32>
      tpu.vector_store %arg6[%swap3A_189], %swap3A_192 {strides = array<i32>} : memref<640xf32, #tpu.memory_space<vmem>>, vector<16xf32>,
      %scan3A_193 = arith.constant 0 : i32
      scf.yield %scan3A_193 : i32
    }
    %scan3A_6 = arith.constant 40 : i32
    %scan3A_7 = arith.constant 0 : i32
    %scan3A_8 = arith.constant 0 : i32
    %broadcast_in_dim3A = arith.constant 1.000000e+00 : f32
    %broadcast_in_dim3A_9 = vector.broadcast %broadcast_in_dim3A : f32 to vector<16xf32>
    %mul3A_10 = arith.constant 16 : i32
    %mul3A_11 = arith.muli %scan3A_8, %mul3A_10 : i32
    %swap3A = arith.index_cast %mul3A_11 : i32 to index
    %swap3A_12 = tpu.vector_load %arg5[%swap3A] {strides = array<i32>} : memref<128xf32, #tpu.memory_space<vmem>>, vector<16xf32>,
    %swap3A_13 = vector.shape_cast %swap3A_12 : vector<16xf32> to vector<16xf32>
    %swap3A_14 = vector.shape_cast %broadcast_in_dim3A_9 : vector<16xf32> to vector<16xf32>
    tpu.vector_store %arg5[%swap3A], %swap3A_14 {strides = array<i32>} : memref<128xf32, #tpu.memory_space<vmem>>, vector<16xf32>,
    %scan3A_15 = arith.constant 0 : i32
    %scan3A_16 = arith.constant 1 : i32
    %broadcast_in_dim3A_17 = arith.constant 1.000000e+00 : f32
    %broadcast_in_dim3A_18 = vector.broadcast %broadcast_in_dim3A_17 : f32 to vector<16xf32>
    %mul3A_19 = arith.constant 16 : i32
    %mul3A_20 = arith.muli %scan3A_16, %mul3A_19 : i32
    %swap3A_21 = arith.index_cast %mul3A_20 : i32 to index
    %swap3A_22 = tpu.vector_load %arg5[%swap3A_21] {strides = array<i32>} : memref<128xf32, #tpu.memory_space<vmem>>, vector<16xf32>,
    %swap3A_23 = vector.shape_cast %swap3A_22 : vector<16xf32> to vector<16xf32>
    %swap3A_24 = vector.shape_cast %broadcast_in_dim3A_18 : vector<16xf32> to vector<16xf32>
    tpu.vector_store %arg5[%swap3A_21], %swap3A_24 {strides = array<i32>} : memref<128xf32, #tpu.memory_space<vmem>>, vector<16xf32>,
    %scan3A_25 = arith.constant 0 : i32
    %scan3A_26 = arith.constant 2 : i32
    %broadcast_in_dim3A_27 = arith.constant 1.000000e+00 : f32
    %broadcast_in_dim3A_28 = vector.broadcast %broadcast_in_dim3A_27 : f32 to vector<16xf32>
    %mul3A_29 = arith.constant 16 : i32
    %mul3A_30 = arith.muli %scan3A_26, %mul3A_29 : i32
    %swap3A_31 = arith.index_cast %mul3A_30 : i32 to index
    %swap3A_32 = tpu.vector_load %arg5[%swap3A_31] {strides = array<i32>} : memref<128xf32, #tpu.memory_space<vmem>>, vector<16xf32>,
    %swap3A_33 = vector.shape_cast %swap3A_32 : vector<16xf32> to vector<16xf32>
    %swap3A_34 = vector.shape_cast %broadcast_in_dim3A_28 : vector<16xf32> to vector<16xf32>
    tpu.vector_store %arg5[%swap3A_31], %swap3A_34 {strides = array<i32>} : memref<128xf32, #tpu.memory_space<vmem>>, vector<16xf32>,
    %scan3A_35 = arith.constant 0 : i32
    %scan3A_36 = arith.constant 3 : i32
    %broadcast_in_dim3A_37 = arith.constant 1.000000e+00 : f32
    %broadcast_in_dim3A_38 = vector.broadcast %broadcast_in_dim3A_37 : f32 to vector<16xf32>
    %mul3A_39 = arith.constant 16 : i32
    %mul3A_40 = arith.muli %scan3A_36, %mul3A_39 : i32
    %swap3A_41 = arith.index_cast %mul3A_40 : i32 to index
    %swap3A_42 = tpu.vector_load %arg5[%swap3A_41] {strides = array<i32>} : memref<128xf32, #tpu.memory_space<vmem>>, vector<16xf32>,
    %swap3A_43 = vector.shape_cast %swap3A_42 : vector<16xf32> to vector<16xf32>
    %swap3A_44 = vector.shape_cast %broadcast_in_dim3A_38 : vector<16xf32> to vector<16xf32>
    tpu.vector_store %arg5[%swap3A_41], %swap3A_44 {strides = array<i32>} : memref<128xf32, #tpu.memory_space<vmem>>, vector<16xf32>,
    %scan3A_45 = arith.constant 0 : i32
    %scan3A_46 = arith.constant 4 : i32
    %broadcast_in_dim3A_47 = arith.constant 1.000000e+00 : f32
    %broadcast_in_dim3A_48 = vector.broadcast %broadcast_in_dim3A_47 : f32 to vector<16xf32>
    %mul3A_49 = arith.constant 16 : i32
    %mul3A_50 = arith.muli %scan3A_46, %mul3A_49 : i32
    %swap3A_51 = arith.index_cast %mul3A_50 : i32 to index
    %swap3A_52 = tpu.vector_load %arg5[%swap3A_51] {strides = array<i32>} : memref<128xf32, #tpu.memory_space<vmem>>, vector<16xf32>,
    %swap3A_53 = vector.shape_cast %swap3A_52 : vector<16xf32> to vector<16xf32>
    %swap3A_54 = vector.shape_cast %broadcast_in_dim3A_48 : vector<16xf32> to vector<16xf32>
    tpu.vector_store %arg5[%swap3A_51], %swap3A_54 {strides = array<i32>} : memref<128xf32, #tpu.memory_space<vmem>>, vector<16xf32>,
    %scan3A_55 = arith.constant 0 : i32
    %scan3A_56 = arith.constant 5 : i32
    %broadcast_in_dim3A_57 = arith.constant 1.000000e+00 : f32
    %broadcast_in_dim3A_58 = vector.broadcast %broadcast_in_dim3A_57 : f32 to vector<16xf32>
    %mul3A_59 = arith.constant 16 : i32
    %mul3A_60 = arith.muli %scan3A_56, %mul3A_59 : i32
    %swap3A_61 = arith.index_cast %mul3A_60 : i32 to index
    %swap3A_62 = tpu.vector_load %arg5[%swap3A_61] {strides = array<i32>} : memref<128xf32, #tpu.memory_space<vmem>>, vector<16xf32>,
    %swap3A_63 = vector.shape_cast %swap3A_62 : vector<16xf32> to vector<16xf32>
    %swap3A_64 = vector.shape_cast %broadcast_in_dim3A_58 : vector<16xf32> to vector<16xf32>
    tpu.vector_store %arg5[%swap3A_61], %swap3A_64 {strides = array<i32>} : memref<128xf32, #tpu.memory_space<vmem>>, vector<16xf32>,
    %scan3A_65 = arith.constant 0 : i32
    %scan3A_66 = arith.constant 6 : i32
    %broadcast_in_dim3A_67 = arith.constant 1.000000e+00 : f32
    %broadcast_in_dim3A_68 = vector.broadcast %broadcast_in_dim3A_67 : f32 to vector<16xf32>
    %mul3A_69 = arith.constant 16 : i32
    %mul3A_70 = arith.muli %scan3A_66, %mul3A_69 : i32
    %swap3A_71 = arith.index_cast %mul3A_70 : i32 to index
    %swap3A_72 = tpu.vector_load %arg5[%swap3A_71] {strides = array<i32>} : memref<128xf32, #tpu.memory_space<vmem>>, vector<16xf32>,
    %swap3A_73 = vector.shape_cast %swap3A_72 : vector<16xf32> to vector<16xf32>
    %swap3A_74 = vector.shape_cast %broadcast_in_dim3A_68 : vector<16xf32> to vector<16xf32>
    tpu.vector_store %arg5[%swap3A_71], %swap3A_74 {strides = array<i32>} : memref<128xf32, #tpu.memory_space<vmem>>, vector<16xf32>,
    %scan3A_75 = arith.constant 0 : i32
    %scan3A_76 = arith.constant 7 : i32
    %broadcast_in_dim3A_77 = arith.constant 1.000000e+00 : f32
    %broadcast_in_dim3A_78 = vector.broadcast %broadcast_in_dim3A_77 : f32 to vector<16xf32>
    %mul3A_79 = arith.constant 16 : i32
    %mul3A_80 = arith.muli %scan3A_76, %mul3A_79 : i32
    %swap3A_81 = arith.index_cast %mul3A_80 : i32 to index
    %swap3A_82 = tpu.vector_load %arg5[%swap3A_81] {strides = array<i32>} : memref<128xf32, #tpu.memory_space<vmem>>, vector<16xf32>,
    %swap3A_83 = vector.shape_cast %swap3A_82 : vector<16xf32> to vector<16xf32>
    %swap3A_84 = vector.shape_cast %broadcast_in_dim3A_78 : vector<16xf32> to vector<16xf32>
    tpu.vector_store %arg5[%swap3A_81], %swap3A_84 {strides = array<i32>} : memref<128xf32, #tpu.memory_space<vmem>>, vector<16xf32>,
    %scan3A_85 = arith.constant 0 : i32
    %scan3A_86 = arith.constant 8 : i32
    %mul3A_87 = arith.constant 640 : i32
    %mul3A_88 = arith.muli %arg1, %mul3A_87 : i32
    "tpu.region"() ({
      %run_scoped3A = tpu.sem_alloc : memref<!tpu.dma_semaphore, #tpu.memory_space<semaphore_mem>>
      %dma_start3A = tpu.memref_slice %arg7[%mul3A_88] : memref<10240xf32, #tpu.memory_space<vmem_shared>> -> memref<640xf32, #tpu.memory_space<vmem_shared>>
      %dma_start3A_106 = tpu.memref_slice %arg7[%mul3A_88] : memref<10240xf32, #tpu.memory_space<vmem_shared>> -> memref<640xf32, #tpu.memory_space<vmem_shared>>
      tpu.enqueue_dma source(%arg6 : memref<640xf32, #tpu.memory_space<vmem>>) target(%dma_start3A_106 : memref<640xf32, #tpu.memory_space<vmem_shared>>) target_semaphore(%run_scoped3A : memref<!tpu.dma_semaphore, #tpu.memory_space<semaphore_mem>>)
      %dma_wait3A = tpu.memref_slice %arg7[%mul3A_88] : memref<10240xf32, #tpu.memory_space<vmem_shared>> -> memref<640xf32, #tpu.memory_space<vmem_shared>>
      %dma_wait3A_107 = tpu.memref_slice %arg7[%mul3A_88] : memref<10240xf32, #tpu.memory_space<vmem_shared>> -> memref<640xf32, #tpu.memory_space<vmem_shared>>
      tpu.wait_dma2 semaphore(%run_scoped3A : memref<!tpu.dma_semaphore, #tpu.memory_space<semaphore_mem>>) src(%arg6 : memref<640xf32, #tpu.memory_space<vmem>>) dst(%dma_wait3A_107 : memref<640xf32, #tpu.memory_space<vmem_shared>>)
      tpu.yield
    }) : () -> ()
    %mul3A_89 = arith.constant 80 : i32
    %mul3A_90 = arith.muli %add3A, %mul3A_89 : i32
    "tpu.region"() ({
      %run_scoped3A = tpu.sem_alloc : memref<!tpu.dma_semaphore, #tpu.memory_space<semaphore_mem>>
      %dma_start3A = arith.constant 0 : i32
      %dma_start3A_106 = tpu.memref_slice %arg2[%mul3A_90, %dma_start3A] : memref<2560x125xi32, #tpu.memory_space<hbm>> -> memref<80x125xi32, #tpu.memory_space<hbm>>
      %dma_start3A_107 = arith.constant 0 : i32
      %dma_start3A_108 = tpu.memref_slice %arg2[%mul3A_90, %dma_start3A_107] : memref<2560x125xi32, #tpu.memory_space<hbm>> -> memref<80x125xi32, #tpu.memory_space<hbm>>
      tpu.enqueue_dma source(%dma_start3A_108 : memref<80x125xi32, #tpu.memory_space<hbm>>) target(%arg4 : memref<80x125xi32, #tpu.memory_space<vmem>>) target_semaphore(%run_scoped3A : memref<!tpu.dma_semaphore, #tpu.memory_space<semaphore_mem>>)
      %dma_wait3A = arith.constant 0 : i32
      %dma_wait3A_109 = tpu.memref_slice %arg2[%mul3A_90, %dma_wait3A] : memref<2560x125xi32, #tpu.memory_space<hbm>> -> memref<80x125xi32, #tpu.memory_space<hbm>>
      %dma_wait3A_110 = arith.constant 0 : i32
      %dma_wait3A_111 = tpu.memref_slice %arg2[%mul3A_90, %dma_wait3A_110] : memref<2560x125xi32, #tpu.memory_space<hbm>> -> memref<80x125xi32, #tpu.memory_space<hbm>>
      tpu.wait_dma2 semaphore(%run_scoped3A : memref<!tpu.dma_semaphore, #tpu.memory_space<semaphore_mem>>) src(%dma_wait3A_111 : memref<80x125xi32, #tpu.memory_space<hbm>>) dst(%arg4 : memref<80x125xi32, #tpu.memory_space<vmem>>)
      tpu.yield
    }) : () -> ()
    %barrier3A = arith.constant 0 : index
    tpu.barrier barrier_id(%barrier3A)
    %scan3A_91 = arith.constant 0 : i32
    %scan3A_92 = arith.constant 0 : i32
    %scan3A_93 = arith.constant 10 : i32
    %scan3A_94 = arith.addi %scan3A_92, %scan3A_93 : i32
    %scan3A_95 = arith.constant 1 : i32
    %scan3A_96 = scf.for %scan3A_106 = %scan3A_92 to %scan3A_94 step %scan3A_95 iter_args(%scan3A_107 = %scan3A_91) -> (i32)  : i32 {
      %mul3A_108 = arith.constant 8 : i32
      %mul3A_109 = arith.muli %scan3A_106, %mul3A_108 : i32
      %add3A_110 = arith.constant 0 : i32
      %add3A_111 = arith.addi %mul3A_109, %add3A_110 : i32
      %dma_start3A = arith.constant 0 : i32
      %dma_start3A_112 = tpu.memref_slice %arg5[%dma_start3A] : memref<128xf32, #tpu.memory_space<vmem>> -> memref<125xf32, #tpu.memory_space<vmem>>
      %dma_start3A_113 = arith.constant 0 : i32
      %dma_start3A_114 = tpu.memref_slice %arg4[%add3A_111, %dma_start3A_113] : memref<80x125xi32, #tpu.memory_space<vmem>> -> memref<1x125xi32, #tpu.memory_space<vmem>>
      %dma_start3A_115 = tpu.memref_squeeze %dma_start3A_114 : memref<1x125xi32, #tpu.memory_space<vmem>> -> memref<125xi32, #tpu.memory_space<vmem>>
      %dma_start3A_116 = arith.constant 0 : i32
      %dma_start3A_117 = tpu.memref_slice %arg7[%dma_start3A_116] : memref<10240xf32, #tpu.memory_space<vmem_shared>> -> memref<10240xf32, #tpu.memory_space<vmem_shared>>
      tpu.enqueue_indirect_dma source(%dma_start3A_112 : memref<125xf32, #tpu.memory_space<vmem>>) target(%dma_start3A_117 : memref<10240xf32, #tpu.memory_space<vmem_shared>>) offsets(%dma_start3A_115 : memref<125xi32, #tpu.memory_space<vmem>>) semaphore(%arg8 : memref<!tpu.dma_semaphore, #tpu.memory_space<semaphore_mem>>) {add = true}
      %mul3A_118 = arith.constant 8 : i32
      %mul3A_119 = arith.muli %scan3A_106, %mul3A_118 : i32
      %add3A_120 = arith.constant 1 : i32
      %add3A_121 = arith.addi %mul3A_119, %add3A_120 : i32
      %dma_start3A_122 = arith.constant 0 : i32
      %dma_start3A_123 = tpu.memref_slice %arg5[%dma_start3A_122] : memref<128xf32, #tpu.memory_space<vmem>> -> memref<125xf32, #tpu.memory_space<vmem>>
      %dma_start3A_124 = arith.constant 0 : i32
      %dma_start3A_125 = tpu.memref_slice %arg4[%add3A_121, %dma_start3A_124] : memref<80x125xi32, #tpu.memory_space<vmem>> -> memref<1x125xi32, #tpu.memory_space<vmem>>
      %dma_start3A_126 = tpu.memref_squeeze %dma_start3A_125 : memref<1x125xi32, #tpu.memory_space<vmem>> -> memref<125xi32, #tpu.memory_space<vmem>>
      %dma_start3A_127 = arith.constant 0 : i32
      %dma_start3A_128 = tpu.memref_slice %arg7[%dma_start3A_127] : memref<10240xf32, #tpu.memory_space<vmem_shared>> -> memref<10240xf32, #tpu.memory_space<vmem_shared>>
      tpu.enqueue_indirect_dma source(%dma_start3A_123 : memref<125xf32, #tpu.memory_space<vmem>>) target(%dma_start3A_128 : memref<10240xf32, #tpu.memory_space<vmem_shared>>) offsets(%dma_start3A_126 : memref<125xi32, #tpu.memory_space<vmem>>) semaphore(%arg8 : memref<!tpu.dma_semaphore, #tpu.memory_space<semaphore_mem>>) {add = true}
      %mul3A_129 = arith.constant 8 : i32
      %mul3A_130 = arith.muli %scan3A_106, %mul3A_129 : i32
      %add3A_131 = arith.constant 2 : i32
      %add3A_132 = arith.addi %mul3A_130, %add3A_131 : i32
      %dma_start3A_133 = arith.constant 0 : i32
      %dma_start3A_134 = tpu.memref_slice %arg5[%dma_start3A_133] : memref<128xf32, #tpu.memory_space<vmem>> -> memref<125xf32, #tpu.memory_space<vmem>>
      %dma_start3A_135 = arith.constant 0 : i32
      %dma_start3A_136 = tpu.memref_slice %arg4[%add3A_132, %dma_start3A_135] : memref<80x125xi32, #tpu.memory_space<vmem>> -> memref<1x125xi32, #tpu.memory_space<vmem>>
      %dma_start3A_137 = tpu.memref_squeeze %dma_start3A_136 : memref<1x125xi32, #tpu.memory_space<vmem>> -> memref<125xi32, #tpu.memory_space<vmem>>
      %dma_start3A_138 = arith.constant 0 : i32
      %dma_start3A_139 = tpu.memref_slice %arg7[%dma_start3A_138] : memref<10240xf32, #tpu.memory_space<vmem_shared>> -> memref<10240xf32, #tpu.memory_space<vmem_shared>>
      tpu.enqueue_indirect_dma source(%dma_start3A_134 : memref<125xf32, #tpu.memory_space<vmem>>) target(%dma_start3A_139 : memref<10240xf32, #tpu.memory_space<vmem_shared>>) offsets(%dma_start3A_137 : memref<125xi32, #tpu.memory_space<vmem>>) semaphore(%arg8 : memref<!tpu.dma_semaphore, #tpu.memory_space<semaphore_mem>>) {add = true}
      %mul3A_140 = arith.constant 8 : i32
      %mul3A_141 = arith.muli %scan3A_106, %mul3A_140 : i32
      %add3A_142 = arith.constant 3 : i32
      %add3A_143 = arith.addi %mul3A_141, %add3A_142 : i32
      %dma_start3A_144 = arith.constant 0 : i32
      %dma_start3A_145 = tpu.memref_slice %arg5[%dma_start3A_144] : memref<128xf32, #tpu.memory_space<vmem>> -> memref<125xf32, #tpu.memory_space<vmem>>
      %dma_start3A_146 = arith.constant 0 : i32
      %dma_start3A_147 = tpu.memref_slice %arg4[%add3A_143, %dma_start3A_146] : memref<80x125xi32, #tpu.memory_space<vmem>> -> memref<1x125xi32, #tpu.memory_space<vmem>>
      %dma_start3A_148 = tpu.memref_squeeze %dma_start3A_147 : memref<1x125xi32, #tpu.memory_space<vmem>> -> memref<125xi32, #tpu.memory_space<vmem>>
      %dma_start3A_149 = arith.constant 0 : i32
      %dma_start3A_150 = tpu.memref_slice %arg7[%dma_start3A_149] : memref<10240xf32, #tpu.memory_space<vmem_shared>> -> memref<10240xf32, #tpu.memory_space<vmem_shared>>
      tpu.enqueue_indirect_dma source(%dma_start3A_145 : memref<125xf32, #tpu.memory_space<vmem>>) target(%dma_start3A_150 : memref<10240xf32, #tpu.memory_space<vmem_shared>>) offsets(%dma_start3A_148 : memref<125xi32, #tpu.memory_space<vmem>>) semaphore(%arg8 : memref<!tpu.dma_semaphore, #tpu.memory_space<semaphore_mem>>) {add = true}
      %mul3A_151 = arith.constant 8 : i32
      %mul3A_152 = arith.muli %scan3A_106, %mul3A_151 : i32
      %add3A_153 = arith.constant 4 : i32
      %add3A_154 = arith.addi %mul3A_152, %add3A_153 : i32
      %dma_start3A_155 = arith.constant 0 : i32
      %dma_start3A_156 = tpu.memref_slice %arg5[%dma_start3A_155] : memref<128xf32, #tpu.memory_space<vmem>> -> memref<125xf32, #tpu.memory_space<vmem>>
      %dma_start3A_157 = arith.constant 0 : i32
      %dma_start3A_158 = tpu.memref_slice %arg4[%add3A_154, %dma_start3A_157] : memref<80x125xi32, #tpu.memory_space<vmem>> -> memref<1x125xi32, #tpu.memory_space<vmem>>
      %dma_start3A_159 = tpu.memref_squeeze %dma_start3A_158 : memref<1x125xi32, #tpu.memory_space<vmem>> -> memref<125xi32, #tpu.memory_space<vmem>>
      %dma_start3A_160 = arith.constant 0 : i32
      %dma_start3A_161 = tpu.memref_slice %arg7[%dma_start3A_160] : memref<10240xf32, #tpu.memory_space<vmem_shared>> -> memref<10240xf32, #tpu.memory_space<vmem_shared>>
      tpu.enqueue_indirect_dma source(%dma_start3A_156 : memref<125xf32, #tpu.memory_space<vmem>>) target(%dma_start3A_161 : memref<10240xf32, #tpu.memory_space<vmem_shared>>) offsets(%dma_start3A_159 : memref<125xi32, #tpu.memory_space<vmem>>) semaphore(%arg8 : memref<!tpu.dma_semaphore, #tpu.memory_space<semaphore_mem>>) {add = true}
      %mul3A_162 = arith.constant 8 : i32
      %mul3A_163 = arith.muli %scan3A_106, %mul3A_162 : i32
      %add3A_164 = arith.constant 5 : i32
      %add3A_165 = arith.addi %mul3A_163, %add3A_164 : i32
      %dma_start3A_166 = arith.constant 0 : i32
      %dma_start3A_167 = tpu.memref_slice %arg5[%dma_start3A_166] : memref<128xf32, #tpu.memory_space<vmem>> -> memref<125xf32, #tpu.memory_space<vmem>>
      %dma_start3A_168 = arith.constant 0 : i32
      %dma_start3A_169 = tpu.memref_slice %arg4[%add3A_165, %dma_start3A_168] : memref<80x125xi32, #tpu.memory_space<vmem>> -> memref<1x125xi32, #tpu.memory_space<vmem>>
      %dma_start3A_170 = tpu.memref_squeeze %dma_start3A_169 : memref<1x125xi32, #tpu.memory_space<vmem>> -> memref<125xi32, #tpu.memory_space<vmem>>
      %dma_start3A_171 = arith.constant 0 : i32
      %dma_start3A_172 = tpu.memref_slice %arg7[%dma_start3A_171] : memref<10240xf32, #tpu.memory_space<vmem_shared>> -> memref<10240xf32, #tpu.memory_space<vmem_shared>>
      tpu.enqueue_indirect_dma source(%dma_start3A_167 : memref<125xf32, #tpu.memory_space<vmem>>) target(%dma_start3A_172 : memref<10240xf32, #tpu.memory_space<vmem_shared>>) offsets(%dma_start3A_170 : memref<125xi32, #tpu.memory_space<vmem>>) semaphore(%arg8 : memref<!tpu.dma_semaphore, #tpu.memory_space<semaphore_mem>>) {add = true}
      %mul3A_173 = arith.constant 8 : i32
      %mul3A_174 = arith.muli %scan3A_106, %mul3A_173 : i32
      %add3A_175 = arith.constant 6 : i32
      %add3A_176 = arith.addi %mul3A_174, %add3A_175 : i32
      %dma_start3A_177 = arith.constant 0 : i32
      %dma_start3A_178 = tpu.memref_slice %arg5[%dma_start3A_177] : memref<128xf32, #tpu.memory_space<vmem>> -> memref<125xf32, #tpu.memory_space<vmem>>
      %dma_start3A_179 = arith.constant 0 : i32
      %dma_start3A_180 = tpu.memref_slice %arg4[%add3A_176, %dma_start3A_179] : memref<80x125xi32, #tpu.memory_space<vmem>> -> memref<1x125xi32, #tpu.memory_space<vmem>>
      %dma_start3A_181 = tpu.memref_squeeze %dma_start3A_180 : memref<1x125xi32, #tpu.memory_space<vmem>> -> memref<125xi32, #tpu.memory_space<vmem>>
      %dma_start3A_182 = arith.constant 0 : i32
      %dma_start3A_183 = tpu.memref_slice %arg7[%dma_start3A_182] : memref<10240xf32, #tpu.memory_space<vmem_shared>> -> memref<10240xf32, #tpu.memory_space<vmem_shared>>
      tpu.enqueue_indirect_dma source(%dma_start3A_178 : memref<125xf32, #tpu.memory_space<vmem>>) target(%dma_start3A_183 : memref<10240xf32, #tpu.memory_space<vmem_shared>>) offsets(%dma_start3A_181 : memref<125xi32, #tpu.memory_space<vmem>>) semaphore(%arg8 : memref<!tpu.dma_semaphore, #tpu.memory_space<semaphore_mem>>) {add = true}
      %mul3A_184 = arith.constant 8 : i32
      %mul3A_185 = arith.muli %scan3A_106, %mul3A_184 : i32
      %add3A_186 = arith.constant 7 : i32
      %add3A_187 = arith.addi %mul3A_185, %add3A_186 : i32
      %dma_start3A_188 = arith.constant 0 : i32
      %dma_start3A_189 = tpu.memref_slice %arg5[%dma_start3A_188] : memref<128xf32, #tpu.memory_space<vmem>> -> memref<125xf32, #tpu.memory_space<vmem>>
      %dma_start3A_190 = arith.constant 0 : i32
      %dma_start3A_191 = tpu.memref_slice %arg4[%add3A_187, %dma_start3A_190] : memref<80x125xi32, #tpu.memory_space<vmem>> -> memref<1x125xi32, #tpu.memory_space<vmem>>
      %dma_start3A_192 = tpu.memref_squeeze %dma_start3A_191 : memref<1x125xi32, #tpu.memory_space<vmem>> -> memref<125xi32, #tpu.memory_space<vmem>>
      %dma_start3A_193 = arith.constant 0 : i32
      %dma_start3A_194 = tpu.memref_slice %arg7[%dma_start3A_193] : memref<10240xf32, #tpu.memory_space<vmem_shared>> -> memref<10240xf32, #tpu.memory_space<vmem_shared>>
      tpu.enqueue_indirect_dma source(%dma_start3A_189 : memref<125xf32, #tpu.memory_space<vmem>>) target(%dma_start3A_194 : memref<10240xf32, #tpu.memory_space<vmem_shared>>) offsets(%dma_start3A_192 : memref<125xi32, #tpu.memory_space<vmem>>) semaphore(%arg8 : memref<!tpu.dma_semaphore, #tpu.memory_space<semaphore_mem>>) {add = true}
      %dma_wait3A = arith.constant 0 : i32
      %dma_wait3A_195 = tpu.memref_slice %arg5[%dma_wait3A] : memref<128xf32, #tpu.memory_space<vmem>> -> memref<125xf32, #tpu.memory_space<vmem>>
      %dma_wait3A_196 = arith.constant 0 : i32
      %dma_wait3A_197 = tpu.memref_slice %arg4[%add3A_111, %dma_wait3A_196] : memref<80x125xi32, #tpu.memory_space<vmem>> -> memref<1x125xi32, #tpu.memory_space<vmem>>
      %dma_wait3A_198 = tpu.memref_squeeze %dma_wait3A_197 : memref<1x125xi32, #tpu.memory_space<vmem>> -> memref<125xi32, #tpu.memory_space<vmem>>
      %dma_wait3A_199 = arith.constant 0 : i32
      %dma_wait3A_200 = tpu.memref_slice %arg7[%dma_wait3A_199] : memref<10240xf32, #tpu.memory_space<vmem_shared>> -> memref<10240xf32, #tpu.memory_space<vmem_shared>>
      tpu.wait_indirect_dma semaphore(%arg8 : memref<!tpu.dma_semaphore, #tpu.memory_space<semaphore_mem>>) src(%dma_wait3A_195 : memref<125xf32, #tpu.memory_space<vmem>>) dst(%dma_wait3A_200 : memref<10240xf32, #tpu.memory_space<vmem_shared>>)
      %dma_wait3A_201 = arith.constant 0 : i32
      %dma_wait3A_202 = tpu.memref_slice %arg5[%dma_wait3A_201] : memref<128xf32, #tpu.memory_space<vmem>> -> memref<125xf32, #tpu.memory_space<vmem>>
      %dma_wait3A_203 = arith.constant 0 : i32
      %dma_wait3A_204 = tpu.memref_slice %arg4[%add3A_121, %dma_wait3A_203] : memref<80x125xi32, #tpu.memory_space<vmem>> -> memref<1x125xi32, #tpu.memory_space<vmem>>
      %dma_wait3A_205 = tpu.memref_squeeze %dma_wait3A_204 : memref<1x125xi32, #tpu.memory_space<vmem>> -> memref<125xi32, #tpu.memory_space<vmem>>
      %dma_wait3A_206 = arith.constant 0 : i32
      %dma_wait3A_207 = tpu.memref_slice %arg7[%dma_wait3A_206] : memref<10240xf32, #tpu.memory_space<vmem_shared>> -> memref<10240xf32, #tpu.memory_space<vmem_shared>>
      tpu.wait_indirect_dma semaphore(%arg8 : memref<!tpu.dma_semaphore, #tpu.memory_space<semaphore_mem>>) src(%dma_wait3A_202 : memref<125xf32, #tpu.memory_space<vmem>>) dst(%dma_wait3A_207 : memref<10240xf32, #tpu.memory_space<vmem_shared>>)
      %dma_wait3A_208 = arith.constant 0 : i32
      %dma_wait3A_209 = tpu.memref_slice %arg5[%dma_wait3A_208] : memref<128xf32, #tpu.memory_space<vmem>> -> memref<125xf32, #tpu.memory_space<vmem>>
      %dma_wait3A_210 = arith.constant 0 : i32
      %dma_wait3A_211 = tpu.memref_slice %arg4[%add3A_132, %dma_wait3A_210] : memref<80x125xi32, #tpu.memory_space<vmem>> -> memref<1x125xi32, #tpu.memory_space<vmem>>
      %dma_wait3A_212 = tpu.memref_squeeze %dma_wait3A_211 : memref<1x125xi32, #tpu.memory_space<vmem>> -> memref<125xi32, #tpu.memory_space<vmem>>
      %dma_wait3A_213 = arith.constant 0 : i32
      %dma_wait3A_214 = tpu.memref_slice %arg7[%dma_wait3A_213] : memref<10240xf32, #tpu.memory_space<vmem_shared>> -> memref<10240xf32, #tpu.memory_space<vmem_shared>>
      tpu.wait_indirect_dma semaphore(%arg8 : memref<!tpu.dma_semaphore, #tpu.memory_space<semaphore_mem>>) src(%dma_wait3A_209 : memref<125xf32, #tpu.memory_space<vmem>>) dst(%dma_wait3A_214 : memref<10240xf32, #tpu.memory_space<vmem_shared>>)
      %dma_wait3A_215 = arith.constant 0 : i32
      %dma_wait3A_216 = tpu.memref_slice %arg5[%dma_wait3A_215] : memref<128xf32, #tpu.memory_space<vmem>> -> memref<125xf32, #tpu.memory_space<vmem>>
      %dma_wait3A_217 = arith.constant 0 : i32
      %dma_wait3A_218 = tpu.memref_slice %arg4[%add3A_143, %dma_wait3A_217] : memref<80x125xi32, #tpu.memory_space<vmem>> -> memref<1x125xi32, #tpu.memory_space<vmem>>
      %dma_wait3A_219 = tpu.memref_squeeze %dma_wait3A_218 : memref<1x125xi32, #tpu.memory_space<vmem>> -> memref<125xi32, #tpu.memory_space<vmem>>
      %dma_wait3A_220 = arith.constant 0 : i32
      %dma_wait3A_221 = tpu.memref_slice %arg7[%dma_wait3A_220] : memref<10240xf32, #tpu.memory_space<vmem_shared>> -> memref<10240xf32, #tpu.memory_space<vmem_shared>>
      tpu.wait_indirect_dma semaphore(%arg8 : memref<!tpu.dma_semaphore, #tpu.memory_space<semaphore_mem>>) src(%dma_wait3A_216 : memref<125xf32, #tpu.memory_space<vmem>>) dst(%dma_wait3A_221 : memref<10240xf32, #tpu.memory_space<vmem_shared>>)
      %dma_wait3A_222 = arith.constant 0 : i32
      %dma_wait3A_223 = tpu.memref_slice %arg5[%dma_wait3A_222] : memref<128xf32, #tpu.memory_space<vmem>> -> memref<125xf32, #tpu.memory_space<vmem>>
      %dma_wait3A_224 = arith.constant 0 : i32
      %dma_wait3A_225 = tpu.memref_slice %arg4[%add3A_154, %dma_wait3A_224] : memref<80x125xi32, #tpu.memory_space<vmem>> -> memref<1x125xi32, #tpu.memory_space<vmem>>
      %dma_wait3A_226 = tpu.memref_squeeze %dma_wait3A_225 : memref<1x125xi32, #tpu.memory_space<vmem>> -> memref<125xi32, #tpu.memory_space<vmem>>
      %dma_wait3A_227 = arith.constant 0 : i32
      %dma_wait3A_228 = tpu.memref_slice %arg7[%dma_wait3A_227] : memref<10240xf32, #tpu.memory_space<vmem_shared>> -> memref<10240xf32, #tpu.memory_space<vmem_shared>>
      tpu.wait_indirect_dma semaphore(%arg8 : memref<!tpu.dma_semaphore, #tpu.memory_space<semaphore_mem>>) src(%dma_wait3A_223 : memref<125xf32, #tpu.memory_space<vmem>>) dst(%dma_wait3A_228 : memref<10240xf32, #tpu.memory_space<vmem_shared>>)
      %dma_wait3A_229 = arith.constant 0 : i32
      %dma_wait3A_230 = tpu.memref_slice %arg5[%dma_wait3A_229] : memref<128xf32, #tpu.memory_space<vmem>> -> memref<125xf32, #tpu.memory_space<vmem>>
      %dma_wait3A_231 = arith.constant 0 : i32
      %dma_wait3A_232 = tpu.memref_slice %arg4[%add3A_165, %dma_wait3A_231] : memref<80x125xi32, #tpu.memory_space<vmem>> -> memref<1x125xi32, #tpu.memory_space<vmem>>
      %dma_wait3A_233 = tpu.memref_squeeze %dma_wait3A_232 : memref<1x125xi32, #tpu.memory_space<vmem>> -> memref<125xi32, #tpu.memory_space<vmem>>
      %dma_wait3A_234 = arith.constant 0 : i32
      %dma_wait3A_235 = tpu.memref_slice %arg7[%dma_wait3A_234] : memref<10240xf32, #tpu.memory_space<vmem_shared>> -> memref<10240xf32, #tpu.memory_space<vmem_shared>>
      tpu.wait_indirect_dma semaphore(%arg8 : memref<!tpu.dma_semaphore, #tpu.memory_space<semaphore_mem>>) src(%dma_wait3A_230 : memref<125xf32, #tpu.memory_space<vmem>>) dst(%dma_wait3A_235 : memref<10240xf32, #tpu.memory_space<vmem_shared>>)
      %dma_wait3A_236 = arith.constant 0 : i32
      %dma_wait3A_237 = tpu.memref_slice %arg5[%dma_wait3A_236] : memref<128xf32, #tpu.memory_space<vmem>> -> memref<125xf32, #tpu.memory_space<vmem>>
      %dma_wait3A_238 = arith.constant 0 : i32
      %dma_wait3A_239 = tpu.memref_slice %arg4[%add3A_176, %dma_wait3A_238] : memref<80x125xi32, #tpu.memory_space<vmem>> -> memref<1x125xi32, #tpu.memory_space<vmem>>
      %dma_wait3A_240 = tpu.memref_squeeze %dma_wait3A_239 : memref<1x125xi32, #tpu.memory_space<vmem>> -> memref<125xi32, #tpu.memory_space<vmem>>
      %dma_wait3A_241 = arith.constant 0 : i32
      %dma_wait3A_242 = tpu.memref_slice %arg7[%dma_wait3A_241] : memref<10240xf32, #tpu.memory_space<vmem_shared>> -> memref<10240xf32, #tpu.memory_space<vmem_shared>>
      tpu.wait_indirect_dma semaphore(%arg8 : memref<!tpu.dma_semaphore, #tpu.memory_space<semaphore_mem>>) src(%dma_wait3A_237 : memref<125xf32, #tpu.memory_space<vmem>>) dst(%dma_wait3A_242 : memref<10240xf32, #tpu.memory_space<vmem_shared>>)
      %dma_wait3A_243 = arith.constant 0 : i32
      %dma_wait3A_244 = tpu.memref_slice %arg5[%dma_wait3A_243] : memref<128xf32, #tpu.memory_space<vmem>> -> memref<125xf32, #tpu.memory_space<vmem>>
      %dma_wait3A_245 = arith.constant 0 : i32
      %dma_wait3A_246 = tpu.memref_slice %arg4[%add3A_187, %dma_wait3A_245] : memref<80x125xi32, #tpu.memory_space<vmem>> -> memref<1x125xi32, #tpu.memory_space<vmem>>
      %dma_wait3A_247 = tpu.memref_squeeze %dma_wait3A_246 : memref<1x125xi32, #tpu.memory_space<vmem>> -> memref<125xi32, #tpu.memory_space<vmem>>
      %dma_wait3A_248 = arith.constant 0 : i32
      %dma_wait3A_249 = tpu.memref_slice %arg7[%dma_wait3A_248] : memref<10240xf32, #tpu.memory_space<vmem_shared>> -> memref<10240xf32, #tpu.memory_space<vmem_shared>>
      tpu.wait_indirect_dma semaphore(%arg8 : memref<!tpu.dma_semaphore, #tpu.memory_space<semaphore_mem>>) src(%dma_wait3A_244 : memref<125xf32, #tpu.memory_space<vmem>>) dst(%dma_wait3A_249 : memref<10240xf32, #tpu.memory_space<vmem_shared>>)
      %scan3A_250 = arith.constant 0 : i32
      scf.yield %scan3A_250 : i32
    }
    %scan3A_97 = arith.constant 10 : i32
    %barrier3A_98 = arith.constant 0 : index
    tpu.barrier barrier_id(%barrier3A_98)
    %mul3A_99 = arith.constant 640 : i32
    %mul3A_100 = arith.muli %arg1, %mul3A_99 : i32
    %mul3A_101 = arith.constant 10240 : i32
    %mul3A_102 = arith.muli %arg0, %mul3A_101 : i32
    %mul3A_103 = arith.constant 640 : i32
    %mul3A_104 = arith.muli %arg1, %mul3A_103 : i32
    %add3A_105 = arith.addi %mul3A_102, %mul3A_104 : i32
    "tpu.region"() ({
      %run_scoped3A = tpu.sem_alloc : memref<!tpu.dma_semaphore, #tpu.memory_space<semaphore_mem>>
      %dma_start3A = tpu.memref_slice %arg3[%add3A_105] : memref<20480xf32, #tpu.memory_space<hbm>> -> memref<640xf32, #tpu.memory_space<hbm>>
      %dma_start3A_106 = tpu.memref_slice %arg7[%mul3A_100] : memref<10240xf32, #tpu.memory_space<vmem_shared>> -> memref<640xf32, #tpu.memory_space<vmem_shared>>
      tpu.enqueue_dma source(%dma_start3A_106 : memref<640xf32, #tpu.memory_space<vmem_shared>>) target(%dma_start3A : memref<640xf32, #tpu.memory_space<hbm>>) target_semaphore(%run_scoped3A : memref<!tpu.dma_semaphore, #tpu.memory_space<semaphore_mem>>)
      %dma_wait3A = tpu.memref_slice %arg3[%add3A_105] : memref<20480xf32, #tpu.memory_space<hbm>> -> memref<640xf32, #tpu.memory_space<hbm>>
      %dma_wait3A_107 = tpu.memref_slice %arg7[%mul3A_100] : memref<10240xf32, #tpu.memory_space<vmem_shared>> -> memref<640xf32, #tpu.memory_space<vmem_shared>>
      tpu.wait_dma2 semaphore(%run_scoped3A : memref<!tpu.dma_semaphore, #tpu.memory_space<semaphore_mem>>) src(%dma_wait3A_107 : memref<640xf32, #tpu.memory_space<vmem_shared>>) dst(%dma_wait3A : memref<640xf32, #tpu.memory_space<hbm>>)
      tpu.yield
    }) : () -> ()
    return
  }
}

module attributes {stable_mosaic.version = 14 : i64} {
  func.func @_tc1_body(%arg0: memref<10000x128xf32, #tpu.memory_space<vmem>>, %arg1: memref<128x16xf32, #tpu.memory_space<vmem>>, %arg2: memref<20480xf32, #tpu.memory_space<vmem>>, %arg3: memref<10000x16xf32, #tpu.memory_space<vmem>>, %arg4: memref<10000x16xf32, #tpu.memory_space<vmem>>) attributes {dimension_semantics = [], scalar_prefetch = 0 : i64, scratch_operands = 0 : i64, tpu.core_type = #tpu.core_type<tc>} {
    %get3A = arith.constant 0 : index
    %get3A_0 = vector.load %arg2[%get3A] : memref<20480xf32, #tpu.memory_space<vmem>>, vector<20480xf32>
    %slice3A = vector.extract_strided_slice %get3A_0 {offsets = [0], sizes = [10000], strides = [1]} : vector<20480xf32> to vector<10000xf32>
    %slice3A_1 = vector.extract_strided_slice %get3A_0 {offsets = [10240], sizes = [10000], strides = [1]} : vector<20480xf32> to vector<10000xf32>
    %add3A = arith.addf %slice3A, %slice3A_1 : vector<10000xf32>
    %add3A_2 = arith.constant 1.000000e+00 : f32
    %add3A_3 = vector.broadcast %add3A_2 : f32 to vector<10000xf32>
    %add3A_4 = arith.addf %add3A, %add3A_3 : vector<10000xf32>
    %rsqrt3A = math.rsqrt %add3A_4 : vector<10000xf32>
    %broadcast_in_dim3A = vector.shape_cast %rsqrt3A : vector<10000xf32> to vector<10000x1xf32>
    %get3A_5 = arith.constant 0 : index
    %get3A_6 = arith.constant 0 : index
    %get3A_7 = vector.load %arg0[%get3A_5, %get3A_6] : memref<10000x128xf32, #tpu.memory_space<vmem>>, vector<10000x128xf32>
    %get3A_8 = arith.constant 0 : index
    %get3A_9 = arith.constant 0 : index
    %get3A_10 = vector.load %arg1[%get3A_8, %get3A_9] : memref<128x16xf32, #tpu.memory_space<vmem>>, vector<128x16xf32>
    %dot_general3A = arith.constant dense<0.000000e+00> : vector<10000x16xf32>
    %dot_general3A_11 = tpu.matmul %get3A_7, %get3A_10, %dot_general3A {dimension_numbers = #tpu.dot_dimension_numbers<[1], [0], [0], [1], [0, 0, 1, 1], [], []>, transpose_lhs_hint = false} : vector<10000x128xf32>, vector<128x16xf32>, vector<10000x16xf32> -> vector<10000x16xf32>
    %mul3A = vector.broadcast %broadcast_in_dim3A : vector<10000x1xf32> to vector<10000x16xf32>
    %mul3A_12 = arith.mulf %dot_general3A_11, %mul3A : vector<10000x16xf32>
    %swap3A = arith.constant 0 : index
    %swap3A_13 = arith.constant 0 : index
    %swap3A_14 = vector.load %arg3[%swap3A, %swap3A_13] : memref<10000x16xf32, #tpu.memory_space<vmem>>, vector<10000x16xf32>
    tpu.vector_store %arg3[%swap3A, %swap3A_13], %mul3A_12 {strides = array<i32>} : memref<10000x16xf32, #tpu.memory_space<vmem>>, vector<10000x16xf32>,
    %broadcast_in_dim3A_15 = vector.shape_cast %broadcast_in_dim3A : vector<10000x1xf32> to vector<10000x1xf32>
    %broadcast_in_dim3A_16 = vector.broadcast %broadcast_in_dim3A_15 : vector<10000x1xf32> to vector<10000x16xf32>
    %swap3A_17 = arith.constant 0 : index
    %swap3A_18 = arith.constant 0 : index
    %swap3A_19 = vector.load %arg4[%swap3A_17, %swap3A_18] : memref<10000x16xf32, #tpu.memory_space<vmem>>, vector<10000x16xf32>
    tpu.vector_store %arg4[%swap3A_17, %swap3A_18], %broadcast_in_dim3A_16 {strides = array<i32>} : memref<10000x16xf32, #tpu.memory_space<vmem>>, vector<10000x16xf32>,
    return
  }
}

module attributes {stable_mosaic.version = 14 : i64} {
  func.func @_tc3_body(%arg0: memref<2x10240x16xf32, #tpu.memory_space<vmem>>, %arg1: memref<10240x16xf32, #tpu.memory_space<vmem>>, %arg2: memref<20480xf32, #tpu.memory_space<vmem>>, %arg3: memref<16x40xf32, #tpu.memory_space<vmem>>, %arg4: memref<40xf32, #tpu.memory_space<vmem>>, %arg5: memref<10000x40xf32, #tpu.memory_space<vmem>>) attributes {dimension_semantics = [], scalar_prefetch = 0 : i64, scratch_operands = 0 : i64, tpu.core_type = #tpu.core_type<tc>} {
    %get3A = arith.constant 0 : index
    %get3A_0 = vector.load %arg2[%get3A] : memref<20480xf32, #tpu.memory_space<vmem>>, vector<20480xf32>
    %slice3A = vector.extract_strided_slice %get3A_0 {offsets = [0], sizes = [10000], strides = [1]} : vector<20480xf32> to vector<10000xf32>
    %slice3A_1 = vector.extract_strided_slice %get3A_0 {offsets = [10240], sizes = [10000], strides = [1]} : vector<20480xf32> to vector<10000xf32>
    %add3A = arith.addf %slice3A, %slice3A_1 : vector<10000xf32>
    %add3A_2 = arith.constant 1.000000e+00 : f32
    %add3A_3 = vector.broadcast %add3A_2 : f32 to vector<10000xf32>
    %add3A_4 = arith.addf %add3A, %add3A_3 : vector<10000xf32>
    %rsqrt3A = math.rsqrt %add3A_4 : vector<10000xf32>
    %broadcast_in_dim3A = vector.shape_cast %rsqrt3A : vector<10000xf32> to vector<10000x1xf32>
    %get3A_5 = arith.constant 0 : index
    %get3A_6 = arith.constant 0 : index
    %get3A_7 = arith.constant 0 : index
    %get3A_8 = vector.load %arg0[%get3A_5, %get3A_6, %get3A_7] : memref<2x10240x16xf32, #tpu.memory_space<vmem>>, vector<1x10000x16xf32>
    %get3A_9 = vector.shape_cast %get3A_8 : vector<1x10000x16xf32> to vector<10000x16xf32>
    %get3A_10 = arith.constant 1 : index
    %get3A_11 = arith.constant 0 : index
    %get3A_12 = arith.constant 0 : index
    %get3A_13 = vector.load %arg0[%get3A_10, %get3A_11, %get3A_12] : memref<2x10240x16xf32, #tpu.memory_space<vmem>>, vector<1x10000x16xf32>
    %get3A_14 = vector.shape_cast %get3A_13 : vector<1x10000x16xf32> to vector<10000x16xf32>
    %add3A_15 = arith.addf %get3A_9, %get3A_14 : vector<10000x16xf32>
    %get3A_16 = arith.constant 0 : index
    %get3A_17 = arith.constant 0 : index
    %get3A_18 = vector.load %arg1[%get3A_16, %get3A_17] : memref<10240x16xf32, #tpu.memory_space<vmem>>, vector<10000x16xf32>
    %add3A_19 = arith.addf %add3A_15, %get3A_18 : vector<10000x16xf32>
    %mul3A = vector.broadcast %broadcast_in_dim3A : vector<10000x1xf32> to vector<10000x16xf32>
    %mul3A_20 = arith.mulf %mul3A, %add3A_19 : vector<10000x16xf32>
    %get3A_21 = arith.constant 0 : index
    %get3A_22 = arith.constant 0 : index
    %get3A_23 = vector.load %arg3[%get3A_21, %get3A_22] : memref<16x40xf32, #tpu.memory_space<vmem>>, vector<16x40xf32>
    %dot_general3A = arith.constant dense<0.000000e+00> : vector<10000x40xf32>
    %dot_general3A_24 = tpu.matmul %mul3A_20, %get3A_23, %dot_general3A {dimension_numbers = #tpu.dot_dimension_numbers<[1], [0], [0], [1], [0, 0, 1, 1], [], []>, transpose_lhs_hint = false} : vector<10000x16xf32>, vector<16x40xf32>, vector<10000x40xf32> -> vector<10000x40xf32>
    %get3A_25 = arith.constant 0 : index
    %get3A_26 = vector.load %arg4[%get3A_25] : memref<40xf32, #tpu.memory_space<vmem>>, vector<40xf32>
    %broadcast_in_dim3A_27 = vector.shape_cast %get3A_26 : vector<40xf32> to vector<1x40xf32>
    %add3A_28 = vector.broadcast %broadcast_in_dim3A_27 : vector<1x40xf32> to vector<10000x40xf32>
    %add3A_29 = arith.addf %dot_general3A_24, %add3A_28 : vector<10000x40xf32>
    %swap3A = arith.constant 0 : index
    %swap3A_30 = arith.constant 0 : index
    %swap3A_31 = vector.load %arg5[%swap3A, %swap3A_30] : memref<10000x40xf32, #tpu.memory_space<vmem>>, vector<10000x40xf32>
    tpu.vector_store %arg5[%swap3A, %swap3A_30], %add3A_29 {strides = array<i32>} : memref<10000x40xf32, #tpu.memory_space<vmem>>, vector<10000x40xf32>,
    return
  }
}

</mosaic_0001>

<sc_bundles>
// kernel: kernel.10.cloned.1.call-start
scs
__scs_entry_jumppad:
0x0: {  	(pc) =	sbr.rel $0x88, $3  }
0x1: {  	(tag) =	ssettag $0x0;
	lr =	simm.s32 $0x1  }
0x2: {  	[smem:$0x3F9B] =	sst lr;
	_ =	strace $0xD0000000  }
0x3: {  	_ = 	snop  }
0x4: {  	_ = 	snop  }
0x5: {  	_ = 	snop  }
0x6: {  	_ = 	snop  }
0x7: {  	_ = 	snop  }
__scs_overlays_trampoline_lowered:
0x8: {  	[smem:$0x3FAA] =	sst s0  }
0x9: {  	[smem:$0x3FAB] =	sst s1  }
0xa: {  	[smem:$0x3FAC] =	sst s2  }
0xb: {  	[smem:$0x3FAD] =	sst s3  }
0xc: {  	[smem:$0x3FAE] =	sst s4  }
0xd: {  	[smem:$0x3FAF] =	sst s5  }
0xe: {  	[smem:$0x3FB0] =	sst s6  }
0xf: {  	[smem:$0x3FB1] =	sst s7  }
0x10: {  	[smem:$0x3FB2] =	sst s8  }
0x11: {  	[smem:$0x3FB3] =	sst s9;
	s0 =	simm.s32 @!p0 $0x0  }
0x12: {  	s1 =	sld [smem:$0x3F99];
	s0 =	simm.s32 @p0 $0x1  }
0x13: {  	[smem:$0x3FB4] =	sst s0;
	s0 =	simm.s32 @!p1 $0x0  }
0x14: {  	s2 =	sld [smem:$0x3F98];
	s0 =	simm.s32 @p1 $0x1  }
0x15: {  	[smem:$0x3FB5] =	sst s0;
	s0 =	simm.s32 @!p2 $0x0  }
0x16: {  	s3 =	sld [smem:$0x3FDB];
	s0 =	simm.s32 @p2 $0x1  }
0x17: {  	s4 =	simm.s32 $0x1BF5;
	[smem:$0x3FB7] =	sst s0  }
0x18: {  	s0 =	sld [smem:$0x3F9A];
	_ =	swait.ge [sflag:s4], $0x0  }
0x19: {  	s7 =	sld [smem:$0x3F9B]  }
0x1a: {  	s8 =	sadd.s32 $0xFFFFE003, lr  }
0x1b: {  	s9 =	sadd.s32 $0xFFFFFEF7, lr;
	s5 =	simm.s32 $0xFFFFFFFF;
	p2 =	slt.u32 s8, $0xFFFFF086  }
0x1c: {  	p1 =	slt.u32 s9, $0xF7A;
	s5 =	simm.s32 @!p2 $0x0  }
0x1d: {  	s5 =	simm.s32 @p1 $0x1;
	p0 =	seq.s32 s7, s2  }
0x1e: {  	s7 =	smul.u32 @!p0 $0xF7A, s2;
	p2 =	seq.s32 @!p0 s5, $0x0  }
0x1f: {  	s9 =	smul.u32 $0xF7A, s1;
	s8 =	simm.s32 @!p0 $0x1BF5;
	p2 =	por !p2, p0  }
0x20: {  	[sflag:s8] =	ssyncset.s32 @!p0 $0xFFFFF086;
	s6 =	sadd.s32 @!p0 s3, s7;
	s7 =	simm.s32 @!p0 $0x108  }
0x21: {  	s3 =	sadd.s32 s3, s9;
	s6 =	sadd.s32 @!p0 $0x88, s6;
	s7 =	simm.s32 @p2 $0x1082  }
0x22: {  	[simem:s7], [sflag:s8] =	dma.local @!p0 [hbm:s6], $0xF7A  }
0x23: {  	s9 =	sor.u32 $0xD0000000, s2;
	s6 =	simm.s32 $0x108;
	_ =	swait.ge @!p0 [sflag:s8], $0x0  }
0x24: {  	s3 =	sadd.s32 $0x88, s3;
	s6 =	simm.s32 @!p1 $0x1082;
	[sflag:s4] =	ssyncset.s32 $0xFFFFF086  }
0x25: {  	[simem:s6], [sflag:s4] =	dma.local [hbm:s3], $0xF7A  }
0x26: {  	[smem:$0x3F9B] =	sst s1;
	(tag) =	ssettag s2;
	_ =	strace s9  }
0x27: {  	s1 =	sld [smem:$0x3FAB]  }
0x28: {  	s2 =	sld [smem:$0x3FAC]  }
0x29: {  	s4 =	sld [smem:$0x3FAE]  }
0x2a: {  	p0 =	seq.s32 s5, $0x0;
	s5 =	sld [smem:$0x3FAF]  }
0x2b: {  	s6 =	sld [smem:$0x3FB0]  }
0x2c: {  	s7 =	sld [smem:$0x3FB1]  }
0x2d: {  	s3 =	simm.s32 $0x108;
	s8 =	sld [smem:$0x3FB2]  }
0x2e: {  	s3 =	simm.s32 @!p0 $0x1082;
	s9 =	sld [smem:$0x3FB3]  }
0x2f: {  	lr =	sadd.s32 s0, s3;
	s0 =	sld [smem:$0x3FAA]  }
0x30: {  	s3 =	sld [smem:$0x3FAD]  }
0x31: {  	[smem:$0x3FB6] =	sst s10  }
0x32: {  	s10 =	sld [smem:$0x3FB4];
	_ =	sdelay $0x3  }
0x33: {  	p0 =	seq.s32 s10, $0x1;
	s10 =	sld [smem:$0x3FB6];
	_ =	sdelay $0x3  }
0x34: {  	[smem:$0x3FB6] =	sst s10  }
0x35: {  	s10 =	sld [smem:$0x3FB5];
	_ =	sdelay $0x3  }
0x36: {  	p1 =	seq.s32 s10, $0x1;
	s10 =	sld [smem:$0x3FB6];
	_ =	sdelay $0x3  }
0x37: {  	[smem:$0x3FB6] =	sst s10  }
0x38: {  	s10 =	sld [smem:$0x3FB7]  }
0x39: {  	_ = 	snop;
	(pc) =	sbr.ind lr, $3  }
0x3a: {  	_ = 	snop  }
0x3b: {  	_ = 	snop  }
0x3c: {  	p2 =	seq.s32 s10, $0x1;
	s10 =	sld [smem:$0x3FB6]  }
0x3d: {  	_ =	shalt  }
0x3e: {  	_ =	shalt  }
0x3f: {  	_ =	shalt  }
0x40: {  	_ =	shalt  }
0x41: {  	_ =	shalt  }
0x42: {  	_ =	shalt  }
0x43: {  	_ =	shalt  }
0x44: {  	_ =	shalt  }
0x45: {  	_ =	shalt  }
0x46: {  	_ =	shalt  }
0x47: {  	_ =	shalt  }
0x48: {  	_ =	shalt  }
0x49: {  	_ =	shalt  }
0x4a: {  	_ =	shalt  }
0x4b: {  	_ =	shalt  }
0x4c: {  	_ =	shalt  }
0x4d: {  	_ =	shalt  }
0x4e: {  	_ =	shalt  }
0x4f: {  	_ =	shalt  }
0x50: {  	_ =	shalt  }
0x51: {  	_ =	shalt  }
0x52: {  	_ =	shalt  }
0x53: {  	_ =	shalt  }
0x54: {  	_ =	shalt  }
0x55: {  	_ =	shalt  }
0x56: {  	_ =	shalt  }
0x57: {  	_ =	shalt  }
0x58: {  	_ =	shalt  }
0x59: {  	_ =	shalt  }
0x5a: {  	_ =	shalt  }
0x5b: {  	_ =	shalt  }
0x5c: {  	_ =	shalt  }
0x5d: {  	_ =	shalt  }
0x5e: {  	_ =	shalt  }
0x5f: {  	_ =	shalt  }
0x60: {  	_ =	shalt  }
0x61: {  	_ =	shalt  }
0x62: {  	_ =	shalt  }
0x63: {  	_ =	shalt  }
0x64: {  	_ =	shalt  }
0x65: {  	_ =	shalt  }
0x66: {  	_ =	shalt  }
0x67: {  	_ =	shalt  }
0x68: {  	_ =	shalt  }
0x69: {  	_ =	shalt  }
0x6a: {  	_ =	shalt  }
0x6b: {  	_ =	shalt  }
0x6c: {  	_ =	shalt  }
0x6d: {  	_ =	shalt  }
0x6e: {  	_ =	shalt  }
0x6f: {  	_ =	shalt  }
0x70: {  	_ =	shalt  }
0x71: {  	_ =	shalt  }
0x72: {  	_ =	shalt  }
0x73: {  	_ =	shalt  }
0x74: {  	_ =	shalt  }
0x75: {  	_ =	shalt  }
0x76: {  	_ =	shalt  }
0x77: {  	_ =	shalt  }
0x78: {  	_ =	shalt  }
0x79: {  	_ =	shalt  }
0x7a: {  	_ =	shalt  }
0x7b: {  	_ =	shalt  }
0x7c: {  	_ =	shalt  }
0x7d: {  	_ =	shalt  }
0x7e: {  	_ =	shalt  }
0x7f: {  	_ =	shalt  }
0x80: {  	_ =	shalt  }
0x81: {  	_ =	shalt  }
0x82: {  	_ =	shalt  }
0x83: {  	_ =	shalt  }
0x84: {  	_ =	shalt  }
0x85: {  	_ =	shalt  }
0x86: {  	_ =	shalt  }
0x87: {  	_ =	shalt  }
.Lfunc_end0:
.L_simem_size_0:
called_computation.1_lowered:
.L_overlay_start_0:
0x88: {  	s2 =	sld [smem:$0x3FD9]  }
0x89: {  	s3 =	sld [smem:$0x3FFE];
	_ =	sdelay $0x1  }
0x8a: {  	s1 =	srdreg.scid  }
0x8b: {  	s0 =	sand.u32 $0x1, s1  }
0x8c: {  	s17 =	sshll.u32 s0, $0xA;
	s2 =	sadd.s32 s3, s2  }
0x8d: {  	s2 =	sadd.s32 s2, s17  }
0x8e: {  	[smem:$0x3FC2] =	sst s2  }
0x8f: {  	_ = 	snop  }
0x90: {  	s2 =	sld [smem:$0x3FD0];
	(tm) =	ssettm $0x1  }
0x91: {  	s18 =	sld [smem:$0x3FFB];
	_ =	sdelay $0x3  }
0x92: {  	_ =	strace s18  }
0x93: {  	s3 =	sld [smem:$0x3FFC];
	_ =	sdelay $0x3  }
0x94: {  	_ =	strace s3  }
0x95: {  	s3 =	sld [smem:$0x3FFD];
	_ =	sdelay $0x3  }
0x96: {  	_ =	strace s3  }
0x97: {  	_ =	strace $0x8FFFFFFF  }
0x98: {  	s19 =	sld [smem:$0x3FDB];
	_ =	sdelay $0x1  }
0x99: {  	s4 =	simm.s32 $_scs_section_size  }
0x9a: {  	s5 =	simm.s32 $_size__tile_overlayer_lowered;
	s6 =	simm.s32 $_tile_overlayer_lowered  }
0x9b: {  	s22 =	simm.s32 $0x1BFF;
	s21 =	sshll.u32 s6, $0x1;
	s3 =	sadd.s32 s4, s19  }
0x9c: {  	s7 =	simm.s32 $0x0;
	s20 =	sshll.u32 s5, $0x1;
	s5 =	sadd.s32 s21, s3  }
0x9d: {  	[timem:s7], [sflag:s22] =	dma.local [hbm:s5], s20  }
0x9e: {  	_ =	swait.ge [sflag:s22], s20  }
0x9f: {  	s4 =	ssub.s32 $0x0, s20;
	[sflag:s22] =	ssyncset.done $0x0  }
0xa0: {  	[sflag:s22] =	ssyncadd.s32 s4;
	_ =	sdelay $0x1  }
0xa1: {  	s23 =	simm.s32 $0x1B8B  }
0xa2: {  	_ =	swait.ge [sflag:s23], $0x1  }
0xa3: {  	[sflag:s23] =	ssyncset.done $0x0  }
0xa4: {  	s25 =	simm.s32 $0x1B8E;
	s24 =	sld [smem:$0x3FFE];
	[sflag:s23] =	ssyncadd.s32 $0xFFFFFFFF  }
0xa5: {  	s26 =	simm.s32 $execute0_lowered;
	[smem:$0x3FD2] =	sst s25  }
0xa6: {  	s5 =	sshll.u32 s26, $0x1;
	_ =	strace $0x80000049;
	[dreg:$0x1] =	wrdreg $0xFFFFFFFF  }
0xa7: {  	s28 =	simm.s32 $_size_execute0_lowered;
	s3 =	sadd.s32 s3, s5;
	[dreg:$0x0] =	wrdreg $0x0  }
0xa8: {  	s5 =	sshll.u32 s28, $0x1;
	[dreg:$0x2] =	wrdreg s3  }
0xa9: {  	[dreg:$0x3] =	wrdreg s5  }
0xaa: {  	[dreg:$0x4] =	wrdreg $0xC0  }
0xab: {  	_ =	task [dreg:s7], $0x5FFFF  }
0xac: {  	[dreg:$0x1] =	wrdreg $0xFFFFFFFF  }
0xad: {  	[dreg:$0x0] =	wrdreg $0x60  }
0xae: {  	[dreg:$0x2] =	wrdreg s24  }
0xaf: {  	[dreg:$0x3] =	wrdreg s2  }
0xb0: {  	[dreg:$0x4] =	wrdreg $0xAFA00  }
0xb1: {  	[dreg:$0x5] =	wrdreg $0x87A00  }
0xb2: {  	[dreg:$0x6] =	wrdreg $0x9  }
0xb3: {  	_ =	task.clear_ibuf [dreg:s7], $0x7FFFF;
	_ =	strace $0x90000049  }
0xb4: {  	s29 =	simm.s32 $0x9;
	_ =	strace $0x8000004B  }
0xb5: {  	_ =	swait.ge [sflag:s29], $0x1  }
0xb6: {  	[sflag:s29] =	ssyncadd.s32 $0xFFFFFFFF  }
0xb7: {  	_ =	strace $0x9000004B  }
0xb8: {  	_ =	sfence  }
0xb9: {  	s30 =	sld [smem:$0x0];
	_ =	sdelay $0x2  }
0xba: {  	s31 =	sshll.u32 s1, $0xD;
	s1 =	sshrl.u32 s1, $0x2  }
0xbb: {  	s3 =	sand.u32 $0x4000, s31;
	s1 =	sadd.s32 s1, s30  }
0xbc: {  	s0 =	sor.u32 s3, s0;
	s1 =	sshll.u32 s1, $0x11  }
0xbd: {  	s0 =	sor.u32 s1, s0  }
0xbe: {  	s0 =	sadd.s32 $0x8F2B, s0  }
0xbf: {  	[sflag:s0] =	ssyncadd.remote.s32 $0x1  }
0xc0: {  	_ =	sfence.sel $0xFFFF  }
0xc1: {  	[dreg:$0x0] =	wrdreg $0xFFFFFFFF;
	(pc) =	sbr.abs _section_cstart, $3  }
0xc2: {  	[dreg:$0x1] =	wrdreg $0xFFFFFFFF  }
0xc3: {  	_ =	task.clear_ibuf [dreg:s7], $0x2FFFF;
	_ =	strace $0x9FFFFFFF  }
0xc4: {  	(tm) =	ssettm $0x7FFFFFFF  }
0xc5: {  	_ =	shalt  }
tec
execute0_lowered:
.L_overlay_start_1:
0x0: {  	(tag) =	ssettag $0x1  }
0x1: {  	s9 =	rddreg [dreg:$0x0]  }
0x2: {  	s7 =	rddreg [dreg:$0x1]  }
0x3: {  	s2 =	rddreg [dreg:$0x2]  }
0x4: {  	s3 =	rddreg [dreg:$0x3]  }
0x5: {  	s0 =	rddreg [dreg:$0x4]  }
0x6: {  	s4 =	simm.s32 $0x0;
	s1 =	stileid.u32;
	s5 =	srdreg.scid  }
0x7: {  	s18 =	simm.s32 $0x7D;
	s19 =	simm.s32 $0x5000;
	s20 =	simm.s32 $0x1  }
0x8: {  	s21 =	simm.s32 $0x57D0;
	s22 =	simm.s32 $0x2;
	s23 =	simm.s32 $0x2780  }
0x9: {  	s24 =	simm.s32 $0x4F00;
	s25 =	simm.s32 $0x4F80;
	s26 =	simm.s32 $0x0  }
0xa: {  	s8 =	smul.u32 $0x2800, s1;
	s5 =	sand.u32 $0x1, s5;
	s6 =	sshll.u32 s1, $0x1  }
0xb: {  	[smem:$0x7FF] =	sst s4;
	p0 =	seq.s32 s1, $0xF;
	s6 =	sor.u32 s5, s6  }
0xc: {  	s10 =	smul.u32 $0x28000, s5;
	_ =	strace $0x8000004A;
	s5 =	ssub.s32 $0x2, s5  }
0xd: {  	s16 =	sshll.u32 @!p0 s1, $0x6;
	s11 =	sshrl.u32 s8, $0x3;
	s12 =	smul.u32 $0x500, s6  }
0xe: {  	s13 =	sshrl.u32 s5, $0x1;
	s17 =	sadd.s32 s8, s3;
	s16 =	sor.u32 @!p0 $0x1C03, s16  }
0xf: {  	s11 =	sadd.s32 s11, s9;
	s30 =	sadd.s32 s8, s10;
	s13 =	ssub.s32 s5, s13  }
0x10: {  	s5 =	sadd.s32 s8, s2;
	s15 =	sshrl.u32 @p0 s17, $0x3;
	s17 =	sshrl.u32 @!p0 s17, $0x3  }
0x11: {  	s31 =	sadd.s32 s12, s9;
	s6 =	sshrl.u32 s30, $0x3;
	s7 =	sadd.s32 s7, s12  }
0x12: {  	s8 =	sadd.s32 $0xC600, s11;
	s11 =	smax.u32 s13, $0x1;
	s12 =	simm.s32 $0x5FA0  }
0x13: {  	s13 =	simm.s32 $0x3;
	s14 =	sadd.s32 s6, s9;
	s6 =	sadd.s32 $0x2600, s31  }
0x14: {  	v0 =	vimm.f32 $0.0e+00;
	s9 =	sadd.s32 $0x11100, s9;
	s10 =	sadd.s32 $0x11600, s14;
	s14 =	simm.s32 $0x2800  }
.LBB2_1:
0x15: {  	s28 =	simm.s32 $0x5FE0  }
0x16: {  	[tilespmem:s28+$0xFFFFFFC0] =	vst v0  }
0x17: {  	[tilespmem:s28+$0x30] =	vst v0  }
0x18: {  	[tilespmem:s28+$0x20] =	vst v0  }
0x19: {  	[tilespmem:s28+$0x10] =	vst v0  }
0x1a: {  	[tilespmem:s28+$0x0] =	vst v0  }
0x1b: {  	[tilespmem:s28+$0xFFFFFFF0] =	vst v0  }
0x1c: {  	s29 =	simm.s32 $0x0;
	[tilespmem:s28+$0xFFFFFFE0] =	vst v0  }
.LBB2_2:
0x1d: {  	s29 =	sadd.s32 $0x8, s29;
	[tilespmem:s28+$0xFFFFFFD0] =	vst v0;
	s28 =	sadd.s32 $0x80, s28  }
0x1e: {  	[tilespmem:s28+$0xFFFFFFC0] =	vst v0;
	p1 =	slt.u32 s29, $0x278  }
0x1f: {  	[tilespmem:s28+$0x30] =	vst v0  }
.Ltmp0:
0x20: {  	[tilespmem:s28+$0x20] =	vst v0;
	(pc) =	sbr.rel @p1 .LBB2_2-.Ltmp0, $4  }
0x21: {  	[tilespmem:s28+$0x10] =	vst v0  }
0x22: {  	[tilespmem:s28+$0x0] =	vst v0  }
0x23: {  	[tilespmem:s28+$0xFFFFFFF0] =	vst v0  }
0x24: {  	[tilespmem:s28+$0xFFFFFFE0] =	vst v0  }
0x25: {  	[tilespmem:s28+$0xFFFFFFD0] =	vst v0  }
0x26: {  	[spmem:s5] =	stream.linear.scatter [tilespmem:s12], [sflag:$0x3], $0x2800, $0x38;
	[tilespmem:$0xD7A0] =	vst v63  }
0x27: {  	_ =	swait.ge [sflag:s13], $0x2800  }
0x28: {  	[sflag:s13] =	ssyncset.done $0x0  }
0x29: {  	[sflag:s13] =	ssyncadd.s32 $0xFFFFD800  }
0x2a: {  	[tilespmem:s4], [sflag:$0x3] =	stream.linear.gather [hbm4b:s6+s4], $0x2800, $0x38;
	[tilespmem:$0xD7A0] =	vst v63  }
0x2b: {  	_ =	swait.ge [sflag:s13], $0x2800  }
0x2c: {  	[sflag:s13] =	ssyncset.done $0x0  }
0x2d: {  	[sflag:s13] =	ssyncadd.s32 $0xFFFFD800  }
0x2e: {  	[tilespmem:s14], [sflag:$0x3] =	stream.linear.gather [hbm4b:s7+s4], $0x2800, $0x38;
	[tilespmem:$0xD7A0] =	vst v63  }
0x2f: {  	_ =	swait.ge [sflag:s13], $0x2800  }
0x30: {  	[sflag:s13] =	ssyncset.done $0x0  }
0x31: {  	s28 =	simm.s32 @p0 $0x1FC3;
	[sflag:s13] =	ssyncadd.s32 $0xFFFFD800  }
0x32: {  	[spmem:s15], [sflag:s28] =	dma.local @p0 [hbm:s9], $0x320  }
0x33: {  	s28 =	simm.s32 @p0 $0x3  }
0x34: {  	_ =	swait.ge @p0 [sflag:s28], $0x320  }
0x35: {  	[sflag:s28] =	ssyncset.done @p0 $0x0  }
0x36: {  	[sflag:s28] =	ssyncadd.s32 @p0 $0xFFFFFCE0;
	s28 =	simm.s32 @!p0 $0x3  }
0x37: {  	[spmem:s17], [sflag:s16] =	dma.local @!p0 [hbm:s8], $0x500  }
0x38: {  	_ =	swait.ge @!p0 [sflag:s28], $0x500  }
0x39: {  	[sflag:s28] =	ssyncset.done @!p0 $0x0  }
0x3a: {  	[sflag:s28] =	ssyncadd.s32 @!p0 $0xFFFFFB00  }
0x3b: {  	s28 =	simm.s32 $0x0;
	[bflag:$0x0] =	sbarrier.arrive $0xFFFF  }
0x3c: {  	[tilespmem:s19], [sflag:$0x1] =	stream.indirect.gather [spmem:s3], $0x10, s28, s18, $0xb8;
	[tilespmem:$0xD7A0] =	vst v63  }
0x3d: {  	_ =	swait.ge [sflag:s20], $0x7D0  }
0x3e: {  	[sflag:s20] =	ssyncset.done $0x0  }
0x3f: {  	s28 =	simm.s32 $0x80;
	[sflag:s20] =	ssyncadd.s32 $0xFFFFF830  }
0x40: {  	[tilespmem:s21], [sflag:$0x1] =	stream.indirect.gather [spmem:s3], $0x10, s28, s18, $0xb8;
	[tilespmem:$0xD7A0] =	vst v63  }
0x41: {  	s28 =	simm.s32 $0x2800  }
0x42: {  	[spmem:s2] =	stream.indirect.scatter.add.f32 [tilespmem:s19], [sflag:$0x2], $0x10, s28, s18, $0xb8;
	[tilespmem:$0xD7A0] =	vst v63  }
0x43: {  	_ =	swait.ge [sflag:s22], $0x7D0  }
0x44: {  	[sflag:s22] =	ssyncset.done $0x0  }
0x45: {  	[sflag:s22] =	ssyncadd.s32 $0xFFFFF830  }
0x46: {  	_ =	swait.ge [sflag:s20], $0x7D0  }
0x47: {  	[sflag:s20] =	ssyncset.done $0x0  }
0x48: {  	s28 =	simm.s32 $0x100;
	[sflag:s20] =	ssyncadd.s32 $0xFFFFF830  }
0x49: {  	[tilespmem:s19], [sflag:$0x1] =	stream.indirect.gather [spmem:s3], $0x10, s28, s18, $0xb8;
	[tilespmem:$0xD7A0] =	vst v63  }
0x4a: {  	s28 =	simm.s32 $0x2880  }
0x4b: {  	[spmem:s2] =	stream.indirect.scatter.add.f32 [tilespmem:s21], [sflag:$0x2], $0x10, s28, s18, $0xb8;
	[tilespmem:$0xD7A0] =	vst v63  }
0x4c: {  	_ =	swait.ge [sflag:s22], $0x7D0  }
0x4d: {  	s28 =	simm.s32 $0x400;
	[sflag:s22] =	ssyncset.done $0x0  }
.LBB2_4:
0x4e: {  	p1 =	sne.s32 s28, $0x9800  }
0x4f: {  	[sflag:s22] =	ssyncadd.s32 $0xFFFFF830;
	s29 =	smov.u32 s28;
	s28 =	sadd.s32 $0x400, s28  }
0x50: {  	_ = 	snop  }
0x51: {  	_ =	swait.ge [sflag:s20], $0x7D0  }
0x52: {  	s29 =	sshra.s32 s29, $0x2;
	[sflag:s20] =	ssyncset.done $0x0  }
0x53: {  	s30 =	sadd.s32 $0x80, s29;
	[sflag:s20] =	ssyncadd.s32 $0xFFFFF830  }
0x54: {  	[tilespmem:s21], [sflag:$0x1] =	stream.indirect.gather [spmem:s3], $0x10, s30, s18, $0xb8;
	[tilespmem:$0xD7A0] =	vst v63  }
0x55: {  	s30 =	sadd.s32 $0x2800, s29  }
0x56: {  	[spmem:s2] =	stream.indirect.scatter.add.f32 [tilespmem:s19], [sflag:$0x2], $0x10, s30, s18, $0xb8;
	[tilespmem:$0xD7A0] =	vst v63  }
0x57: {  	_ =	swait.ge [sflag:s22], $0x7D0  }
0x58: {  	[sflag:s22] =	ssyncset.done $0x0  }
0x59: {  	[sflag:s22] =	ssyncadd.s32 $0xFFFFF830  }
0x5a: {  	_ =	swait.ge [sflag:s20], $0x7D0  }
0x5b: {  	[sflag:s20] =	ssyncset.done $0x0  }
0x5c: {  	s30 =	sadd.s32 $0x100, s29;
	[sflag:s20] =	ssyncadd.s32 $0xFFFFF830  }
0x5d: {  	[tilespmem:s19], [sflag:$0x1] =	stream.indirect.gather [spmem:s3], $0x10, s30, s18, $0xb8;
	[tilespmem:$0xD7A0] =	vst v63  }
.Ltmp1:
0x5e: {  	_ = 	snop;
	(pc) =	sbr.rel @p1 .LBB2_4-.Ltmp1, $4  }
0x5f: {  	s29 =	sadd.s32 $0x2880, s29  }
0x60: {  	[spmem:s2] =	stream.indirect.scatter.add.f32 [tilespmem:s21], [sflag:$0x2], $0x10, s29, s18, $0xb8;
	[tilespmem:$0xD7A0] =	vst v63  }
0x61: {  	_ =	swait.ge [sflag:s22], $0x7D0  }
0x62: {  	[sflag:s22] =	ssyncset.done $0x0  }
0x63: {  	[sflag:s22] =	ssyncadd.s32 $0xFFFFF830  }
0x64: {  	_ =	swait.ge [sflag:s20], $0x7D0  }
0x65: {  	[sflag:s20] =	ssyncset.done $0x0  }
0x66: {  	[sflag:s20] =	ssyncadd.s32 $0xFFFFF830  }
0x67: {  	[tilespmem:s21], [sflag:$0x1] =	stream.indirect.gather [spmem:s3], $0x10, s23, s18, $0xb8;
	[tilespmem:$0xD7A0] =	vst v63  }
0x68: {  	_ = 	snop  }
0x69: {  	[spmem:s2] =	stream.indirect.scatter.add.f32 [tilespmem:s19], [sflag:$0x2], $0x10, s24, s18, $0xb8;
	[tilespmem:$0xD7A0] =	vst v63  }
0x6a: {  	_ =	swait.ge [sflag:s22], $0x7D0  }
0x6b: {  	[sflag:s22] =	ssyncset.done $0x0  }
0x6c: {  	[sflag:s22] =	ssyncadd.s32 $0xFFFFF830  }
0x6d: {  	_ =	swait.ge [sflag:s20], $0x7D0  }
0x6e: {  	[sflag:s20] =	ssyncset.done $0x0  }
0x6f: {  	[sflag:s20] =	ssyncadd.s32 $0xFFFFF830  }
0x70: {  	[spmem:s2] =	stream.indirect.scatter.add.f32 [tilespmem:s21], [sflag:$0x2], $0x10, s25, s18, $0xb8;
	[tilespmem:$0xD7A0] =	vst v63  }
0x71: {  	_ =	swait.ge [sflag:s22], $0x7D0  }
0x72: {  	s28 =	sshll.u32 s1, $0x6;
	s26 =	sadd.s32 $0x1, s26;
	[sflag:s22] =	ssyncset.done $0x0  }
0x73: {  	s29 =	sshrl.u32 s5, $0x3;
	p1 =	sne.s32 s26, s11;
	[sflag:s22] =	ssyncadd.s32 $0xFFFFF830  }
.Ltmp2:
0x74: {  	s28 =	sor.u32 $0x1C03, s28;
	[bflag:$0x0] =	sbarrier.arrive $0xFFFF;
	(pc) =	sbr.rel @p1 .LBB2_1-.Ltmp2, $4  }
0x75: {  	[hbm:s10], [sflag:s28] =	dma.local [spmem:s29], $0x500  }
0x76: {  	_ =	swait.ge [sflag:s13], $0x500  }
0x77: {  	[sflag:s13] =	ssyncset.done $0x0  }
0x78: {  	[sflag:s13] =	ssyncadd.s32 $0xFFFFFB00  }
0x79: {  	_ =	sfence.sel $0x180000  }
0x7a: {  	[bflag:$0x0] =	sbarrier.arrive $0xFFFF  }
0x7b: {  	p0 =	sne.s32 s1, $0x0;
	_ =	strace $0x9000004A  }
0x7c: {  	s0 =	sadd.s32 @!p0 $0x100000, s0;
	[bflag:$0x2] =	sbarrier.arrive $0xFFFF  }
0x7d: {  	[sflag:s0] =	ssyncadd.tile.s32 @!p0 $0x1;
	_ =	shalt  }
.Lfunc_end2:
_tile_overlayer_lowered:
.L_overlay_start_2:
0x7e: {  	(tag) =	ssettag $0x2  }
0x7f: {  	s0 =	rddreg [dreg:$0x0];
	s2 =	stileid.u32  }
0x80: {  	s1 =	rddreg [dreg:$0x1];
	p0 =	sne.s32 s2, $0x0  }
0x81: {  	s3 =	rddreg [dreg:$0x2];
	[bflag:$0x3] =	sbarrier.arrive $0xFFFF;
	s2 =	simm.s32 @!p0 $0x1C03  }
0x82: {  	[timem:s3], [sflag:s2] =	dma.local @!p0 [hbm:s0], s1  }
0x83: {  	s0 =	simm.s32 @!p0 $0x3  }
0x84: {  	_ =	swait.ge @!p0 [sflag:s0], s1  }
0x85: {  	s1 =	ssub.s32 @!p0 $0x0, s1;
	[sflag:s0] =	ssyncset.done @!p0 $0x0  }
0x86: {  	[sflag:s0] =	ssyncadd.s32 @!p0 s1  }
0x87: {  	[bflag:$0x3] =	sbarrier.arrive $0xFFFF  }
0x88: {  	_ =	shalt  }

// kernel: kernel.13.cloned.1.call-start
scs
__scs_entry_jumppad:
0x0: {  	(pc) =	sbr.rel $0x88, $3  }
0x1: {  	(tag) =	ssettag $0x0;
	lr =	simm.s32 $0x1  }
0x2: {  	[smem:$0x3F9B] =	sst lr;
	_ =	strace $0xD0000000  }
0x3: {  	_ = 	snop  }
0x4: {  	_ = 	snop  }
0x5: {  	_ = 	snop  }
0x6: {  	_ = 	snop  }
0x7: {  	_ = 	snop  }
__scs_overlays_trampoline_lowered:
0x8: {  	[smem:$0x3FAA] =	sst s0  }
0x9: {  	[smem:$0x3FAB] =	sst s1  }
0xa: {  	[smem:$0x3FAC] =	sst s2  }
0xb: {  	[smem:$0x3FAD] =	sst s3  }
0xc: {  	[smem:$0x3FAE] =	sst s4  }
0xd: {  	[smem:$0x3FAF] =	sst s5  }
0xe: {  	[smem:$0x3FB0] =	sst s6  }
0xf: {  	[smem:$0x3FB1] =	sst s7  }
0x10: {  	[smem:$0x3FB2] =	sst s8  }
0x11: {  	[smem:$0x3FB3] =	sst s9;
	s0 =	simm.s32 @!p0 $0x0  }
0x12: {  	s1 =	sld [smem:$0x3F99];
	s0 =	simm.s32 @p0 $0x1  }
0x13: {  	[smem:$0x3FB4] =	sst s0;
	s0 =	simm.s32 @!p1 $0x0  }
0x14: {  	s2 =	sld [smem:$0x3F98];
	s0 =	simm.s32 @p1 $0x1  }
0x15: {  	[smem:$0x3FB5] =	sst s0;
	s0 =	simm.s32 @!p2 $0x0  }
0x16: {  	s3 =	sld [smem:$0x3FDB];
	s0 =	simm.s32 @p2 $0x1  }
0x17: {  	s4 =	simm.s32 $0x1BF5;
	[smem:$0x3FB7] =	sst s0  }
0x18: {  	s0 =	sld [smem:$0x3F9A];
	_ =	swait.ge [sflag:s4], $0x0  }
0x19: {  	s7 =	sld [smem:$0x3F9B]  }
0x1a: {  	s8 =	sadd.s32 $0xFFFFE003, lr  }
0x1b: {  	s9 =	sadd.s32 $0xFFFFFEF7, lr;
	s5 =	simm.s32 $0xFFFFFFFF;
	p2 =	slt.u32 s8, $0xFFFFF086  }
0x1c: {  	p1 =	slt.u32 s9, $0xF7A;
	s5 =	simm.s32 @!p2 $0x0  }
0x1d: {  	s5 =	simm.s32 @p1 $0x1;
	p0 =	seq.s32 s7, s2  }
0x1e: {  	s7 =	smul.u32 @!p0 $0xF7A, s2;
	p2 =	seq.s32 @!p0 s5, $0x0  }
0x1f: {  	s9 =	smul.u32 $0xF7A, s1;
	s8 =	simm.s32 @!p0 $0x1BF5;
	p2 =	por !p2, p0  }
0x20: {  	[sflag:s8] =	ssyncset.s32 @!p0 $0xFFFFF086;
	s6 =	sadd.s32 @!p0 s3, s7;
	s7 =	simm.s32 @!p0 $0x108  }
0x21: {  	s3 =	sadd.s32 s3, s9;
	s6 =	sadd.s32 @!p0 $0x88, s6;
	s7 =	simm.s32 @p2 $0x1082  }
0x22: {  	[simem:s7], [sflag:s8] =	dma.local @!p0 [hbm:s6], $0xF7A  }
0x23: {  	s9 =	sor.u32 $0xD0000000, s2;
	s6 =	simm.s32 $0x108;
	_ =	swait.ge @!p0 [sflag:s8], $0x0  }
0x24: {  	s3 =	sadd.s32 $0x88, s3;
	s6 =	simm.s32 @!p1 $0x1082;
	[sflag:s4] =	ssyncset.s32 $0xFFFFF086  }
0x25: {  	[simem:s6], [sflag:s4] =	dma.local [hbm:s3], $0xF7A  }
0x26: {  	[smem:$0x3F9B] =	sst s1;
	(tag) =	ssettag s2;
	_ =	strace s9  }
0x27: {  	s1 =	sld [smem:$0x3FAB]  }
0x28: {  	s2 =	sld [smem:$0x3FAC]  }
0x29: {  	s4 =	sld [smem:$0x3FAE]  }
0x2a: {  	p0 =	seq.s32 s5, $0x0;
	s5 =	sld [smem:$0x3FAF]  }
0x2b: {  	s6 =	sld [smem:$0x3FB0]  }
0x2c: {  	s7 =	sld [smem:$0x3FB1]  }
0x2d: {  	s3 =	simm.s32 $0x108;
	s8 =	sld [smem:$0x3FB2]  }
0x2e: {  	s3 =	simm.s32 @!p0 $0x1082;
	s9 =	sld [smem:$0x3FB3]  }
0x2f: {  	lr =	sadd.s32 s0, s3;
	s0 =	sld [smem:$0x3FAA]  }
0x30: {  	s3 =	sld [smem:$0x3FAD]  }
0x31: {  	[smem:$0x3FB6] =	sst s10  }
0x32: {  	s10 =	sld [smem:$0x3FB4];
	_ =	sdelay $0x3  }
0x33: {  	p0 =	seq.s32 s10, $0x1;
	s10 =	sld [smem:$0x3FB6];
	_ =	sdelay $0x3  }
0x34: {  	[smem:$0x3FB6] =	sst s10  }
0x35: {  	s10 =	sld [smem:$0x3FB5];
	_ =	sdelay $0x3  }
0x36: {  	p1 =	seq.s32 s10, $0x1;
	s10 =	sld [smem:$0x3FB6];
	_ =	sdelay $0x3  }
0x37: {  	[smem:$0x3FB6] =	sst s10  }
0x38: {  	s10 =	sld [smem:$0x3FB7]  }
0x39: {  	_ = 	snop;
	(pc) =	sbr.ind lr, $3  }
0x3a: {  	_ = 	snop  }
0x3b: {  	_ = 	snop  }
0x3c: {  	p2 =	seq.s32 s10, $0x1;
	s10 =	sld [smem:$0x3FB6]  }
0x3d: {  	_ =	shalt  }
0x3e: {  	_ =	shalt  }
0x3f: {  	_ =	shalt  }
0x40: {  	_ =	shalt  }
0x41: {  	_ =	shalt  }
0x42: {  	_ =	shalt  }
0x43: {  	_ =	shalt  }
0x44: {  	_ =	shalt  }
0x45: {  	_ =	shalt  }
0x46: {  	_ =	shalt  }
0x47: {  	_ =	shalt  }
0x48: {  	_ =	shalt  }
0x49: {  	_ =	shalt  }
0x4a: {  	_ =	shalt  }
0x4b: {  	_ =	shalt  }
0x4c: {  	_ =	shalt  }
0x4d: {  	_ =	shalt  }
0x4e: {  	_ =	shalt  }
0x4f: {  	_ =	shalt  }
0x50: {  	_ =	shalt  }
0x51: {  	_ =	shalt  }
0x52: {  	_ =	shalt  }
0x53: {  	_ =	shalt  }
0x54: {  	_ =	shalt  }
0x55: {  	_ =	shalt  }
0x56: {  	_ =	shalt  }
0x57: {  	_ =	shalt  }
0x58: {  	_ =	shalt  }
0x59: {  	_ =	shalt  }
0x5a: {  	_ =	shalt  }
0x5b: {  	_ =	shalt  }
0x5c: {  	_ =	shalt  }
0x5d: {  	_ =	shalt  }
0x5e: {  	_ =	shalt  }
0x5f: {  	_ =	shalt  }
0x60: {  	_ =	shalt  }
0x61: {  	_ =	shalt  }
0x62: {  	_ =	shalt  }
0x63: {  	_ =	shalt  }
0x64: {  	_ =	shalt  }
0x65: {  	_ =	shalt  }
0x66: {  	_ =	shalt  }
0x67: {  	_ =	shalt  }
0x68: {  	_ =	shalt  }
0x69: {  	_ =	shalt  }
0x6a: {  	_ =	shalt  }
0x6b: {  	_ =	shalt  }
0x6c: {  	_ =	shalt  }
0x6d: {  	_ =	shalt  }
0x6e: {  	_ =	shalt  }
0x6f: {  	_ =	shalt  }
0x70: {  	_ =	shalt  }
0x71: {  	_ =	shalt  }
0x72: {  	_ =	shalt  }
0x73: {  	_ =	shalt  }
0x74: {  	_ =	shalt  }
0x75: {  	_ =	shalt  }
0x76: {  	_ =	shalt  }
0x77: {  	_ =	shalt  }
0x78: {  	_ =	shalt  }
0x79: {  	_ =	shalt  }
0x7a: {  	_ =	shalt  }
0x7b: {  	_ =	shalt  }
0x7c: {  	_ =	shalt  }
0x7d: {  	_ =	shalt  }
0x7e: {  	_ =	shalt  }
0x7f: {  	_ =	shalt  }
0x80: {  	_ =	shalt  }
0x81: {  	_ =	shalt  }
0x82: {  	_ =	shalt  }
0x83: {  	_ =	shalt  }
0x84: {  	_ =	shalt  }
0x85: {  	_ =	shalt  }
0x86: {  	_ =	shalt  }
0x87: {  	_ =	shalt  }
.Lfunc_end0:
.L_simem_size_0:
called_computation.2_lowered:
.L_overlay_start_0:
0x88: {  	s2 =	sld [smem:$0x3FD9]  }
0x89: {  	s3 =	sld [smem:$0x3FFE];
	_ =	sdelay $0x1  }
0x8a: {  	s1 =	srdreg.scid  }
0x8b: {  	s0 =	sand.u32 $0x1, s1  }
0x8c: {  	s17 =	sshll.u32 s0, $0xA;
	s2 =	sadd.s32 s3, s2  }
0x8d: {  	s2 =	sadd.s32 s2, s17  }
0x8e: {  	[smem:$0x3FC2] =	sst s2  }
0x8f: {  	_ = 	snop  }
0x90: {  	s2 =	sld [smem:$0x3FC6]  }
0x91: {  	s18 =	sld [smem:$0x3FD0];
	(tm) =	ssettm $0x1  }
0x92: {  	s4 =	sld [smem:$0x3FFB];
	_ =	sdelay $0x3  }
0x93: {  	_ =	strace s4  }
0x94: {  	s4 =	sld [smem:$0x3FFC];
	_ =	sdelay $0x3  }
0x95: {  	_ =	strace s4  }
0x96: {  	s4 =	sld [smem:$0x3FFD];
	_ =	sdelay $0x3  }
0x97: {  	_ =	strace s4  }
0x98: {  	_ =	strace $0x8FFFFFFF  }
0x99: {  	s19 =	sld [smem:$0x3FDB];
	_ =	sdelay $0x1  }
0x9a: {  	s5 =	simm.s32 $_scs_section_size  }
0x9b: {  	s6 =	simm.s32 $_size__tile_overlayer_lowered;
	s7 =	simm.s32 $_tile_overlayer_lowered  }
0x9c: {  	s22 =	simm.s32 $0x1BFF;
	s21 =	sshll.u32 s7, $0x1;
	s4 =	sadd.s32 s5, s19  }
0x9d: {  	s8 =	simm.s32 $0x0;
	s20 =	sshll.u32 s6, $0x1;
	s6 =	sadd.s32 s21, s4  }
0x9e: {  	[timem:s8], [sflag:s22] =	dma.local [hbm:s6], s20  }
0x9f: {  	_ =	swait.ge [sflag:s22], s20  }
0xa0: {  	s5 =	ssub.s32 $0x0, s20;
	[sflag:s22] =	ssyncset.done $0x0  }
0xa1: {  	[sflag:s22] =	ssyncadd.s32 s5;
	_ =	sdelay $0x1  }
0xa2: {  	s23 =	simm.s32 $0x1B8B  }
0xa3: {  	_ =	swait.ge [sflag:s23], $0x1  }
0xa4: {  	[sflag:s23] =	ssyncset.done $0x0  }
0xa5: {  	s25 =	simm.s32 $0x1B8E;
	s24 =	sld [smem:$0x3FFE];
	[sflag:s23] =	ssyncadd.s32 $0xFFFFFFFF  }
0xa6: {  	s26 =	simm.s32 $execute0_lowered;
	[smem:$0x3FD2] =	sst s25  }
0xa7: {  	s6 =	sshll.u32 s26, $0x1;
	_ =	strace $0x8000004C;
	[dreg:$0x1] =	wrdreg $0xFFFFFFFF  }
0xa8: {  	s28 =	simm.s32 $_size_execute0_lowered;
	s4 =	sadd.s32 s4, s6;
	[dreg:$0x0] =	wrdreg $0x0  }
0xa9: {  	s6 =	sshll.u32 s28, $0x1;
	[dreg:$0x2] =	wrdreg s4  }
0xaa: {  	[dreg:$0x3] =	wrdreg s6  }
0xab: {  	[dreg:$0x4] =	wrdreg $0xC0  }
0xac: {  	_ =	task [dreg:s8], $0x5FFFF  }
0xad: {  	[dreg:$0x1] =	wrdreg $0xFFFFFFFF  }
0xae: {  	[dreg:$0x0] =	wrdreg $0x60  }
0xaf: {  	[dreg:$0x2] =	wrdreg s24  }
0xb0: {  	[dreg:$0x3] =	wrdreg s2  }
0xb1: {  	[dreg:$0x4] =	wrdreg s18  }
0xb2: {  	[dreg:$0x5] =	wrdreg $0x14FB00  }
0xb3: {  	[dreg:$0x6] =	wrdreg $0x127B00  }
0xb4: {  	[dreg:$0x7] =	wrdreg $0x9  }
0xb5: {  	_ =	task.clear_ibuf [dreg:s8], $0x8FFFF;
	_ =	strace $0x9000004C  }
0xb6: {  	s29 =	simm.s32 $0x9;
	_ =	strace $0x8000004E  }
0xb7: {  	_ =	swait.ge [sflag:s29], $0x1  }
0xb8: {  	[sflag:s29] =	ssyncadd.s32 $0xFFFFFFFF  }
0xb9: {  	_ =	strace $0x9000004E  }
0xba: {  	_ =	sfence  }
0xbb: {  	s30 =	sld [smem:$0x0];
	_ =	sdelay $0x2  }
0xbc: {  	s31 =	sshll.u32 s1, $0xD;
	s1 =	sshrl.u32 s1, $0x2  }
0xbd: {  	s3 =	sand.u32 $0x4000, s31;
	s1 =	sadd.s32 s1, s30  }
0xbe: {  	s0 =	sor.u32 s3, s0;
	s1 =	sshll.u32 s1, $0x11  }
0xbf: {  	s0 =	sor.u32 s1, s0  }
0xc0: {  	s0 =	sadd.s32 $0x8F2B, s0  }
0xc1: {  	[sflag:s0] =	ssyncadd.remote.s32 $0x1  }
0xc2: {  	_ =	sfence.sel $0xFFFF  }
0xc3: {  	[dreg:$0x0] =	wrdreg $0xFFFFFFFF;
	(pc) =	sbr.abs _section_cstart, $3  }
0xc4: {  	[dreg:$0x1] =	wrdreg $0xFFFFFFFF  }
0xc5: {  	_ =	task.clear_ibuf [dreg:s8], $0x2FFFF;
	_ =	strace $0x9FFFFFFF  }
0xc6: {  	(tm) =	ssettm $0x7FFFFFFF  }
0xc7: {  	_ =	shalt  }
tec
execute0_lowered:
.L_overlay_start_1:
0x0: {  	(tag) =	ssettag $0x1  }
0x1: {  	s0 =	rddreg [dreg:$0x0]  }
0x2: {  	s8 =	rddreg [dreg:$0x2]  }
0x3: {  	s1 =	srdreg.scid;
	s3 =	rddreg [dreg:$0x3]  }
0x4: {  	s19 =	stileid.u32;
	s4 =	rddreg [dreg:$0x4];
	s5 =	simm.s32 $0x0  }
0x5: {  	s20 =	simm.s32 $0x3;
	s25 =	simm.s32 $0x7D;
	s26 =	simm.s32 $0x5000  }
0x6: {  	s28 =	simm.s32 $0x1;
	s29 =	simm.s32 $0x57D0;
	s30 =	simm.s32 $0x2  }
0x7: {  	s21 =	simm.s32 $0x0;
	s1 =	sand.u32 $0x1, s1;
	s2 =	sshll.u32 s19, $0x1  }
0x8: {  	s15 =	smul.u32 $0x2800, s19;
	[smem:$0x7FF] =	sst s5;
	s13 =	sadd.s32 $0x11100, s0  }
0x9: {  	s14 =	sadd.s32 $0x20100, s0;
	p0 =	seq.s32 s19, $0xF;
	s19 =	simm.s32 $0xFFA0  }
0xa: {  	s2 =	sor.u32 s1, s2;
	s6 =	smul.u32 $0x28000, s1;
	_ =	strace $0x8000004D  }
0xb: {  	s1 =	ssub.s32 $0x2, s1;
	s2 =	smul.u32 $0x500, s2;
	s9 =	sshrl.u32 s15, $0x3  }
0xc: {  	s31 =	sshrl.u32 s1, $0x1;
	s6 =	sadd.s32 s15, s6;
	s16 =	sadd.s32 s9, s0  }
0xd: {  	s1 =	ssub.s32 s1, s31;
	s7 =	sadd.s32 s2, s0;
	s6 =	sshrl.u32 s6, $0x3  }
0xe: {  	s8 =	sadd.s32 s8, s2;
	s9 =	sadd.s32 $0x11600, s16;
	s10 =	sadd.s32 $0x16600, s16  }
0xf: {  	s11 =	sadd.s32 $0xC600, s16;
	s12 =	sadd.s32 $0x1B600, s16;
	s16 =	sadd.s32 $0x20600, s16  }
0x10: {  	s18 =	smax.u32 s1, $0x1;
	s17 =	sadd.s32 s6, s0;
	s6 =	sadd.s32 s15, s3  }
0x11: {  	v0 =	vimm.f32 $0.0e+00;
	s7 =	sadd.s32 $0x2600, s7;
	s15 =	sadd.s32 s15, s4;
	s17 =	sadd.s32 $0x25600, s17  }
.LBB2_1:
0x12: {  	s0 =	simm.s32 $0xFFE0  }
0x13: {  	[tilespmem:s0+$0xFFFFFFC0] =	vst v0  }
0x14: {  	[tilespmem:s0+$0x30] =	vst v0  }
0x15: {  	[tilespmem:s0+$0x20] =	vst v0  }
0x16: {  	[tilespmem:s0+$0x10] =	vst v0  }
0x17: {  	[tilespmem:s0+$0x0] =	vst v0  }
0x18: {  	[tilespmem:s0+$0xFFFFFFF0] =	vst v0  }
0x19: {  	s1 =	simm.s32 $0x0;
	[tilespmem:s0+$0xFFFFFFE0] =	vst v0  }
.LBB2_2:
0x1a: {  	s1 =	sadd.s32 $0x8, s1;
	[tilespmem:s0+$0xFFFFFFD0] =	vst v0;
	s0 =	sadd.s32 $0x80, s0  }
0x1b: {  	[tilespmem:s0+$0xFFFFFFC0] =	vst v0;
	p1 =	slt.u32 s1, $0x278  }
0x1c: {  	[tilespmem:s0+$0x30] =	vst v0  }
.Ltmp0:
0x1d: {  	[tilespmem:s0+$0x20] =	vst v0;
	(pc) =	sbr.rel @p1 .LBB2_2-.Ltmp0, $4  }
0x1e: {  	[tilespmem:s0+$0x10] =	vst v0  }
0x1f: {  	[tilespmem:s0+$0x0] =	vst v0  }
0x20: {  	[tilespmem:s0+$0xFFFFFFF0] =	vst v0  }
0x21: {  	[tilespmem:s0+$0xFFFFFFE0] =	vst v0  }
0x22: {  	[tilespmem:s0+$0xFFFFFFD0] =	vst v0  }
0x23: {  	[spmem:s6] =	stream.linear.scatter [tilespmem:s19], [sflag:$0x3], $0x2800, $0x38;
	[tilespmem:$0x177B0] =	vst v63  }
0x24: {  	_ =	swait.ge [sflag:s20], $0x2800  }
0x25: {  	[sflag:s20] =	ssyncset.done $0x0  }
0x26: {  	[sflag:s20] =	ssyncadd.s32 $0xFFFFD800  }
0x27: {  	[tilespmem:s5], [sflag:$0x3] =	stream.linear.gather [hbm4b:s7+s5], $0x2800, $0x38;
	[tilespmem:$0x177B0] =	vst v63  }
0x28: {  	_ =	swait.ge [sflag:s20], $0x2800  }
0x29: {  	[sflag:s20] =	ssyncset.done $0x0  }
0x2a: {  	s1 =	simm.s32 $0x2800;
	[sflag:s20] =	ssyncadd.s32 $0xFFFFD800  }
0x2b: {  	[tilespmem:s1], [sflag:$0x3] =	stream.linear.gather [hbm4b:s8+s5], $0x2800, $0x38;
	[tilespmem:$0x177B0] =	vst v63  }
0x2c: {  	_ =	swait.ge [sflag:s20], $0x2800  }
0x2d: {  	[sflag:s20] =	ssyncset.done $0x0  }
0x2e: {  	s2 =	simm.s32 $0x5FA0;
	[sflag:s20] =	ssyncadd.s32 $0xFFFFD800  }
0x2f: {  	[tilespmem:s2], [sflag:$0x3] =	stream.linear.gather [hbm4b:s9+s5], $0x2800, $0x38;
	[tilespmem:$0x177B0] =	vst v63  }
0x30: {  	_ =	swait.ge [sflag:s20], $0x2800  }
0x31: {  	[sflag:s20] =	ssyncset.done $0x0  }
0x32: {  	s22 =	simm.s32 $0x87A0;
	[sflag:s20] =	ssyncadd.s32 $0xFFFFD800  }
0x33: {  	[tilespmem:s22], [sflag:$0x3] =	stream.linear.gather [hbm4b:s10+s5], $0x2800, $0x38;
	[tilespmem:$0x177B0] =	vst v63  }
0x34: {  	_ =	swait.ge [sflag:s20], $0x2800  }
0x35: {  	[sflag:s20] =	ssyncset.done $0x0  }
0x36: {  	s0 =	simm.s32 @p0 $0x0;
	s1 =	simm.s32 @p0 $0xAFA0;
	[sflag:s20] =	ssyncadd.s32 $0xFFFFD800  }
0x37: {  	[tilespmem:s1], [sflag:$0x3] =	stream.linear.gather @p0 [hbm4b:s13+s0], $0x1900, $0x38;
	[tilespmem:$0x177B0] =	vst v63  }
0x38: {  	s1 =	simm.s32 @p0 $0x3  }
0x39: {  	_ =	swait.ge @p0 [sflag:s1], $0x1900  }
0x3a: {  	[sflag:s1] =	ssyncset.done @p0 $0x0  }
0x3b: {  	s2 =	simm.s32 @p0 $0xD7A0;
	[sflag:s1] =	ssyncadd.s32 @p0 $0xFFFFE700  }
0x3c: {  	[tilespmem:s2], [sflag:$0x3] =	stream.linear.gather @p0 [hbm4b:s14+s0], $0x1900, $0x38;
	[tilespmem:$0x177B0] =	vst v63  }
0x3d: {  	_ =	swait.ge @p0 [sflag:s1], $0x1900  }
0x3e: {  	[sflag:s1] =	ssyncset.done @p0 $0x0  }
0x3f: {  	s0 =	simm.s32 @!p0 $0x0;
	[sflag:s1] =	ssyncadd.s32 @p0 $0xFFFFE700;
	s1 =	simm.s32 @!p0 $0xAFA0  }
0x40: {  	[tilespmem:s1], [sflag:$0x3] =	stream.linear.gather @!p0 [hbm4b:s11+s0], $0x2800, $0x38;
	[tilespmem:$0x177B0] =	vst v63  }
0x41: {  	s1 =	simm.s32 @!p0 $0x3  }
0x42: {  	_ =	swait.ge @!p0 [sflag:s1], $0x2800  }
0x43: {  	[sflag:s1] =	ssyncset.done @!p0 $0x0  }
0x44: {  	s2 =	simm.s32 @!p0 $0xD7A0;
	[sflag:s1] =	ssyncadd.s32 @!p0 $0xFFFFD800  }
0x45: {  	[tilespmem:s2], [sflag:$0x3] =	stream.linear.gather @!p0 [hbm4b:s12+s0], $0x2800, $0x38;
	[tilespmem:$0x177B0] =	vst v63  }
0x46: {  	_ =	swait.ge @!p0 [sflag:s1], $0x2800  }
0x47: {  	[sflag:s1] =	ssyncset.done @!p0 $0x0  }
0x48: {  	[sflag:s1] =	ssyncadd.s32 @!p0 $0xFFFFD800  }
0x49: {  	s24 =	simm.s32 $0x127A0;
	s23 =	rddreg [dreg:$0x1]  }
0x4a: {  	[tilespmem:s24], [sflag:$0x3] =	stream.linear.gather [hbm4b:s23+s5], $0x10, $0x38;
	[tilespmem:$0x177B0] =	vst v63  }
0x4b: {  	_ =	swait.ge [sflag:s20], $0x10  }
0x4c: {  	[sflag:s20] =	ssyncset.done $0x0  }
0x4d: {  	s1 =	simm.s32 $0x5FE0;
	[sflag:s20] =	ssyncadd.s32 $0xFFFFFFF0  }
0x4e: {  	s24 =	simm.s32 $0x87E0;
	v1 =	vld [tilespmem:s1+$0xFFFFFFC0]  }
0x4f: {  	v2 =	vld [tilespmem:s24+$0xFFFFFFC0]  }
0x50: {  	s22 =	simm.s32 $0xAFE0  }
0x51: {  	v3 =	vld [tilespmem:s22+$0xFFFFFFC0]  }
0x52: {  	s2 =	simm.s32 $0xD7E0  }
0x53: {  	v4 =	vld [tilespmem:s2+$0xFFFFFFC0]  }
0x54: {  	v2 =	vadd.f32 v2, v1  }
0x55: {  	v1 =	vld [tilespmem:$0x127A0]  }
0x56: {  	v2 =	vadd.f32 v3, v2;
	_ =	sdelay $0x1  }
0x57: {  	v2 =	vmul.f32 v2, v4;
	_ =	sdelay $0x1  }
0x58: {  	v2 =	vadd.f32 v2, v1;
	_ =	sdelay $0x1  }
0x59: {  	v2 =	vmul.f32 v2, v4  }
0x5a: {  	s23 =	simm.s32 $0xFFE0  }
0x5b: {  	[tilespmem:s23+$0xFFFFFFC0] =	vst v2  }
0x5c: {  	v2 =	vld [tilespmem:s1+$0xFFFFFFD0]  }
0x5d: {  	v3 =	vld [tilespmem:s24+$0xFFFFFFD0];
	_ =	sdelay $0x1  }
0x5e: {  	v4 =	vld [tilespmem:s22+$0xFFFFFFD0];
	_ =	sdelay $0x1  }
0x5f: {  	v5 =	vld [tilespmem:s2+$0xFFFFFFD0]  }
0x60: {  	v2 =	vadd.f32 v3, v2;
	_ =	sdelay $0x1  }
0x61: {  	v2 =	vadd.f32 v4, v2;
	_ =	sdelay $0x1  }
0x62: {  	v2 =	vmul.f32 v2, v5;
	_ =	sdelay $0x1  }
0x63: {  	v2 =	vadd.f32 v2, v1;
	_ =	sdelay $0x1  }
0x64: {  	v2 =	vmul.f32 v2, v5;
	_ =	sdelay $0x1  }
0x65: {  	[tilespmem:s23+$0xFFFFFFD0] =	vst v2  }
0x66: {  	v2 =	vld [tilespmem:s1+$0xFFFFFFE0]  }
0x67: {  	v3 =	vld [tilespmem:s24+$0xFFFFFFE0];
	_ =	sdelay $0x1  }
0x68: {  	v4 =	vld [tilespmem:s22+$0xFFFFFFE0];
	_ =	sdelay $0x1  }
0x69: {  	v5 =	vld [tilespmem:s2+$0xFFFFFFE0]  }
0x6a: {  	v2 =	vadd.f32 v3, v2;
	_ =	sdelay $0x1  }
0x6b: {  	v2 =	vadd.f32 v4, v2;
	_ =	sdelay $0x1  }
0x6c: {  	v2 =	vmul.f32 v2, v5;
	_ =	sdelay $0x1  }
0x6d: {  	v2 =	vadd.f32 v2, v1;
	_ =	sdelay $0x1  }
0x6e: {  	v2 =	vmul.f32 v2, v5;
	_ =	sdelay $0x1  }
0x6f: {  	[tilespmem:s23+$0xFFFFFFE0] =	vst v2  }
0x70: {  	v2 =	vld [tilespmem:s1+$0xFFFFFFF0]  }
0x71: {  	v3 =	vld [tilespmem:s24+$0xFFFFFFF0];
	_ =	sdelay $0x1  }
0x72: {  	v4 =	vld [tilespmem:s22+$0xFFFFFFF0];
	_ =	sdelay $0x1  }
0x73: {  	v5 =	vld [tilespmem:s2+$0xFFFFFFF0]  }
0x74: {  	v2 =	vadd.f32 v3, v2;
	_ =	sdelay $0x1  }
0x75: {  	v2 =	vadd.f32 v4, v2;
	_ =	sdelay $0x1  }
0x76: {  	v2 =	vmul.f32 v2, v5;
	_ =	sdelay $0x1  }
0x77: {  	v2 =	vadd.f32 v2, v1;
	_ =	sdelay $0x1  }
0x78: {  	v2 =	vmul.f32 v2, v5;
	_ =	sdelay $0x1  }
0x79: {  	[tilespmem:s23+$0xFFFFFFF0] =	vst v2  }
0x7a: {  	v2 =	vld [tilespmem:s1+$0x0]  }
0x7b: {  	v3 =	vld [tilespmem:s24+$0x0];
	_ =	sdelay $0x1  }
0x7c: {  	v4 =	vld [tilespmem:s22+$0x0];
	_ =	sdelay $0x1  }
0x7d: {  	v5 =	vld [tilespmem:s2+$0x0]  }
0x7e: {  	v2 =	vadd.f32 v3, v2;
	_ =	sdelay $0x1  }
0x7f: {  	v2 =	vadd.f32 v4, v2;
	_ =	sdelay $0x1  }
0x80: {  	v2 =	vmul.f32 v2, v5;
	_ =	sdelay $0x1  }
0x81: {  	v2 =	vadd.f32 v2, v1;
	_ =	sdelay $0x1  }
0x82: {  	v2 =	vmul.f32 v2, v5;
	_ =	sdelay $0x1  }
0x83: {  	[tilespmem:s23+$0x0] =	vst v2  }
0x84: {  	v2 =	vld [tilespmem:s1+$0x10]  }
0x85: {  	v3 =	vld [tilespmem:s24+$0x10];
	_ =	sdelay $0x1  }
0x86: {  	v4 =	vld [tilespmem:s22+$0x10];
	_ =	sdelay $0x1  }
0x87: {  	v5 =	vld [tilespmem:s2+$0x10]  }
0x88: {  	v2 =	vadd.f32 v3, v2;
	_ =	sdelay $0x1  }
0x89: {  	v2 =	vadd.f32 v4, v2;
	_ =	sdelay $0x1  }
0x8a: {  	v2 =	vmul.f32 v2, v5;
	_ =	sdelay $0x1  }
0x8b: {  	v2 =	vadd.f32 v2, v1;
	_ =	sdelay $0x1  }
0x8c: {  	v2 =	vmul.f32 v2, v5;
	_ =	sdelay $0x1  }
0x8d: {  	[tilespmem:s23+$0x10] =	vst v2  }
0x8e: {  	v2 =	vld [tilespmem:s1+$0x20]  }
0x8f: {  	v3 =	vld [tilespmem:s24+$0x20];
	_ =	sdelay $0x1  }
0x90: {  	v4 =	vld [tilespmem:s22+$0x20];
	_ =	sdelay $0x1  }
0x91: {  	v5 =	vld [tilespmem:s2+$0x20]  }
0x92: {  	v2 =	vadd.f32 v3, v2;
	_ =	sdelay $0x1  }
0x93: {  	v2 =	vadd.f32 v4, v2;
	_ =	sdelay $0x1  }
0x94: {  	v2 =	vmul.f32 v2, v5;
	_ =	sdelay $0x1  }
0x95: {  	v2 =	vadd.f32 v2, v1;
	_ =	sdelay $0x1  }
0x96: {  	v2 =	vmul.f32 v2, v5;
	_ =	sdelay $0x1  }
0x97: {  	[tilespmem:s23+$0x20] =	vst v2  }
0x98: {  	v4 =	vld [tilespmem:s1+$0x30]  }
0x99: {  	v5 =	vld [tilespmem:s24+$0x30];
	_ =	sdelay $0x1  }
0x9a: {  	v3 =	vld [tilespmem:s22+$0x30];
	_ =	sdelay $0x1  }
0x9b: {  	v2 =	vld [tilespmem:s2+$0x30]  }
0x9c: {  	s31 =	simm.s32 $0x8860;
	s0 =	simm.s32 $0xD860;
	v4 =	vadd.f32 v5, v4  }
0x9d: {  	s24 =	simm.s32 $0x0;
	s1 =	simm.s32 $0x6060;
	s2 =	simm.s32 $0xFFE0  }
.LBB2_4:
0x9e: {  	s24 =	sadd.s32 $0x8, s24;
	v3 =	vadd.f32 v3, v4;
	s23 =	sadd.s32 $0x80, s23;
	s22 =	sadd.s32 $0x80, s22  }
0x9f: {  	p1 =	slt.u32 s24, $0x278  }
0xa0: {  	v3 =	vmul.f32 v3, v2;
	_ =	sdelay $0x1  }
0xa1: {  	v3 =	vadd.f32 v3, v1;
	_ =	sdelay $0x1  }
0xa2: {  	v2 =	vmul.f32 v3, v2;
	_ =	sdelay $0x1  }
0xa3: {  	[tilespmem:s2+$0x30] =	vst v2;
	s2 =	smov.u32 s23  }
0xa4: {  	v2 =	vld [tilespmem:s1+$0xFFFFFFC0]  }
0xa5: {  	v3 =	vld [tilespmem:s31+$0xFFFFFFC0]  }
0xa6: {  	v4 =	vld [tilespmem:s22+$0xFFFFFFC0];
	_ =	sdelay $0x2  }
0xa7: {  	v5 =	vld [tilespmem:s0+$0xFFFFFFC0]  }
0xa8: {  	v2 =	vadd.f32 v3, v2;
	_ =	sdelay $0x1  }
0xa9: {  	v2 =	vadd.f32 v4, v2;
	_ =	sdelay $0x1  }
0xaa: {  	v2 =	vmul.f32 v2, v5;
	_ =	sdelay $0x1  }
0xab: {  	v2 =	vadd.f32 v2, v1;
	_ =	sdelay $0x1  }
0xac: {  	v2 =	vmul.f32 v2, v5;
	_ =	sdelay $0x1  }
0xad: {  	[tilespmem:s23+$0xFFFFFFC0] =	vst v2  }
0xae: {  	v2 =	vld [tilespmem:s1+$0xFFFFFFD0]  }
0xaf: {  	v3 =	vld [tilespmem:s31+$0xFFFFFFD0];
	_ =	sdelay $0x1  }
0xb0: {  	v4 =	vld [tilespmem:s22+$0xFFFFFFD0];
	_ =	sdelay $0x1  }
0xb1: {  	v5 =	vld [tilespmem:s0+$0xFFFFFFD0]  }
0xb2: {  	v2 =	vadd.f32 v3, v2;
	_ =	sdelay $0x1  }
0xb3: {  	v2 =	vadd.f32 v4, v2;
	_ =	sdelay $0x1  }
0xb4: {  	v2 =	vmul.f32 v2, v5;
	_ =	sdelay $0x1  }
0xb5: {  	v2 =	vadd.f32 v2, v1;
	_ =	sdelay $0x1  }
0xb6: {  	v2 =	vmul.f32 v2, v5;
	_ =	sdelay $0x1  }
0xb7: {  	[tilespmem:s23+$0xFFFFFFD0] =	vst v2  }
0xb8: {  	v2 =	vld [tilespmem:s1+$0xFFFFFFE0]  }
0xb9: {  	v3 =	vld [tilespmem:s31+$0xFFFFFFE0];
	_ =	sdelay $0x1  }
0xba: {  	v4 =	vld [tilespmem:s22+$0xFFFFFFE0];
	_ =	sdelay $0x1  }
0xbb: {  	v5 =	vld [tilespmem:s0+$0xFFFFFFE0]  }
0xbc: {  	v2 =	vadd.f32 v3, v2;
	_ =	sdelay $0x1  }
0xbd: {  	v2 =	vadd.f32 v4, v2;
	_ =	sdelay $0x1  }
0xbe: {  	v2 =	vmul.f32 v2, v5;
	_ =	sdelay $0x1  }
0xbf: {  	v2 =	vadd.f32 v2, v1;
	_ =	sdelay $0x1  }
0xc0: {  	v2 =	vmul.f32 v2, v5;
	_ =	sdelay $0x1  }
0xc1: {  	[tilespmem:s23+$0xFFFFFFE0] =	vst v2  }
0xc2: {  	v2 =	vld [tilespmem:s1+$0xFFFFFFF0]  }
0xc3: {  	v3 =	vld [tilespmem:s31+$0xFFFFFFF0];
	_ =	sdelay $0x1  }
0xc4: {  	v4 =	vld [tilespmem:s22+$0xFFFFFFF0];
	_ =	sdelay $0x1  }
0xc5: {  	v5 =	vld [tilespmem:s0+$0xFFFFFFF0]  }
0xc6: {  	v2 =	vadd.f32 v3, v2;
	_ =	sdelay $0x1  }
0xc7: {  	v2 =	vadd.f32 v4, v2;
	_ =	sdelay $0x1  }
0xc8: {  	v2 =	vmul.f32 v2, v5;
	_ =	sdelay $0x1  }
0xc9: {  	v2 =	vadd.f32 v2, v1;
	_ =	sdelay $0x1  }
0xca: {  	v2 =	vmul.f32 v2, v5;
	_ =	sdelay $0x1  }
0xcb: {  	[tilespmem:s23+$0xFFFFFFF0] =	vst v2  }
0xcc: {  	v2 =	vld [tilespmem:s1+$0x0]  }
0xcd: {  	v3 =	vld [tilespmem:s31+$0x0];
	_ =	sdelay $0x1  }
0xce: {  	v4 =	vld [tilespmem:s22+$0x0];
	_ =	sdelay $0x1  }
0xcf: {  	v5 =	vld [tilespmem:s0+$0x0]  }
0xd0: {  	v2 =	vadd.f32 v3, v2;
	_ =	sdelay $0x1  }
0xd1: {  	v2 =	vadd.f32 v4, v2;
	_ =	sdelay $0x1  }
0xd2: {  	v2 =	vmul.f32 v2, v5;
	_ =	sdelay $0x1  }
0xd3: {  	v2 =	vadd.f32 v2, v1;
	_ =	sdelay $0x1  }
0xd4: {  	v2 =	vmul.f32 v2, v5;
	_ =	sdelay $0x1  }
0xd5: {  	[tilespmem:s23+$0x0] =	vst v2  }
0xd6: {  	v2 =	vld [tilespmem:s1+$0x10]  }
0xd7: {  	v3 =	vld [tilespmem:s31+$0x10]  }
0xd8: {  	v4 =	vld [tilespmem:s22+$0x10];
	_ =	sdelay $0x2  }
0xd9: {  	v5 =	vld [tilespmem:s0+$0x10]  }
0xda: {  	v2 =	vadd.f32 v3, v2;
	_ =	sdelay $0x1  }
0xdb: {  	v2 =	vadd.f32 v4, v2;
	_ =	sdelay $0x1  }
0xdc: {  	v2 =	vmul.f32 v2, v5;
	_ =	sdelay $0x1  }
0xdd: {  	v2 =	vadd.f32 v2, v1;
	_ =	sdelay $0x1  }
0xde: {  	v2 =	vmul.f32 v2, v5;
	_ =	sdelay $0x1  }
0xdf: {  	[tilespmem:s23+$0x10] =	vst v2  }
0xe0: {  	v2 =	vld [tilespmem:s1+$0x20]  }
0xe1: {  	v3 =	vld [tilespmem:s31+$0x20]  }
0xe2: {  	v4 =	vld [tilespmem:s22+$0x20]  }
0xe3: {  	v5 =	vld [tilespmem:s0+$0x20];
	_ =	sdelay $0x2  }
0xe4: {  	v2 =	vadd.f32 v3, v2;
	_ =	sdelay $0x1  }
0xe5: {  	v2 =	vadd.f32 v4, v2;
	_ =	sdelay $0x1  }
0xe6: {  	v2 =	vmul.f32 v2, v5;
	_ =	sdelay $0x1  }
0xe7: {  	v2 =	vadd.f32 v2, v1;
	_ =	sdelay $0x1  }
0xe8: {  	v2 =	vmul.f32 v2, v5;
	_ =	sdelay $0x1  }
0xe9: {  	[tilespmem:s23+$0x20] =	vst v2  }
0xea: {  	v4 =	vld [tilespmem:s1+$0x30]  }
0xeb: {  	v5 =	vld [tilespmem:s31+$0x30]  }
0xec: {  	v3 =	vld [tilespmem:s22+$0x30]  }
.Ltmp1:
0xed: {  	v2 =	vld [tilespmem:s0+$0x30];
	(pc) =	sbr.rel @p1 .LBB2_4-.Ltmp1, $3  }
0xee: {  	_ =	sdelay $0x1  }
0xef: {  	v4 =	vadd.f32 v5, v4  }
0xf0: {  	s1 =	sadd.s32 $0x80, s1;
	s31 =	sadd.s32 $0x80, s31;
	s0 =	sadd.s32 $0x80, s0  }
0xf1: {  	v3 =	vadd.f32 v3, v4;
	_ =	sdelay $0x1  }
0xf2: {  	v3 =	vmul.f32 v3, v2;
	_ =	sdelay $0x1  }
0xf3: {  	v1 =	vadd.f32 v3, v1;
	_ =	sdelay $0x1  }
0xf4: {  	v1 =	vmul.f32 v1, v2;
	_ =	sdelay $0x1  }
0xf5: {  	[tilespmem:s2+$0x30] =	vst v1  }
0xf6: {  	[spmem:s15] =	stream.linear.scatter [tilespmem:s19], [sflag:$0x3], $0x2800, $0x38;
	[tilespmem:$0x177B0] =	vst v63  }
0xf7: {  	_ =	swait.ge [sflag:s20], $0x2800  }
0xf8: {  	[sflag:s20] =	ssyncset.done $0x0  }
0xf9: {  	s0 =	simm.s32 $0x0;
	[sflag:s20] =	ssyncadd.s32 $0xFFFFD800  }
0xfa: {  	[hbm4b:s16+s0] =	stream.linear.scatter [tilespmem:s19], [sflag:$0x3], $0x2800, $0x38;
	[tilespmem:$0x177B0] =	vst v63  }
0xfb: {  	_ =	swait.ge [sflag:s20], $0x2800  }
0xfc: {  	[sflag:s20] =	ssyncset.done $0x0  }
0xfd: {  	[sflag:s20] =	ssyncadd.s32 $0xFFFFD800  }
0xfe: {  	[bflag:$0x0] =	sbarrier.arrive $0xFFFF  }
0xff: {  	[tilespmem:s26], [sflag:$0x1] =	stream.indirect.gather [spmem:s4], $0x10, s0, s25, $0xb8;
	[tilespmem:$0x177B0] =	vst v63  }
0x100: {  	_ =	swait.ge [sflag:s28], $0x7D0  }
0x101: {  	[sflag:s28] =	ssyncset.done $0x0  }
0x102: {  	s22 =	simm.s32 $0x80;
	[sflag:s28] =	ssyncadd.s32 $0xFFFFF830  }
0x103: {  	[tilespmem:s29], [sflag:$0x1] =	stream.indirect.gather [spmem:s4], $0x10, s22, s25, $0xb8;
	[tilespmem:$0x177B0] =	vst v63  }
0x104: {  	s23 =	simm.s32 $0x2800  }
0x105: {  	[spmem:s3] =	stream.indirect.scatter.add.f32 [tilespmem:s26], [sflag:$0x2], $0x10, s23, s25, $0xb8;
	[tilespmem:$0x177B0] =	vst v63  }
0x106: {  	_ =	swait.ge [sflag:s30], $0x7D0  }
0x107: {  	[sflag:s30] =	ssyncset.done $0x0  }
0x108: {  	[sflag:s30] =	ssyncadd.s32 $0xFFFFF830  }
0x109: {  	_ =	swait.ge [sflag:s28], $0x7D0  }
0x10a: {  	[sflag:s28] =	ssyncset.done $0x0  }
0x10b: {  	s24 =	simm.s32 $0x100;
	[sflag:s28] =	ssyncadd.s32 $0xFFFFF830  }
0x10c: {  	[tilespmem:s26], [sflag:$0x1] =	stream.indirect.gather [spmem:s4], $0x10, s24, s25, $0xb8;
	[tilespmem:$0x177B0] =	vst v63  }
0x10d: {  	s31 =	simm.s32 $0x2880  }
0x10e: {  	[spmem:s3] =	stream.indirect.scatter.add.f32 [tilespmem:s29], [sflag:$0x2], $0x10, s31, s25, $0xb8;
	[tilespmem:$0x177B0] =	vst v63  }
0x10f: {  	_ =	swait.ge [sflag:s30], $0x7D0  }
0x110: {  	s0 =	simm.s32 $0x400;
	[sflag:s30] =	ssyncset.done $0x0  }
.LBB2_6:
0x111: {  	p1 =	sne.s32 s0, $0x9800  }
0x112: {  	[sflag:s30] =	ssyncadd.s32 $0xFFFFF830;
	s1 =	smov.u32 s0;
	s0 =	sadd.s32 $0x400, s0  }
0x113: {  	_ = 	snop  }
0x114: {  	_ =	swait.ge [sflag:s28], $0x7D0  }
0x115: {  	s1 =	sshra.s32 s1, $0x2;
	[sflag:s28] =	ssyncset.done $0x0  }
0x116: {  	s2 =	sadd.s32 $0x80, s1;
	[sflag:s28] =	ssyncadd.s32 $0xFFFFF830  }
0x117: {  	[tilespmem:s29], [sflag:$0x1] =	stream.indirect.gather [spmem:s4], $0x10, s2, s25, $0xb8;
	[tilespmem:$0x177B0] =	vst v63  }
0x118: {  	s2 =	sadd.s32 $0x2800, s1  }
0x119: {  	[spmem:s3] =	stream.indirect.scatter.add.f32 [tilespmem:s26], [sflag:$0x2], $0x10, s2, s25, $0xb8;
	[tilespmem:$0x177B0] =	vst v63  }
0x11a: {  	_ =	swait.ge [sflag:s30], $0x7D0  }
0x11b: {  	[sflag:s30] =	ssyncset.done $0x0  }
0x11c: {  	[sflag:s30] =	ssyncadd.s32 $0xFFFFF830  }
0x11d: {  	_ =	swait.ge [sflag:s28], $0x7D0  }
0x11e: {  	[sflag:s28] =	ssyncset.done $0x0  }
0x11f: {  	s2 =	sadd.s32 $0x100, s1;
	[sflag:s28] =	ssyncadd.s32 $0xFFFFF830  }
0x120: {  	[tilespmem:s26], [sflag:$0x1] =	stream.indirect.gather [spmem:s4], $0x10, s2, s25, $0xb8;
	[tilespmem:$0x177B0] =	vst v63  }
.Ltmp2:
0x121: {  	_ = 	snop;
	(pc) =	sbr.rel @p1 .LBB2_6-.Ltmp2, $4  }
0x122: {  	s1 =	sadd.s32 $0x2880, s1  }
0x123: {  	[spmem:s3] =	stream.indirect.scatter.add.f32 [tilespmem:s29], [sflag:$0x2], $0x10, s1, s25, $0xb8;
	[tilespmem:$0x177B0] =	vst v63  }
0x124: {  	_ =	swait.ge [sflag:s30], $0x7D0  }
0x125: {  	[sflag:s30] =	ssyncset.done $0x0  }
0x126: {  	[sflag:s30] =	ssyncadd.s32 $0xFFFFF830  }
0x127: {  	_ =	swait.ge [sflag:s28], $0x7D0  }
0x128: {  	[sflag:s28] =	ssyncset.done $0x0  }
0x129: {  	s0 =	simm.s32 $0x2780;
	[sflag:s28] =	ssyncadd.s32 $0xFFFFF830  }
0x12a: {  	[tilespmem:s29], [sflag:$0x1] =	stream.indirect.gather [spmem:s4], $0x10, s0, s25, $0xb8;
	[tilespmem:$0x177B0] =	vst v63  }
0x12b: {  	s23 =	simm.s32 $0x4F00  }
0x12c: {  	[spmem:s3] =	stream.indirect.scatter.add.f32 [tilespmem:s26], [sflag:$0x2], $0x10, s23, s25, $0xb8;
	[tilespmem:$0x177B0] =	vst v63  }
0x12d: {  	_ =	swait.ge [sflag:s30], $0x7D0  }
0x12e: {  	[sflag:s30] =	ssyncset.done $0x0  }
0x12f: {  	[sflag:s30] =	ssyncadd.s32 $0xFFFFF830  }
0x130: {  	_ =	swait.ge [sflag:s28], $0x7D0  }
0x131: {  	[sflag:s28] =	ssyncset.done $0x0  }
0x132: {  	s24 =	simm.s32 $0x4F80;
	[sflag:s28] =	ssyncadd.s32 $0xFFFFF830  }
0x133: {  	[spmem:s3] =	stream.indirect.scatter.add.f32 [tilespmem:s29], [sflag:$0x2], $0x10, s24, s25, $0xb8;
	[tilespmem:$0x177B0] =	vst v63  }
0x134: {  	s31 =	stileid.u32;
	_ =	swait.ge [sflag:s30], $0x7D0  }
0x135: {  	s1 =	sshrl.u32 s6, $0x3;
	s21 =	sadd.s32 $0x1, s21;
	[sflag:s30] =	ssyncset.done $0x0  }
0x136: {  	p1 =	sne.s32 s21, s18;
	s0 =	sshll.u32 s31, $0x6;
	[sflag:s30] =	ssyncadd.s32 $0xFFFFF830  }
.Ltmp3:
0x137: {  	s0 =	sor.u32 $0x1C03, s0;
	[bflag:$0x0] =	sbarrier.arrive $0xFFFF;
	(pc) =	sbr.rel @p1 .LBB2_1-.Ltmp3, $4  }
0x138: {  	[hbm:s17], [sflag:s0] =	dma.local [spmem:s1], $0x500  }
0x139: {  	_ =	swait.ge [sflag:s20], $0x500  }
0x13a: {  	[sflag:s20] =	ssyncset.done $0x0  }
0x13b: {  	[sflag:s20] =	ssyncadd.s32 $0xFFFFFB00  }
0x13c: {  	_ =	sfence.sel $0x180000  }
0x13d: {  	[bflag:$0x0] =	sbarrier.arrive $0xFFFF  }
0x13e: {  	_ =	strace $0x9000004D  }
0x13f: {  	s0 =	stileid.u32;
	[bflag:$0x2] =	sbarrier.arrive $0xFFFF  }
0x140: {  	p0 =	sne.s32 s0, $0x0;
	s0 =	rddreg [dreg:$0x5]  }
0x141: {  	s0 =	sadd.s32 @!p0 $0x100000, s0  }
0x142: {  	[sflag:s0] =	ssyncadd.tile.s32 @!p0 $0x1;
	_ =	shalt  }
.Lfunc_end2:
_tile_overlayer_lowered:
.L_overlay_start_2:
0x143: {  	(tag) =	ssettag $0x2  }
0x144: {  	s0 =	rddreg [dreg:$0x0];
	s2 =	stileid.u32  }
0x145: {  	s1 =	rddreg [dreg:$0x1];
	p0 =	sne.s32 s2, $0x0  }
0x146: {  	s3 =	rddreg [dreg:$0x2];
	[bflag:$0x3] =	sbarrier.arrive $0xFFFF;
	s2 =	simm.s32 @!p0 $0x1C03  }
0x147: {  	[timem:s3], [sflag:s2] =	dma.local @!p0 [hbm:s0], s1  }
0x148: {  	s0 =	simm.s32 @!p0 $0x3  }
0x149: {  	_ =	swait.ge @!p0 [sflag:s0], s1  }
0x14a: {  	s1 =	ssub.s32 @!p0 $0x0, s1;
	[sflag:s0] =	ssyncset.done @!p0 $0x0  }
0x14b: {  	[sflag:s0] =	ssyncadd.s32 @!p0 s1  }
0x14c: {  	[bflag:$0x3] =	sbarrier.arrive $0xFFFF  }
0x14d: {  	_ =	shalt  }

// kernel: kernel.7.cloned.1.call-start
scs
__scs_entry_jumppad:
0x0: {  	(pc) =	sbr.rel $0x88, $3  }
0x1: {  	(tag) =	ssettag $0x0;
	lr =	simm.s32 $0x1  }
0x2: {  	[smem:$0x3F9B] =	sst lr;
	_ =	strace $0xD0000000  }
0x3: {  	_ = 	snop  }
0x4: {  	_ = 	snop  }
0x5: {  	_ = 	snop  }
0x6: {  	_ = 	snop  }
0x7: {  	_ = 	snop  }
__scs_overlays_trampoline_lowered:
0x8: {  	[smem:$0x3FAA] =	sst s0  }
0x9: {  	[smem:$0x3FAB] =	sst s1  }
0xa: {  	[smem:$0x3FAC] =	sst s2  }
0xb: {  	[smem:$0x3FAD] =	sst s3  }
0xc: {  	[smem:$0x3FAE] =	sst s4  }
0xd: {  	[smem:$0x3FAF] =	sst s5  }
0xe: {  	[smem:$0x3FB0] =	sst s6  }
0xf: {  	[smem:$0x3FB1] =	sst s7  }
0x10: {  	[smem:$0x3FB2] =	sst s8  }
0x11: {  	[smem:$0x3FB3] =	sst s9;
	s0 =	simm.s32 @!p0 $0x0  }
0x12: {  	s1 =	sld [smem:$0x3F99];
	s0 =	simm.s32 @p0 $0x1  }
0x13: {  	[smem:$0x3FB4] =	sst s0;
	s0 =	simm.s32 @!p1 $0x0  }
0x14: {  	s2 =	sld [smem:$0x3F98];
	s0 =	simm.s32 @p1 $0x1  }
0x15: {  	[smem:$0x3FB5] =	sst s0;
	s0 =	simm.s32 @!p2 $0x0  }
0x16: {  	s3 =	sld [smem:$0x3FDB];
	s0 =	simm.s32 @p2 $0x1  }
0x17: {  	s4 =	simm.s32 $0x1BF5;
	[smem:$0x3FB7] =	sst s0  }
0x18: {  	s0 =	sld [smem:$0x3F9A];
	_ =	swait.ge [sflag:s4], $0x0  }
0x19: {  	s7 =	sld [smem:$0x3F9B]  }
0x1a: {  	s8 =	sadd.s32 $0xFFFFE003, lr  }
0x1b: {  	s9 =	sadd.s32 $0xFFFFFEF7, lr;
	s5 =	simm.s32 $0xFFFFFFFF;
	p2 =	slt.u32 s8, $0xFFFFF086  }
0x1c: {  	p1 =	slt.u32 s9, $0xF7A;
	s5 =	simm.s32 @!p2 $0x0  }
0x1d: {  	s5 =	simm.s32 @p1 $0x1;
	p0 =	seq.s32 s7, s2  }
0x1e: {  	s7 =	smul.u32 @!p0 $0xF7A, s2;
	p2 =	seq.s32 @!p0 s5, $0x0  }
0x1f: {  	s9 =	smul.u32 $0xF7A, s1;
	s8 =	simm.s32 @!p0 $0x1BF5;
	p2 =	por !p2, p0  }
0x20: {  	[sflag:s8] =	ssyncset.s32 @!p0 $0xFFFFF086;
	s6 =	sadd.s32 @!p0 s3, s7;
	s7 =	simm.s32 @!p0 $0x108  }
0x21: {  	s3 =	sadd.s32 s3, s9;
	s6 =	sadd.s32 @!p0 $0x88, s6;
	s7 =	simm.s32 @p2 $0x1082  }
0x22: {  	[simem:s7], [sflag:s8] =	dma.local @!p0 [hbm:s6], $0xF7A  }
0x23: {  	s9 =	sor.u32 $0xD0000000, s2;
	s6 =	simm.s32 $0x108;
	_ =	swait.ge @!p0 [sflag:s8], $0x0  }
0x24: {  	s3 =	sadd.s32 $0x88, s3;
	s6 =	simm.s32 @!p1 $0x1082;
	[sflag:s4] =	ssyncset.s32 $0xFFFFF086  }
0x25: {  	[simem:s6], [sflag:s4] =	dma.local [hbm:s3], $0xF7A  }
0x26: {  	[smem:$0x3F9B] =	sst s1;
	(tag) =	ssettag s2;
	_ =	strace s9  }
0x27: {  	s1 =	sld [smem:$0x3FAB]  }
0x28: {  	s2 =	sld [smem:$0x3FAC]  }
0x29: {  	s4 =	sld [smem:$0x3FAE]  }
0x2a: {  	p0 =	seq.s32 s5, $0x0;
	s5 =	sld [smem:$0x3FAF]  }
0x2b: {  	s6 =	sld [smem:$0x3FB0]  }
0x2c: {  	s7 =	sld [smem:$0x3FB1]  }
0x2d: {  	s3 =	simm.s32 $0x108;
	s8 =	sld [smem:$0x3FB2]  }
0x2e: {  	s3 =	simm.s32 @!p0 $0x1082;
	s9 =	sld [smem:$0x3FB3]  }
0x2f: {  	lr =	sadd.s32 s0, s3;
	s0 =	sld [smem:$0x3FAA]  }
0x30: {  	s3 =	sld [smem:$0x3FAD]  }
0x31: {  	[smem:$0x3FB6] =	sst s10  }
0x32: {  	s10 =	sld [smem:$0x3FB4];
	_ =	sdelay $0x3  }
0x33: {  	p0 =	seq.s32 s10, $0x1;
	s10 =	sld [smem:$0x3FB6];
	_ =	sdelay $0x3  }
0x34: {  	[smem:$0x3FB6] =	sst s10  }
0x35: {  	s10 =	sld [smem:$0x3FB5];
	_ =	sdelay $0x3  }
0x36: {  	p1 =	seq.s32 s10, $0x1;
	s10 =	sld [smem:$0x3FB6];
	_ =	sdelay $0x3  }
0x37: {  	[smem:$0x3FB6] =	sst s10  }
0x38: {  	s10 =	sld [smem:$0x3FB7]  }
0x39: {  	_ = 	snop;
	(pc) =	sbr.ind lr, $3  }
0x3a: {  	_ = 	snop  }
0x3b: {  	_ = 	snop  }
0x3c: {  	p2 =	seq.s32 s10, $0x1;
	s10 =	sld [smem:$0x3FB6]  }
0x3d: {  	_ =	shalt  }
0x3e: {  	_ =	shalt  }
0x3f: {  	_ =	shalt  }
0x40: {  	_ =	shalt  }
0x41: {  	_ =	shalt  }
0x42: {  	_ =	shalt  }
0x43: {  	_ =	shalt  }
0x44: {  	_ =	shalt  }
0x45: {  	_ =	shalt  }
0x46: {  	_ =	shalt  }
0x47: {  	_ =	shalt  }
0x48: {  	_ =	shalt  }
0x49: {  	_ =	shalt  }
0x4a: {  	_ =	shalt  }
0x4b: {  	_ =	shalt  }
0x4c: {  	_ =	shalt  }
0x4d: {  	_ =	shalt  }
0x4e: {  	_ =	shalt  }
0x4f: {  	_ =	shalt  }
0x50: {  	_ =	shalt  }
0x51: {  	_ =	shalt  }
0x52: {  	_ =	shalt  }
0x53: {  	_ =	shalt  }
0x54: {  	_ =	shalt  }
0x55: {  	_ =	shalt  }
0x56: {  	_ =	shalt  }
0x57: {  	_ =	shalt  }
0x58: {  	_ =	shalt  }
0x59: {  	_ =	shalt  }
0x5a: {  	_ =	shalt  }
0x5b: {  	_ =	shalt  }
0x5c: {  	_ =	shalt  }
0x5d: {  	_ =	shalt  }
0x5e: {  	_ =	shalt  }
0x5f: {  	_ =	shalt  }
0x60: {  	_ =	shalt  }
0x61: {  	_ =	shalt  }
0x62: {  	_ =	shalt  }
0x63: {  	_ =	shalt  }
0x64: {  	_ =	shalt  }
0x65: {  	_ =	shalt  }
0x66: {  	_ =	shalt  }
0x67: {  	_ =	shalt  }
0x68: {  	_ =	shalt  }
0x69: {  	_ =	shalt  }
0x6a: {  	_ =	shalt  }
0x6b: {  	_ =	shalt  }
0x6c: {  	_ =	shalt  }
0x6d: {  	_ =	shalt  }
0x6e: {  	_ =	shalt  }
0x6f: {  	_ =	shalt  }
0x70: {  	_ =	shalt  }
0x71: {  	_ =	shalt  }
0x72: {  	_ =	shalt  }
0x73: {  	_ =	shalt  }
0x74: {  	_ =	shalt  }
0x75: {  	_ =	shalt  }
0x76: {  	_ =	shalt  }
0x77: {  	_ =	shalt  }
0x78: {  	_ =	shalt  }
0x79: {  	_ =	shalt  }
0x7a: {  	_ =	shalt  }
0x7b: {  	_ =	shalt  }
0x7c: {  	_ =	shalt  }
0x7d: {  	_ =	shalt  }
0x7e: {  	_ =	shalt  }
0x7f: {  	_ =	shalt  }
0x80: {  	_ =	shalt  }
0x81: {  	_ =	shalt  }
0x82: {  	_ =	shalt  }
0x83: {  	_ =	shalt  }
0x84: {  	_ =	shalt  }
0x85: {  	_ =	shalt  }
0x86: {  	_ =	shalt  }
0x87: {  	_ =	shalt  }
.Lfunc_end0:
.L_simem_size_0:
called_computation_lowered:
.L_overlay_start_0:
0x88: {  	s2 =	sld [smem:$0x3FD9]  }
0x89: {  	s3 =	sld [smem:$0x3FFE];
	_ =	sdelay $0x1  }
0x8a: {  	s1 =	srdreg.scid  }
0x8b: {  	s0 =	sand.u32 $0x1, s1  }
0x8c: {  	s17 =	sshll.u32 s0, $0xA;
	s2 =	sadd.s32 s3, s2  }
0x8d: {  	s2 =	sadd.s32 s2, s17  }
0x8e: {  	[smem:$0x3FC2] =	sst s2  }
0x8f: {  	_ = 	snop  }
0x90: {  	s2 =	sld [smem:$0x3FD0];
	(tm) =	ssettm $0x1  }
0x91: {  	s18 =	sld [smem:$0x3FFB];
	_ =	sdelay $0x3  }
0x92: {  	_ =	strace s18  }
0x93: {  	s3 =	sld [smem:$0x3FFC];
	_ =	sdelay $0x3  }
0x94: {  	_ =	strace s3  }
0x95: {  	s3 =	sld [smem:$0x3FFD];
	_ =	sdelay $0x3  }
0x96: {  	_ =	strace s3  }
0x97: {  	_ =	strace $0x8FFFFFFF  }
0x98: {  	s19 =	sld [smem:$0x3FDB];
	_ =	sdelay $0x1  }
0x99: {  	s4 =	simm.s32 $_scs_section_size  }
0x9a: {  	s5 =	simm.s32 $_size__tile_overlayer_lowered;
	s6 =	simm.s32 $_tile_overlayer_lowered  }
0x9b: {  	s22 =	simm.s32 $0x1BFF;
	s21 =	sshll.u32 s6, $0x1;
	s3 =	sadd.s32 s4, s19  }
0x9c: {  	s7 =	simm.s32 $0x0;
	s20 =	sshll.u32 s5, $0x1;
	s5 =	sadd.s32 s21, s3  }
0x9d: {  	[timem:s7], [sflag:s22] =	dma.local [hbm:s5], s20  }
0x9e: {  	_ =	swait.ge [sflag:s22], s20  }
0x9f: {  	s4 =	ssub.s32 $0x0, s20;
	[sflag:s22] =	ssyncset.done $0x0  }
0xa0: {  	[sflag:s22] =	ssyncadd.s32 s4;
	_ =	sdelay $0x1  }
0xa1: {  	s23 =	simm.s32 $0x1B8B  }
0xa2: {  	_ =	swait.ge [sflag:s23], $0x1  }
0xa3: {  	[sflag:s23] =	ssyncset.done $0x0  }
0xa4: {  	s25 =	simm.s32 $0x1B8E;
	s24 =	sld [smem:$0x3FFE];
	[sflag:s23] =	ssyncadd.s32 $0xFFFFFFFF  }
0xa5: {  	s26 =	simm.s32 $execute0_lowered;
	[smem:$0x3FD2] =	sst s25  }
0xa6: {  	s5 =	sshll.u32 s26, $0x1;
	_ =	strace $0x80000046;
	[dreg:$0x1] =	wrdreg $0xFFFFFFFF  }
0xa7: {  	s28 =	simm.s32 $_size_execute0_lowered;
	s3 =	sadd.s32 s3, s5;
	[dreg:$0x0] =	wrdreg $0x0  }
0xa8: {  	s5 =	sshll.u32 s28, $0x1;
	[dreg:$0x2] =	wrdreg s3  }
0xa9: {  	[dreg:$0x3] =	wrdreg s5  }
0xaa: {  	[dreg:$0x4] =	wrdreg $0xC0  }
0xab: {  	_ =	task [dreg:s7], $0x5FFFF  }
0xac: {  	[dreg:$0x1] =	wrdreg $0xFFFFFFFF  }
0xad: {  	[dreg:$0x0] =	wrdreg $0x60  }
0xae: {  	[dreg:$0x2] =	wrdreg s2  }
0xaf: {  	[dreg:$0x3] =	wrdreg s24  }
0xb0: {  	[dreg:$0x4] =	wrdreg $0x2B000  }
0xb1: {  	[dreg:$0x5] =	wrdreg $0x9  }
0xb2: {  	_ =	task.clear_ibuf [dreg:s7], $0x6FFFF;
	_ =	strace $0x90000046  }
0xb3: {  	s29 =	simm.s32 $0x9;
	_ =	strace $0x80000048  }
0xb4: {  	_ =	swait.ge [sflag:s29], $0x1  }
0xb5: {  	[sflag:s29] =	ssyncadd.s32 $0xFFFFFFFF  }
0xb6: {  	_ =	strace $0x90000048  }
0xb7: {  	_ =	sfence  }
0xb8: {  	s30 =	sld [smem:$0x0];
	_ =	sdelay $0x2  }
0xb9: {  	s31 =	sshll.u32 s1, $0xD;
	s1 =	sshrl.u32 s1, $0x2  }
0xba: {  	s3 =	sand.u32 $0x4000, s31;
	s1 =	sadd.s32 s1, s30  }
0xbb: {  	s0 =	sor.u32 s3, s0;
	s1 =	sshll.u32 s1, $0x11  }
0xbc: {  	s0 =	sor.u32 s1, s0  }
0xbd: {  	s0 =	sadd.s32 $0x8F2B, s0  }
0xbe: {  	[sflag:s0] =	ssyncadd.remote.s32 $0x1  }
0xbf: {  	_ =	sfence.sel $0xFFFF  }
0xc0: {  	[dreg:$0x0] =	wrdreg $0xFFFFFFFF;
	(pc) =	sbr.abs _section_cstart, $3  }
0xc1: {  	[dreg:$0x1] =	wrdreg $0xFFFFFFFF  }
0xc2: {  	_ =	task.clear_ibuf [dreg:s7], $0x2FFFF;
	_ =	strace $0x9FFFFFFF  }
0xc3: {  	(tm) =	ssettm $0x7FFFFFFF  }
tec
execute0_lowered:
.L_overlay_start_1:
0x0: {  	(tag) =	ssettag $0x1  }
0x1: {  	s5 =	rddreg [dreg:$0x0]  }
0x2: {  	s4 =	rddreg [dreg:$0x1]  }
0x3: {  	s2 =	rddreg [dreg:$0x2]  }
0x4: {  	s0 =	rddreg [dreg:$0x3]  }
0x5: {  	s6 =	srdreg.scid;
	s1 =	stileid.u32;
	s3 =	simm.s32 $0x0  }
0x6: {  	s11 =	simm.s32 $0x2800;
	s12 =	simm.s32 $0x1;
	s15 =	simm.s32 $0x0  }
0x7: {  	s6 =	sand.u32 $0x1, s6;
	s7 =	smul.u32 $0x280, s1;
	[smem:$0x7FF] =	sst s3  }
0x8: {  	s9 =	sshll.u32 s1, $0x1;
	s13 =	sshll.u32 s1, $0x6;
	s8 =	smul.u32 $0x2800, s6  }
0x9: {  	_ =	strace $0x80000047;
	s10 =	ssub.s32 $0x2, s6;
	s6 =	sor.u32 s6, s9  }
0xa: {  	s31 =	sshrl.u32 s10, $0x1;
	s6 =	smul.u32 $0x500, s6;
	s8 =	sadd.s32 s7, s8  }
0xb: {  	s13 =	sor.u32 $0x1C02, s13;
	s9 =	ssub.s32 s10, s31;
	s8 =	sshrl.u32 s8, $0x3  }
0xc: {  	s10 =	simm.s32 $0x7D;
	s5 =	sadd.s32 s5, s6;
	s8 =	sadd.s32 s8, s4  }
0xd: {  	s4 =	sadd.s32 s7, s2;
	s7 =	smax.u32 s9, $0x1;
	s9 =	simm.s32 $0x2  }
0xe: {  	v0 =	vimm.f32 $0.0e+00;
	v1 =	vimm.f32 $1.000000000e+00;
	s6 =	sadd.s32 $0x1C00, s8;
	s8 =	simm.s32 $0x2880;
	s14 =	sshrl.u32 s4, $0x3  }
.LBB2_1:
0xf: {  	[tilespmem:$0x2880] =	vst v0  }
0x10: {  	[tilespmem:$0x2890] =	vst v0  }
0x11: {  	[tilespmem:$0x28A0] =	vst v0  }
0x12: {  	[tilespmem:$0x28B0] =	vst v0  }
0x13: {  	[tilespmem:$0x28C0] =	vst v0  }
0x14: {  	[tilespmem:$0x28D0] =	vst v0  }
0x15: {  	[tilespmem:$0x28E0] =	vst v0  }
0x16: {  	[tilespmem:$0x28F0] =	vst v0  }
0x17: {  	[tilespmem:$0x2900] =	vst v0  }
0x18: {  	[tilespmem:$0x2910] =	vst v0  }
0x19: {  	[tilespmem:$0x2920] =	vst v0  }
0x1a: {  	[tilespmem:$0x2930] =	vst v0  }
0x1b: {  	[tilespmem:$0x2940] =	vst v0  }
0x1c: {  	[tilespmem:$0x2950] =	vst v0  }
0x1d: {  	[tilespmem:$0x2960] =	vst v0  }
0x1e: {  	[tilespmem:$0x2970] =	vst v0  }
0x1f: {  	[tilespmem:$0x2980] =	vst v0  }
0x20: {  	[tilespmem:$0x2990] =	vst v0  }
0x21: {  	[tilespmem:$0x29A0] =	vst v0  }
0x22: {  	[tilespmem:$0x29B0] =	vst v0  }
0x23: {  	[tilespmem:$0x29C0] =	vst v0  }
0x24: {  	[tilespmem:$0x29D0] =	vst v0  }
0x25: {  	[tilespmem:$0x29E0] =	vst v0  }
0x26: {  	[tilespmem:$0x29F0] =	vst v0  }
0x27: {  	[tilespmem:$0x2A00] =	vst v0  }
0x28: {  	[tilespmem:$0x2A10] =	vst v0  }
0x29: {  	[tilespmem:$0x2A20] =	vst v0  }
0x2a: {  	[tilespmem:$0x2A30] =	vst v0  }
0x2b: {  	[tilespmem:$0x2A40] =	vst v0  }
0x2c: {  	[tilespmem:$0x2A50] =	vst v0  }
0x2d: {  	[tilespmem:$0x2A60] =	vst v0  }
0x2e: {  	[tilespmem:$0x2A70] =	vst v0  }
0x2f: {  	[tilespmem:$0x2A80] =	vst v0  }
0x30: {  	[tilespmem:$0x2A90] =	vst v0  }
0x31: {  	[tilespmem:$0x2AA0] =	vst v0  }
0x32: {  	[tilespmem:$0x2AB0] =	vst v0  }
0x33: {  	[tilespmem:$0x2AC0] =	vst v0  }
0x34: {  	[tilespmem:$0x2AD0] =	vst v0  }
0x35: {  	[tilespmem:$0x2AE0] =	vst v0  }
0x36: {  	[tilespmem:$0x2AF0] =	vst v0  }
0x37: {  	[tilespmem:$0x2800] =	vst v1  }
0x38: {  	[tilespmem:$0x2810] =	vst v1  }
0x39: {  	[tilespmem:$0x2820] =	vst v1  }
0x3a: {  	[tilespmem:$0x2830] =	vst v1  }
0x3b: {  	[tilespmem:$0x2840] =	vst v1  }
0x3c: {  	[tilespmem:$0x2850] =	vst v1  }
0x3d: {  	[tilespmem:$0x2860] =	vst v1  }
0x3e: {  	[tilespmem:$0x2870] =	vst v1  }
0x3f: {  	[spmem:s4] =	stream.linear.scatter [tilespmem:s8], [sflag:$0x2], $0x280, $0x38;
	[tilespmem:$0x2D80] =	vst v63  }
0x40: {  	_ =	swait.ge [sflag:s9], $0x280  }
0x41: {  	[sflag:s9] =	ssyncset.done $0x0  }
0x42: {  	[sflag:s9] =	ssyncadd.s32 $0xFFFFFD80  }
0x43: {  	[tilespmem:s3], [sflag:$0x2] =	stream.linear.gather [hbm4b:s5+s3], $0x2800, $0x38;
	[tilespmem:$0x2D80] =	vst v63  }
0x44: {  	_ =	swait.ge [sflag:s9], $0x2800  }
0x45: {  	[sflag:s9] =	ssyncset.done $0x0  }
0x46: {  	[sflag:s9] =	ssyncadd.s32 $0xFFFFD800  }
0x47: {  	s16 =	simm.s32 $0x0;
	[bflag:$0x0] =	sbarrier.arrive $0xFFFF  }
0x48: {  	[spmem:s2] =	stream.indirect.scatter.add.f32 [tilespmem:s11], [sflag:$0x1], $0x1, s16, s10, $0xb8;
	[tilespmem:$0x2D80] =	vst v63  }
0x49: {  	s24 =	simm.s32 $0x80  }
0x4a: {  	[spmem:s2] =	stream.indirect.scatter.add.f32 [tilespmem:s11], [sflag:$0x1], $0x1, s24, s10, $0xb8;
	[tilespmem:$0x2D80] =	vst v63  }
0x4b: {  	s25 =	simm.s32 $0x100  }
0x4c: {  	[spmem:s2] =	stream.indirect.scatter.add.f32 [tilespmem:s11], [sflag:$0x1], $0x1, s25, s10, $0xb8;
	[tilespmem:$0x2D80] =	vst v63  }
0x4d: {  	s26 =	simm.s32 $0x180  }
0x4e: {  	[spmem:s2] =	stream.indirect.scatter.add.f32 [tilespmem:s11], [sflag:$0x1], $0x1, s26, s10, $0xb8;
	[tilespmem:$0x2D80] =	vst v63  }
0x4f: {  	s28 =	simm.s32 $0x200  }
0x50: {  	[spmem:s2] =	stream.indirect.scatter.add.f32 [tilespmem:s11], [sflag:$0x1], $0x1, s28, s10, $0xb8;
	[tilespmem:$0x2D80] =	vst v63  }
0x51: {  	s29 =	simm.s32 $0x280  }
0x52: {  	[spmem:s2] =	stream.indirect.scatter.add.f32 [tilespmem:s11], [sflag:$0x1], $0x1, s29, s10, $0xb8;
	[tilespmem:$0x2D80] =	vst v63  }
0x53: {  	s30 =	simm.s32 $0x300  }
0x54: {  	[spmem:s2] =	stream.indirect.scatter.add.f32 [tilespmem:s11], [sflag:$0x1], $0x1, s30, s10, $0xb8;
	[tilespmem:$0x2D80] =	vst v63  }
0x55: {  	s31 =	simm.s32 $0x380  }
0x56: {  	[spmem:s2] =	stream.indirect.scatter.add.f32 [tilespmem:s11], [sflag:$0x1], $0x1, s31, s10, $0xb8;
	[tilespmem:$0x2D80] =	vst v63  }
0x57: {  	_ =	swait.ge [sflag:s12], $0x7D  }
0x58: {  	[sflag:s12] =	ssyncset.done $0x0  }
0x59: {  	[sflag:s12] =	ssyncadd.s32 $0xFFFFFF83  }
0x5a: {  	_ =	swait.ge [sflag:s12], $0x7D  }
0x5b: {  	[sflag:s12] =	ssyncset.done $0x0  }
0x5c: {  	[sflag:s12] =	ssyncadd.s32 $0xFFFFFF83  }
0x5d: {  	_ =	swait.ge [sflag:s12], $0x7D  }
0x5e: {  	[sflag:s12] =	ssyncset.done $0x0  }
0x5f: {  	[sflag:s12] =	ssyncadd.s32 $0xFFFFFF83  }
0x60: {  	_ =	swait.ge [sflag:s12], $0x7D  }
0x61: {  	[sflag:s12] =	ssyncset.done $0x0  }
0x62: {  	[sflag:s12] =	ssyncadd.s32 $0xFFFFFF83  }
0x63: {  	_ =	swait.ge [sflag:s12], $0x7D  }
0x64: {  	[sflag:s12] =	ssyncset.done $0x0  }
0x65: {  	[sflag:s12] =	ssyncadd.s32 $0xFFFFFF83  }
0x66: {  	_ =	swait.ge [sflag:s12], $0x7D  }
0x67: {  	[sflag:s12] =	ssyncset.done $0x0  }
0x68: {  	[sflag:s12] =	ssyncadd.s32 $0xFFFFFF83  }
0x69: {  	_ =	swait.ge [sflag:s12], $0x7D  }
0x6a: {  	[sflag:s12] =	ssyncset.done $0x0  }
0x6b: {  	[sflag:s12] =	ssyncadd.s32 $0xFFFFFF83  }
0x6c: {  	_ =	swait.ge [sflag:s12], $0x7D  }
0x6d: {  	s18 =	simm.s32 $0x2000;
	s16 =	simm.s32 $0x1000;
	[sflag:s12] =	ssyncset.done $0x0  }
.LBB2_2:
0x6e: {  	s19 =	sshra.s32 s16, $0x2  }
0x6f: {  	[sflag:s12] =	ssyncadd.s32 $0xFFFFFF83;
	s16 =	smov.u32 s18;
	s17 =	sadd.s32 $0x1000, s18  }
0x70: {  	[spmem:s2] =	stream.indirect.scatter.add.f32 [tilespmem:s11], [sflag:$0x1], $0x1, s19, s10, $0xb8;
	[tilespmem:$0x2D80] =	vst v63  }
0x71: {  	p0 =	sne.s32 s18, $0x9000;
	s18 =	sadd.s32 $0x80, s19  }
0x72: {  	[spmem:s2] =	stream.indirect.scatter.add.f32 [tilespmem:s11], [sflag:$0x1], $0x1, s18, s10, $0xb8;
	[tilespmem:$0x2D80] =	vst v63  }
0x73: {  	s18 =	sadd.s32 $0x100, s19  }
0x74: {  	[spmem:s2] =	stream.indirect.scatter.add.f32 [tilespmem:s11], [sflag:$0x1], $0x1, s18, s10, $0xb8;
	[tilespmem:$0x2D80] =	vst v63  }
0x75: {  	s18 =	sadd.s32 $0x180, s19  }
0x76: {  	[spmem:s2] =	stream.indirect.scatter.add.f32 [tilespmem:s11], [sflag:$0x1], $0x1, s18, s10, $0xb8;
	[tilespmem:$0x2D80] =	vst v63  }
0x77: {  	s18 =	sadd.s32 $0x200, s19  }
0x78: {  	[spmem:s2] =	stream.indirect.scatter.add.f32 [tilespmem:s11], [sflag:$0x1], $0x1, s18, s10, $0xb8;
	[tilespmem:$0x2D80] =	vst v63  }
0x79: {  	s18 =	sadd.s32 $0x280, s19  }
0x7a: {  	[spmem:s2] =	stream.indirect.scatter.add.f32 [tilespmem:s11], [sflag:$0x1], $0x1, s18, s10, $0xb8;
	[tilespmem:$0x2D80] =	vst v63  }
0x7b: {  	s18 =	sadd.s32 $0x300, s19  }
0x7c: {  	[spmem:s2] =	stream.indirect.scatter.add.f32 [tilespmem:s11], [sflag:$0x1], $0x1, s18, s10, $0xb8;
	[tilespmem:$0x2D80] =	vst v63  }
0x7d: {  	s18 =	sadd.s32 $0x380, s19  }
0x7e: {  	[spmem:s2] =	stream.indirect.scatter.add.f32 [tilespmem:s11], [sflag:$0x1], $0x1, s18, s10, $0xb8;
	[tilespmem:$0x2D80] =	vst v63  }
0x7f: {  	_ =	swait.ge [sflag:s12], $0x7D  }
0x80: {  	[sflag:s12] =	ssyncset.done $0x0  }
0x81: {  	[sflag:s12] =	ssyncadd.s32 $0xFFFFFF83  }
0x82: {  	_ =	swait.ge [sflag:s12], $0x7D  }
0x83: {  	[sflag:s12] =	ssyncset.done $0x0  }
0x84: {  	[sflag:s12] =	ssyncadd.s32 $0xFFFFFF83  }
0x85: {  	_ =	swait.ge [sflag:s12], $0x7D  }
0x86: {  	[sflag:s12] =	ssyncset.done $0x0  }
0x87: {  	[sflag:s12] =	ssyncadd.s32 $0xFFFFFF83  }
0x88: {  	_ =	swait.ge [sflag:s12], $0x7D  }
0x89: {  	[sflag:s12] =	ssyncset.done $0x0  }
0x8a: {  	[sflag:s12] =	ssyncadd.s32 $0xFFFFFF83  }
0x8b: {  	_ =	swait.ge [sflag:s12], $0x7D  }
0x8c: {  	[sflag:s12] =	ssyncset.done $0x0  }
0x8d: {  	[sflag:s12] =	ssyncadd.s32 $0xFFFFFF83  }
0x8e: {  	_ =	swait.ge [sflag:s12], $0x7D  }
0x8f: {  	[sflag:s12] =	ssyncset.done $0x0  }
0x90: {  	[sflag:s12] =	ssyncadd.s32 $0xFFFFFF83  }
.Ltmp0:
0x91: {  	_ =	swait.ge [sflag:s12], $0x7D;
	(pc) =	sbr.rel @p0 .LBB2_2-.Ltmp0, $4  }
0x92: {  	[sflag:s12] =	ssyncset.done $0x0  }
0x93: {  	[sflag:s12] =	ssyncadd.s32 $0xFFFFFF83  }
0x94: {  	_ =	swait.ge [sflag:s12], $0x7D  }
0x95: {  	s18 =	smov.u32 s17;
	[sflag:s12] =	ssyncset.done $0x0  }
0x96: {  	s16 =	sshra.s32 s16, $0x2;
	[sflag:s12] =	ssyncadd.s32 $0xFFFFFF83  }
0x97: {  	[spmem:s2] =	stream.indirect.scatter.add.f32 [tilespmem:s11], [sflag:$0x1], $0x1, s16, s10, $0xb8;
	[tilespmem:$0x2D80] =	vst v63  }
0x98: {  	s17 =	sadd.s32 $0x80, s16  }
0x99: {  	[spmem:s2] =	stream.indirect.scatter.add.f32 [tilespmem:s11], [sflag:$0x1], $0x1, s17, s10, $0xb8;
	[tilespmem:$0x2D80] =	vst v63  }
0x9a: {  	s26 =	sadd.s32 $0x100, s16  }
0x9b: {  	[spmem:s2] =	stream.indirect.scatter.add.f32 [tilespmem:s11], [sflag:$0x1], $0x1, s26, s10, $0xb8;
	[tilespmem:$0x2D80] =	vst v63  }
0x9c: {  	s28 =	sadd.s32 $0x180, s16  }
0x9d: {  	[spmem:s2] =	stream.indirect.scatter.add.f32 [tilespmem:s11], [sflag:$0x1], $0x1, s28, s10, $0xb8;
	[tilespmem:$0x2D80] =	vst v63  }
0x9e: {  	s29 =	sadd.s32 $0x200, s16  }
0x9f: {  	[spmem:s2] =	stream.indirect.scatter.add.f32 [tilespmem:s11], [sflag:$0x1], $0x1, s29, s10, $0xb8;
	[tilespmem:$0x2D80] =	vst v63  }
0xa0: {  	s30 =	sadd.s32 $0x280, s16  }
0xa1: {  	[spmem:s2] =	stream.indirect.scatter.add.f32 [tilespmem:s11], [sflag:$0x1], $0x1, s30, s10, $0xb8;
	[tilespmem:$0x2D80] =	vst v63  }
0xa2: {  	s31 =	sadd.s32 $0x300, s16  }
0xa3: {  	[spmem:s2] =	stream.indirect.scatter.add.f32 [tilespmem:s11], [sflag:$0x1], $0x1, s31, s10, $0xb8;
	[tilespmem:$0x2D80] =	vst v63  }
0xa4: {  	s16 =	sadd.s32 $0x380, s16  }
0xa5: {  	[spmem:s2] =	stream.indirect.scatter.add.f32 [tilespmem:s11], [sflag:$0x1], $0x1, s16, s10, $0xb8;
	[tilespmem:$0x2D80] =	vst v63  }
0xa6: {  	_ =	swait.ge [sflag:s12], $0x7D  }
0xa7: {  	[sflag:s12] =	ssyncset.done $0x0  }
0xa8: {  	[sflag:s12] =	ssyncadd.s32 $0xFFFFFF83  }
0xa9: {  	_ =	swait.ge [sflag:s12], $0x7D  }
0xaa: {  	[sflag:s12] =	ssyncset.done $0x0  }
0xab: {  	[sflag:s12] =	ssyncadd.s32 $0xFFFFFF83  }
0xac: {  	_ =	swait.ge [sflag:s12], $0x7D  }
0xad: {  	[sflag:s12] =	ssyncset.done $0x0  }
0xae: {  	[sflag:s12] =	ssyncadd.s32 $0xFFFFFF83  }
0xaf: {  	_ =	swait.ge [sflag:s12], $0x7D  }
0xb0: {  	[sflag:s12] =	ssyncset.done $0x0  }
0xb1: {  	[sflag:s12] =	ssyncadd.s32 $0xFFFFFF83  }
0xb2: {  	_ =	swait.ge [sflag:s12], $0x7D  }
0xb3: {  	[sflag:s12] =	ssyncset.done $0x0  }
0xb4: {  	[sflag:s12] =	ssyncadd.s32 $0xFFFFFF83  }
0xb5: {  	_ =	swait.ge [sflag:s12], $0x7D  }
0xb6: {  	[sflag:s12] =	ssyncset.done $0x0  }
0xb7: {  	[sflag:s12] =	ssyncadd.s32 $0xFFFFFF83  }
0xb8: {  	_ =	swait.ge [sflag:s12], $0x7D  }
0xb9: {  	[sflag:s12] =	ssyncset.done $0x0  }
0xba: {  	[sflag:s12] =	ssyncadd.s32 $0xFFFFFF83  }
0xbb: {  	_ =	swait.ge [sflag:s12], $0x7D  }
0xbc: {  	s15 =	sadd.s32 $0x1, s15;
	[sflag:s12] =	ssyncset.done $0x0  }
0xbd: {  	p0 =	sne.s32 s15, s7;
	[sflag:s12] =	ssyncadd.s32 $0xFFFFFF83  }
.Ltmp1:
0xbe: {  	[bflag:$0x0] =	sbarrier.arrive $0xFFFF;
	(pc) =	sbr.rel @p0 .LBB2_1-.Ltmp1, $4  }
0xbf: {  	[hbm:s6], [sflag:s13] =	dma.local [spmem:s14], $0x50  }
0xc0: {  	_ =	swait.ge [sflag:s9], $0x50  }
0xc1: {  	[sflag:s9] =	ssyncset.done $0x0  }
0xc2: {  	[sflag:s9] =	ssyncadd.s32 $0xFFFFFFB0  }
0xc3: {  	_ =	sfence.sel $0x180000  }
0xc4: {  	[bflag:$0x0] =	sbarrier.arrive $0xFFFF  }
0xc5: {  	p0 =	sne.s32 s1, $0x0;
	_ =	strace $0x90000047  }
0xc6: {  	s0 =	sadd.s32 @!p0 $0x100000, s0;
	[bflag:$0x2] =	sbarrier.arrive $0xFFFF  }
0xc7: {  	[sflag:s0] =	ssyncadd.tile.s32 @!p0 $0x1;
	_ =	shalt  }
.Lfunc_end2:
_tile_overlayer_lowered:
.L_overlay_start_2:
0xc8: {  	(tag) =	ssettag $0x2  }
0xc9: {  	s0 =	rddreg [dreg:$0x0];
	s2 =	stileid.u32  }
0xca: {  	s1 =	rddreg [dreg:$0x1];
	p0 =	sne.s32 s2, $0x0  }
0xcb: {  	s3 =	rddreg [dreg:$0x2];
	[bflag:$0x3] =	sbarrier.arrive $0xFFFF;
	s2 =	simm.s32 @!p0 $0x1C02  }
0xcc: {  	[timem:s3], [sflag:s2] =	dma.local @!p0 [hbm:s0], s1  }
0xcd: {  	s0 =	simm.s32 @!p0 $0x2  }
0xce: {  	_ =	swait.ge @!p0 [sflag:s0], s1  }
0xcf: {  	s1 =	ssub.s32 @!p0 $0x0, s1;
	[sflag:s0] =	ssyncset.done @!p0 $0x0  }
0xd0: {  	[sflag:s0] =	ssyncadd.s32 @!p0 s1  }
0xd1: {  	[bflag:$0x3] =	sbarrier.arrive $0xFFFF  }
0xd2: {  	_ =	shalt  }

</sc_bundles>
